<compile_context>
chip_gen: v7x
topology: tpu7x:2x2x1
jax: 0.10.2.dev20260603
libtpu: 0.0.44.dev20260713+nightly
codegen_flags: <defaults>
</compile_context>

<pallas_src>
import jax
import jax.numpy as jnp
from jax import lax
from jax.experimental import pallas as pl
from jax.experimental.pallas import tpu as pltpu
from jax.experimental.pallas import tpu_sc as plsc

N = 10000
E = 320000
D = 128
H = 4

NC = 2
NS = 16
NW = NC * NS
CH = 128
TR = E // CH
RPW = 80


def _worker_rows(wid):
    nch = jnp.where(wid == NW - 1, TR - (NW - 1) * RPW, RPW)
    return wid * RPW, nch


def _ei_chunk(ei_hbm, row):
    return ei_hbm.at[pl.ds(0, 2), pl.ds(row * CH, CH)]


def _deg_body(ei_hbm, ones_hbm, zeros_hbm, out_hbm,
              deg_sp, ring, onesv, zv, isems, dsems):
    c = lax.axis_index("c")
    s = lax.axis_index("s")
    wid = c * NS + s
    base, nch = _worker_rows(wid)
    pltpu.sync_copy(ones_hbm, onesv)
    @pl.when(s < 10)
    def _():
        pltpu.sync_copy(zeros_hbm, zv)
        pltpu.sync_copy(zv, deg_sp.at[pl.ds(s * 1000, 1000)])
    plsc.subcore_barrier()

    nsl = nch // 5

    def _slot(t):
        return ei_hbm.at[pl.ds(0, 2), pl.ds((base + t * 5) * CH, 5 * CH)]

    for r in range(2):
        pltpu.async_copy(_slot(r), ring[r], isems[r])

    def body(g, carry):
        for u in range(4):
            t = g * 4 + u
            pltpu.make_async_copy(_slot(t), ring[u], isems[u]).wait()
            for k in range(5):
                @pl.when(t >= 1)
                def _():
                    pltpu.make_async_copy(
                        onesv, deg_sp.at[ring[0].at[1, pl.ds(0, CH)]],
                        dsems[k]).wait()
                pltpu.async_copy(onesv,
                                 deg_sp.at[ring[u].at[1, pl.ds(k * CH, CH)]],
                                 dsems[k], add=True)

            @pl.when(t + 2 < nsl)
            def _():
                pltpu.async_copy(_slot(t + 2), ring[(u + 2) % 4],
                                 isems[(u + 2) % 4])
        return carry

    lax.fori_loop(0, nsl // 4, body, 0)
    for k in range(5):
        pltpu.make_async_copy(onesv,
                              deg_sp.at[ring[0].at[1, pl.ds(0, CH)]],
                              dsems[k]).wait()
    plsc.subcore_barrier()

    @pl.when(s < 10)
    def _():
        pltpu.sync_copy(deg_sp.at[pl.ds(s * 1000, 1000)], zv)
        pltpu.sync_copy(zv, out_hbm.at[c, s])


def _agg_body(y_hbm, ei_hbm, zeros_hbm, out_hbm,
              agg_sp, sring, bufs, isems, gsems, ssems):
    c = lax.axis_index("c")
    s = lax.axis_index("s")
    wid = c * NS + s
    base, nch = _worker_rows(wid)
    pltpu.sync_copy(zeros_hbm, bufs[0])

    @pl.when(s < 15)
    def _():
        for k in range(5):
            pltpu.sync_copy(bufs[0],
                            agg_sp.at[pl.ds(s * 640 + k * 128, 128)])

    @pl.when(s == 15)
    def _():
        for k in range(3):
            pltpu.sync_copy(bufs[0],
                            agg_sp.at[pl.ds(9600 + k * 128, 128)])
        pltpu.sync_copy(bufs[0].at[pl.ds(0, 16)],
                        agg_sp.at[pl.ds(9984, 16)])
    plsc.subcore_barrier()

    for r in range(3):
        pltpu.async_copy(_ei_chunk(ei_hbm, base + r), sring[r], isems[r])
    pltpu.make_async_copy(_ei_chunk(ei_hbm, base), sring[0], isems[0]).wait()
    pltpu.async_copy(y_hbm.at[sring[0].at[0]], bufs[0], gsems[0])

    def group(g, carry):
        for u in range(4):
            j = g * 4 + u
            rn = (u + 1) % 4
            bn = (u + 1) % 2

            @pl.when(j + 1 < nch)
            def _():
                @pl.when(j >= 1)
                def _():
                    pltpu.make_async_copy(bufs[bn],
                                          agg_sp.at[sring[0].at[1]],
                                          ssems[bn]).wait()
                pltpu.make_async_copy(_ei_chunk(ei_hbm, base), sring[rn],
                                      isems[rn]).wait()
                pltpu.async_copy(y_hbm.at[sring[rn].at[0]], bufs[bn],
                                 gsems[bn])

            @pl.when(j + 3 < nch)
            def _():
                pltpu.async_copy(_ei_chunk(ei_hbm, base + j + 3),
                                 sring[(u + 3) % 4], isems[(u + 3) % 4])

            pltpu.make_async_copy(y_hbm.at[sring[u].at[0]], bufs[u % 2],
                                  gsems[u % 2]).wait()
            pltpu.async_copy(bufs[u % 2], agg_sp.at[sring[u].at[1]],
                             ssems[u % 2], add=True)
        return carry

    lax.fori_loop(0, nch // 4, group, 0)
    for b in range(2):
        pltpu.make_async_copy(bufs[b], agg_sp.at[sring[0].at[1]],
                              ssems[b]).wait()
    plsc.subcore_barrier()

    @pl.when(s < 15)
    def _():
        pltpu.sync_copy(agg_sp.at[pl.ds(s * 640, 640)],
                        out_hbm.at[c, pl.ds(s * 640, 640)])

    @pl.when(s == 15)
    def _():
        pltpu.sync_copy(agg_sp.at[pl.ds(9600, 400)],
                        out_hbm.at[c, pl.ds(9600, 400)])


def _scale_body(x_ref, dp_ref, y_ref, dis_ref):
    i = pl.program_id(0)
    deg = (dp_ref[0, pl.ds(i, 1), :] + dp_ref[1, pl.ds(i, 1), :]
           + 1.0)
    dis = lax.rsqrt(deg)
    y_ref[...] = x_ref[...] * jnp.transpose(dis, (1, 0))
    dis_ref[pl.ds(i, 1), :] = dis


def _head_body(ap_ref, y_ref, dis_ref, w_ref, b_ref, o_ref):
    i = pl.program_id(0)
    dis = jnp.transpose(dis_ref[pl.ds(i, 1), :], (1, 0))
    agg = (ap_ref[0] + ap_ref[1] + y_ref[...]) * dis
    for h in range(H):
        o_ref[h] = (
            jnp.dot(agg, w_ref[h], preferred_element_type=jnp.float32)
            + b_ref[h][None, :]
        )


def _sc_mesh():
    return plsc.VectorSubcoreMesh(core_axis_name="c", subcore_axis_name="s")


@jax.jit
def kernel(x, edge_index, W, b):
    deg_part = pl.kernel(
        _deg_body,
        out_type=jax.ShapeDtypeStruct((NC, 10, 1000), jnp.float32),
        mesh=_sc_mesh(),
        scratch_types=[
            pltpu.VMEM_SHARED((N,), jnp.float32),
            [pltpu.VMEM((2, 5 * CH), jnp.int32) for _ in range(4)],
            pltpu.VMEM((CH,), jnp.float32),
            pltpu.VMEM((1000,), jnp.float32),
            [pltpu.SemaphoreType.DMA for _ in range(4)],
            [pltpu.SemaphoreType.DMA for _ in range(5)],
        ],
    )(edge_index, jnp.ones((CH,), jnp.float32),
      jnp.zeros((1000,), jnp.float32))

    bm = 1000
    y, dis = pl.pallas_call(
        _scale_body,
        grid=(N // bm,),
        in_specs=[
            pl.BlockSpec((bm, D), lambda i: (i, 0)),
            pl.BlockSpec((NC, 10, bm), lambda i: (0, 0, 0)),
        ],
        out_specs=(
            pl.BlockSpec((bm, D), lambda i: (i, 0)),
            pl.BlockSpec((10, bm), lambda i: (0, 0)),
        ),
        out_shape=(
            jax.ShapeDtypeStruct((N, D), jnp.float32),
            jax.ShapeDtypeStruct((10, bm), jnp.float32),
        ),
    )(x, deg_part)

    agg_part = pl.kernel(
        _agg_body,
        out_type=jax.ShapeDtypeStruct((NC, N, D), jnp.float32),
        mesh=_sc_mesh(),
        scratch_types=[
            pltpu.VMEM_SHARED((N, D), jnp.float32),
            [pltpu.VMEM((2, CH), jnp.int32) for _ in range(4)],
            [pltpu.VMEM((CH, D), jnp.float32) for _ in range(2)],
            [pltpu.SemaphoreType.DMA for _ in range(4)],
            [pltpu.SemaphoreType.DMA for _ in range(2)],
            [pltpu.SemaphoreType.DMA for _ in range(2)],
        ],
    )(y, edge_index, jnp.zeros((CH, D), jnp.float32))

    out4 = pl.pallas_call(
        _head_body,
        grid=(N // bm,),
        in_specs=[
            pl.BlockSpec((NC, bm, D), lambda i: (0, i, 0)),
            pl.BlockSpec((bm, D), lambda i: (i, 0)),
            pl.BlockSpec((10, bm), lambda i: (0, 0)),
            pl.BlockSpec((H, D, D), lambda i: (0, 0, 0)),
            pl.BlockSpec((H, D), lambda i: (0, 0)),
        ],
        out_specs=pl.BlockSpec((H, bm, D), lambda i: (0, i, 0)),
        out_shape=jax.ShapeDtypeStruct((H, N, D), jnp.float32),
    )(agg_part, y, dis, W, b)

    return jnp.transpose(out4, (1, 2, 0))

# --- scband reference (transcript-rebuilt; emitter-appended) ---
"""Pipeline reference for scband-multi-head-gconv-27539330301995 (READ-ONLY COPY).

The authoritative reference and input builder live on the scoring server;
editing this copy changes nothing except your own understanding.
"""

import jax, jax.numpy as jnp
import numpy as np

N = 10000
E = 320000
D = 128
H = 4


def setup_inputs(seed: int = 0) -> dict:
    key = jax.random.key(seed)
    k1, k2, k3 = jax.random.split(key, 3)
    x = jax.random.normal(k1, (N, D), dtype=jnp.float32)
    edge_index = jax.random.randint(k2, (2, E), 0, N, dtype=jnp.int32)
    # Per-head GCNConv parameters: weight (in->out) and bias, one set per head
    wkeys = jax.random.split(k3, H)
    W = jnp.stack([
        jax.random.normal(wkeys[i], (D, D), dtype=jnp.float32) * (1.0 / np.sqrt(D))
        for i in range(H)
    ])
    b = jnp.zeros((H, D), dtype=jnp.float32)
    return {"x": x, "edge_index": edge_index, "W": W, "b": b}


def _gcn_conv(x, src, dst, W_h, b_h):
    # GCNConv (PyG semantics): h = x @ W; symmetric normalization with self-loops;
    # aggregate messages from src -> dst via scatter-add.
    h = x @ W_h
    ones = jnp.ones(src.shape[0], dtype=x.dtype)
    deg = jax.ops.segment_sum(ones, dst, num_segments=N)
    deg_inv_sqrt = jnp.where(deg > 0, deg ** -0.5, 0.0)
    norm = deg_inv_sqrt[src] * deg_inv_sqrt[dst]
    msg = h[src] * norm[:, None]
    out = jax.ops.segment_sum(msg, dst, num_segments=N)
    return out + b_h


def reference(x, edge_index, W, b):
    # add self-loops (GCNConv default add_self_loops=True)
    loop = jnp.arange(N, dtype=edge_index.dtype)
    src = jnp.concatenate([edge_index[0], loop])
    dst = jnp.concatenate([edge_index[1], loop])
    out_list = [_gcn_conv(x, src, dst, W[i], b[i]) for i in range(H)]
    # rearrange 'H N D -> N D H' (mode='stack')
    out = jnp.stack(out_list, axis=-1)
    return out

if __name__ == "__main__":
    import jax
    _d = setup_inputs()
    print(jax.jit(kernel)(*tuple(_d.values())))

</pallas_src>

<mosaic_0001>
#map = affine_map<(d0, d1) -> (0, 0)>
#map1 = affine_map<(d0, d1) -> (0, 0, 0)>
module attributes {stable_mosaic.version = 14 : i64} {
  func.func @_agg_body(%arg0: i32, %arg1: i32, %arg2: memref<10000x128xf32, #tpu.memory_space<hbm>>, %arg3: memref<2x320000xi32, #tpu.memory_space<hbm>>, %arg4: memref<128x128xf32, #tpu.memory_space<hbm>>, %arg5: memref<2x10000x128xf32, #tpu.memory_space<hbm>>, %arg6: memref<10000x128xf32, #tpu.memory_space<vmem_shared>>, %arg7: memref<2x128xi32, #tpu.memory_space<vmem>>, %arg8: memref<2x128xi32, #tpu.memory_space<vmem>>, %arg9: memref<2x128xi32, #tpu.memory_space<vmem>>, %arg10: memref<2x128xi32, #tpu.memory_space<vmem>>, %arg11: memref<128x128xf32, #tpu.memory_space<vmem>>, %arg12: memref<128x128xf32, #tpu.memory_space<vmem>>, %arg13: memref<!tpu.dma_semaphore, #tpu.memory_space<semaphore_mem>>, %arg14: memref<!tpu.dma_semaphore, #tpu.memory_space<semaphore_mem>>, %arg15: memref<!tpu.dma_semaphore, #tpu.memory_space<semaphore_mem>>, %arg16: memref<!tpu.dma_semaphore, #tpu.memory_space<semaphore_mem>>, %arg17: memref<!tpu.dma_semaphore, #tpu.memory_space<semaphore_mem>>, %arg18: memref<!tpu.dma_semaphore, #tpu.memory_space<semaphore_mem>>, %arg19: memref<!tpu.dma_semaphore, #tpu.memory_space<semaphore_mem>>, %arg20: memref<!tpu.dma_semaphore, #tpu.memory_space<semaphore_mem>>) attributes {dimension_semantics = [#tpu.dimension_semantics<core_parallel>, #tpu.dimension_semantics<subcore_parallel>], iteration_bounds = array<i64: 2, 16>, scalar_prefetch = 0 : i64, scratch_operands = 15 : i64, tpu.core_type = #tpu.core_type<sc_vector_subcore>, window_params = [{transform_indices = #map}, {transform_indices = #map}, {transform_indices = #map}, {transform_indices = #map1}]} {
    %mul3A = arith.constant 16 : i32
    %mul3A_0 = arith.muli %arg0, %mul3A : i32
    %add3A = arith.addi %mul3A_0, %arg1 : i32
    %eq3A = arith.constant 31 : i32
    %eq3A_1 = arith.cmpi eq, %add3A, %eq3A : i32
    %jit3A = arith.constant 20 : i32
    %jit3A_2 = arith.constant 80 : i32
    %select_n3A = arith.select %eq3A_1, %jit3A, %jit3A_2 : i32
    %mul3A_3 = arith.constant 80 : i32
    %mul3A_4 = arith.muli %add3A, %mul3A_3 : i32
    "tpu.region"() ({
      %run_scoped3A = tpu.sem_alloc : memref<!tpu.dma_semaphore, #tpu.memory_space<semaphore_mem>>
      tpu.enqueue_dma source(%arg4 : memref<128x128xf32, #tpu.memory_space<hbm>>) target(%arg11 : memref<128x128xf32, #tpu.memory_space<vmem>>) target_semaphore(%run_scoped3A : memref<!tpu.dma_semaphore, #tpu.memory_space<semaphore_mem>>)
      tpu.wait_dma2 semaphore(%run_scoped3A : memref<!tpu.dma_semaphore, #tpu.memory_space<semaphore_mem>>) src(%arg4 : memref<128x128xf32, #tpu.memory_space<hbm>>) dst(%arg11 : memref<128x128xf32, #tpu.memory_space<vmem>>)
      tpu.yield
    }) : () -> ()
    %lt3A = arith.constant 15 : i32
    %lt3A_5 = arith.cmpi slt, %arg1, %lt3A : i32
    %convert_element_type3A = arith.extui %lt3A_5 : i1 to i32
    %cond3A = arith.constant 0 : i32
    %cond3A_6 = arith.cmpi ne, %convert_element_type3A, %cond3A : i32
    scf.if %cond3A_6 {
      %mul3A_99 = arith.constant 640 : i32
      %mul3A_100 = arith.muli %arg1, %mul3A_99 : i32
      %add3A_101 = arith.constant 0 : i32
      %add3A_102 = arith.addi %mul3A_100, %add3A_101 : i32
      "tpu.region"() ({
        %run_scoped3A = tpu.sem_alloc : memref<!tpu.dma_semaphore, #tpu.memory_space<semaphore_mem>>
        %dma_start3A_119 = arith.constant 0 : i32
        %dma_start3A_120 = tpu.memref_slice %arg6[%add3A_102, %dma_start3A_119] : memref<10000x128xf32, #tpu.memory_space<vmem_shared>> -> memref<128x128xf32, #tpu.memory_space<vmem_shared>>
        %dma_start3A_121 = arith.constant 0 : i32
        %dma_start3A_122 = tpu.memref_slice %arg6[%add3A_102, %dma_start3A_121] : memref<10000x128xf32, #tpu.memory_space<vmem_shared>> -> memref<128x128xf32, #tpu.memory_space<vmem_shared>>
        tpu.enqueue_dma source(%arg11 : memref<128x128xf32, #tpu.memory_space<vmem>>) target(%dma_start3A_122 : memref<128x128xf32, #tpu.memory_space<vmem_shared>>) target_semaphore(%run_scoped3A : memref<!tpu.dma_semaphore, #tpu.memory_space<semaphore_mem>>)
        %dma_wait3A_123 = arith.constant 0 : i32
        %dma_wait3A_124 = tpu.memref_slice %arg6[%add3A_102, %dma_wait3A_123] : memref<10000x128xf32, #tpu.memory_space<vmem_shared>> -> memref<128x128xf32, #tpu.memory_space<vmem_shared>>
        %dma_wait3A_125 = arith.constant 0 : i32
        %dma_wait3A_126 = tpu.memref_slice %arg6[%add3A_102, %dma_wait3A_125] : memref<10000x128xf32, #tpu.memory_space<vmem_shared>> -> memref<128x128xf32, #tpu.memory_space<vmem_shared>>
        tpu.wait_dma2 semaphore(%run_scoped3A : memref<!tpu.dma_semaphore, #tpu.memory_space<semaphore_mem>>) src(%arg11 : memref<128x128xf32, #tpu.memory_space<vmem>>) dst(%dma_wait3A_126 : memref<128x128xf32, #tpu.memory_space<vmem_shared>>)
        tpu.yield
      }) : () -> ()
      %mul3A_103 = arith.constant 640 : i32
      %mul3A_104 = arith.muli %arg1, %mul3A_103 : i32
      %add3A_105 = arith.constant 128 : i32
      %add3A_106 = arith.addi %mul3A_104, %add3A_105 : i32
      "tpu.region"() ({
        %run_scoped3A = tpu.sem_alloc : memref<!tpu.dma_semaphore, #tpu.memory_space<semaphore_mem>>
        %dma_start3A_119 = arith.constant 0 : i32
        %dma_start3A_120 = tpu.memref_slice %arg6[%add3A_106, %dma_start3A_119] : memref<10000x128xf32, #tpu.memory_space<vmem_shared>> -> memref<128x128xf32, #tpu.memory_space<vmem_shared>>
        %dma_start3A_121 = arith.constant 0 : i32
        %dma_start3A_122 = tpu.memref_slice %arg6[%add3A_106, %dma_start3A_121] : memref<10000x128xf32, #tpu.memory_space<vmem_shared>> -> memref<128x128xf32, #tpu.memory_space<vmem_shared>>
        tpu.enqueue_dma source(%arg11 : memref<128x128xf32, #tpu.memory_space<vmem>>) target(%dma_start3A_122 : memref<128x128xf32, #tpu.memory_space<vmem_shared>>) target_semaphore(%run_scoped3A : memref<!tpu.dma_semaphore, #tpu.memory_space<semaphore_mem>>)
        %dma_wait3A_123 = arith.constant 0 : i32
        %dma_wait3A_124 = tpu.memref_slice %arg6[%add3A_106, %dma_wait3A_123] : memref<10000x128xf32, #tpu.memory_space<vmem_shared>> -> memref<128x128xf32, #tpu.memory_space<vmem_shared>>
        %dma_wait3A_125 = arith.constant 0 : i32
        %dma_wait3A_126 = tpu.memref_slice %arg6[%add3A_106, %dma_wait3A_125] : memref<10000x128xf32, #tpu.memory_space<vmem_shared>> -> memref<128x128xf32, #tpu.memory_space<vmem_shared>>
        tpu.wait_dma2 semaphore(%run_scoped3A : memref<!tpu.dma_semaphore, #tpu.memory_space<semaphore_mem>>) src(%arg11 : memref<128x128xf32, #tpu.memory_space<vmem>>) dst(%dma_wait3A_126 : memref<128x128xf32, #tpu.memory_space<vmem_shared>>)
        tpu.yield
      }) : () -> ()
      %mul3A_107 = arith.constant 640 : i32
      %mul3A_108 = arith.muli %arg1, %mul3A_107 : i32
      %add3A_109 = arith.constant 256 : i32
      %add3A_110 = arith.addi %mul3A_108, %add3A_109 : i32
      "tpu.region"() ({
        %run_scoped3A = tpu.sem_alloc : memref<!tpu.dma_semaphore, #tpu.memory_space<semaphore_mem>>
        %dma_start3A_119 = arith.constant 0 : i32
        %dma_start3A_120 = tpu.memref_slice %arg6[%add3A_110, %dma_start3A_119] : memref<10000x128xf32, #tpu.memory_space<vmem_shared>> -> memref<128x128xf32, #tpu.memory_space<vmem_shared>>
        %dma_start3A_121 = arith.constant 0 : i32
        %dma_start3A_122 = tpu.memref_slice %arg6[%add3A_110, %dma_start3A_121] : memref<10000x128xf32, #tpu.memory_space<vmem_shared>> -> memref<128x128xf32, #tpu.memory_space<vmem_shared>>
        tpu.enqueue_dma source(%arg11 : memref<128x128xf32, #tpu.memory_space<vmem>>) target(%dma_start3A_122 : memref<128x128xf32, #tpu.memory_space<vmem_shared>>) target_semaphore(%run_scoped3A : memref<!tpu.dma_semaphore, #tpu.memory_space<semaphore_mem>>)
        %dma_wait3A_123 = arith.constant 0 : i32
        %dma_wait3A_124 = tpu.memref_slice %arg6[%add3A_110, %dma_wait3A_123] : memref<10000x128xf32, #tpu.memory_space<vmem_shared>> -> memref<128x128xf32, #tpu.memory_space<vmem_shared>>
        %dma_wait3A_125 = arith.constant 0 : i32
        %dma_wait3A_126 = tpu.memref_slice %arg6[%add3A_110, %dma_wait3A_125] : memref<10000x128xf32, #tpu.memory_space<vmem_shared>> -> memref<128x128xf32, #tpu.memory_space<vmem_shared>>
        tpu.wait_dma2 semaphore(%run_scoped3A : memref<!tpu.dma_semaphore, #tpu.memory_space<semaphore_mem>>) src(%arg11 : memref<128x128xf32, #tpu.memory_space<vmem>>) dst(%dma_wait3A_126 : memref<128x128xf32, #tpu.memory_space<vmem_shared>>)
        tpu.yield
      }) : () -> ()
      %mul3A_111 = arith.constant 640 : i32
      %mul3A_112 = arith.muli %arg1, %mul3A_111 : i32
      %add3A_113 = arith.constant 384 : i32
      %add3A_114 = arith.addi %mul3A_112, %add3A_113 : i32
      "tpu.region"() ({
        %run_scoped3A = tpu.sem_alloc : memref<!tpu.dma_semaphore, #tpu.memory_space<semaphore_mem>>
        %dma_start3A_119 = arith.constant 0 : i32
        %dma_start3A_120 = tpu.memref_slice %arg6[%add3A_114, %dma_start3A_119] : memref<10000x128xf32, #tpu.memory_space<vmem_shared>> -> memref<128x128xf32, #tpu.memory_space<vmem_shared>>
        %dma_start3A_121 = arith.constant 0 : i32
        %dma_start3A_122 = tpu.memref_slice %arg6[%add3A_114, %dma_start3A_121] : memref<10000x128xf32, #tpu.memory_space<vmem_shared>> -> memref<128x128xf32, #tpu.memory_space<vmem_shared>>
        tpu.enqueue_dma source(%arg11 : memref<128x128xf32, #tpu.memory_space<vmem>>) target(%dma_start3A_122 : memref<128x128xf32, #tpu.memory_space<vmem_shared>>) target_semaphore(%run_scoped3A : memref<!tpu.dma_semaphore, #tpu.memory_space<semaphore_mem>>)
        %dma_wait3A_123 = arith.constant 0 : i32
        %dma_wait3A_124 = tpu.memref_slice %arg6[%add3A_114, %dma_wait3A_123] : memref<10000x128xf32, #tpu.memory_space<vmem_shared>> -> memref<128x128xf32, #tpu.memory_space<vmem_shared>>
        %dma_wait3A_125 = arith.constant 0 : i32
        %dma_wait3A_126 = tpu.memref_slice %arg6[%add3A_114, %dma_wait3A_125] : memref<10000x128xf32, #tpu.memory_space<vmem_shared>> -> memref<128x128xf32, #tpu.memory_space<vmem_shared>>
        tpu.wait_dma2 semaphore(%run_scoped3A : memref<!tpu.dma_semaphore, #tpu.memory_space<semaphore_mem>>) src(%arg11 : memref<128x128xf32, #tpu.memory_space<vmem>>) dst(%dma_wait3A_126 : memref<128x128xf32, #tpu.memory_space<vmem_shared>>)
        tpu.yield
      }) : () -> ()
      %mul3A_115 = arith.constant 640 : i32
      %mul3A_116 = arith.muli %arg1, %mul3A_115 : i32
      %add3A_117 = arith.constant 512 : i32
      %add3A_118 = arith.addi %mul3A_116, %add3A_117 : i32
      "tpu.region"() ({
        %run_scoped3A = tpu.sem_alloc : memref<!tpu.dma_semaphore, #tpu.memory_space<semaphore_mem>>
        %dma_start3A_119 = arith.constant 0 : i32
        %dma_start3A_120 = tpu.memref_slice %arg6[%add3A_118, %dma_start3A_119] : memref<10000x128xf32, #tpu.memory_space<vmem_shared>> -> memref<128x128xf32, #tpu.memory_space<vmem_shared>>
        %dma_start3A_121 = arith.constant 0 : i32
        %dma_start3A_122 = tpu.memref_slice %arg6[%add3A_118, %dma_start3A_121] : memref<10000x128xf32, #tpu.memory_space<vmem_shared>> -> memref<128x128xf32, #tpu.memory_space<vmem_shared>>
        tpu.enqueue_dma source(%arg11 : memref<128x128xf32, #tpu.memory_space<vmem>>) target(%dma_start3A_122 : memref<128x128xf32, #tpu.memory_space<vmem_shared>>) target_semaphore(%run_scoped3A : memref<!tpu.dma_semaphore, #tpu.memory_space<semaphore_mem>>)
        %dma_wait3A_123 = arith.constant 0 : i32
        %dma_wait3A_124 = tpu.memref_slice %arg6[%add3A_118, %dma_wait3A_123] : memref<10000x128xf32, #tpu.memory_space<vmem_shared>> -> memref<128x128xf32, #tpu.memory_space<vmem_shared>>
        %dma_wait3A_125 = arith.constant 0 : i32
        %dma_wait3A_126 = tpu.memref_slice %arg6[%add3A_118, %dma_wait3A_125] : memref<10000x128xf32, #tpu.memory_space<vmem_shared>> -> memref<128x128xf32, #tpu.memory_space<vmem_shared>>
        tpu.wait_dma2 semaphore(%run_scoped3A : memref<!tpu.dma_semaphore, #tpu.memory_space<semaphore_mem>>) src(%arg11 : memref<128x128xf32, #tpu.memory_space<vmem>>) dst(%dma_wait3A_126 : memref<128x128xf32, #tpu.memory_space<vmem_shared>>)
        tpu.yield
      }) : () -> ()
    } else {
    }
    %eq3A_7 = arith.constant 15 : i32
    %eq3A_8 = arith.cmpi eq, %arg1, %eq3A_7 : i32
    %convert_element_type3A_9 = arith.extui %eq3A_8 : i1 to i32
    %cond3A_10 = arith.constant 0 : i32
    %cond3A_11 = arith.cmpi ne, %convert_element_type3A_9, %cond3A_10 : i32
    scf.if %cond3A_11 {
      "tpu.region"() ({
        %run_scoped3A = tpu.sem_alloc : memref<!tpu.dma_semaphore, #tpu.memory_space<semaphore_mem>>
        %dma_start3A_99 = arith.constant 9600 : i32
        %dma_start3A_100 = arith.constant 0 : i32
        %dma_start3A_101 = tpu.memref_slice %arg6[%dma_start3A_99, %dma_start3A_100] : memref<10000x128xf32, #tpu.memory_space<vmem_shared>> -> memref<128x128xf32, #tpu.memory_space<vmem_shared>>
        %dma_start3A_102 = arith.constant 9600 : i32
        %dma_start3A_103 = arith.constant 0 : i32
        %dma_start3A_104 = tpu.memref_slice %arg6[%dma_start3A_102, %dma_start3A_103] : memref<10000x128xf32, #tpu.memory_space<vmem_shared>> -> memref<128x128xf32, #tpu.memory_space<vmem_shared>>
        tpu.enqueue_dma source(%arg11 : memref<128x128xf32, #tpu.memory_space<vmem>>) target(%dma_start3A_104 : memref<128x128xf32, #tpu.memory_space<vmem_shared>>) target_semaphore(%run_scoped3A : memref<!tpu.dma_semaphore, #tpu.memory_space<semaphore_mem>>)
        %dma_wait3A_105 = arith.constant 9600 : i32
        %dma_wait3A_106 = arith.constant 0 : i32
        %dma_wait3A_107 = tpu.memref_slice %arg6[%dma_wait3A_105, %dma_wait3A_106] : memref<10000x128xf32, #tpu.memory_space<vmem_shared>> -> memref<128x128xf32, #tpu.memory_space<vmem_shared>>
        %dma_wait3A_108 = arith.constant 9600 : i32
        %dma_wait3A_109 = arith.constant 0 : i32
        %dma_wait3A_110 = tpu.memref_slice %arg6[%dma_wait3A_108, %dma_wait3A_109] : memref<10000x128xf32, #tpu.memory_space<vmem_shared>> -> memref<128x128xf32, #tpu.memory_space<vmem_shared>>
        tpu.wait_dma2 semaphore(%run_scoped3A : memref<!tpu.dma_semaphore, #tpu.memory_space<semaphore_mem>>) src(%arg11 : memref<128x128xf32, #tpu.memory_space<vmem>>) dst(%dma_wait3A_110 : memref<128x128xf32, #tpu.memory_space<vmem_shared>>)
        tpu.yield
      }) : () -> ()
      "tpu.region"() ({
        %run_scoped3A = tpu.sem_alloc : memref<!tpu.dma_semaphore, #tpu.memory_space<semaphore_mem>>
        %dma_start3A_99 = arith.constant 9728 : i32
        %dma_start3A_100 = arith.constant 0 : i32
        %dma_start3A_101 = tpu.memref_slice %arg6[%dma_start3A_99, %dma_start3A_100] : memref<10000x128xf32, #tpu.memory_space<vmem_shared>> -> memref<128x128xf32, #tpu.memory_space<vmem_shared>>
        %dma_start3A_102 = arith.constant 9728 : i32
        %dma_start3A_103 = arith.constant 0 : i32
        %dma_start3A_104 = tpu.memref_slice %arg6[%dma_start3A_102, %dma_start3A_103] : memref<10000x128xf32, #tpu.memory_space<vmem_shared>> -> memref<128x128xf32, #tpu.memory_space<vmem_shared>>
        tpu.enqueue_dma source(%arg11 : memref<128x128xf32, #tpu.memory_space<vmem>>) target(%dma_start3A_104 : memref<128x128xf32, #tpu.memory_space<vmem_shared>>) target_semaphore(%run_scoped3A : memref<!tpu.dma_semaphore, #tpu.memory_space<semaphore_mem>>)
        %dma_wait3A_105 = arith.constant 9728 : i32
        %dma_wait3A_106 = arith.constant 0 : i32
        %dma_wait3A_107 = tpu.memref_slice %arg6[%dma_wait3A_105, %dma_wait3A_106] : memref<10000x128xf32, #tpu.memory_space<vmem_shared>> -> memref<128x128xf32, #tpu.memory_space<vmem_shared>>
        %dma_wait3A_108 = arith.constant 9728 : i32
        %dma_wait3A_109 = arith.constant 0 : i32
        %dma_wait3A_110 = tpu.memref_slice %arg6[%dma_wait3A_108, %dma_wait3A_109] : memref<10000x128xf32, #tpu.memory_space<vmem_shared>> -> memref<128x128xf32, #tpu.memory_space<vmem_shared>>
        tpu.wait_dma2 semaphore(%run_scoped3A : memref<!tpu.dma_semaphore, #tpu.memory_space<semaphore_mem>>) src(%arg11 : memref<128x128xf32, #tpu.memory_space<vmem>>) dst(%dma_wait3A_110 : memref<128x128xf32, #tpu.memory_space<vmem_shared>>)
        tpu.yield
      }) : () -> ()
      "tpu.region"() ({
        %run_scoped3A = tpu.sem_alloc : memref<!tpu.dma_semaphore, #tpu.memory_space<semaphore_mem>>
        %dma_start3A_99 = arith.constant 9856 : i32
        %dma_start3A_100 = arith.constant 0 : i32
        %dma_start3A_101 = tpu.memref_slice %arg6[%dma_start3A_99, %dma_start3A_100] : memref<10000x128xf32, #tpu.memory_space<vmem_shared>> -> memref<128x128xf32, #tpu.memory_space<vmem_shared>>
        %dma_start3A_102 = arith.constant 9856 : i32
        %dma_start3A_103 = arith.constant 0 : i32
        %dma_start3A_104 = tpu.memref_slice %arg6[%dma_start3A_102, %dma_start3A_103] : memref<10000x128xf32, #tpu.memory_space<vmem_shared>> -> memref<128x128xf32, #tpu.memory_space<vmem_shared>>
        tpu.enqueue_dma source(%arg11 : memref<128x128xf32, #tpu.memory_space<vmem>>) target(%dma_start3A_104 : memref<128x128xf32, #tpu.memory_space<vmem_shared>>) target_semaphore(%run_scoped3A : memref<!tpu.dma_semaphore, #tpu.memory_space<semaphore_mem>>)
        %dma_wait3A_105 = arith.constant 9856 : i32
        %dma_wait3A_106 = arith.constant 0 : i32
        %dma_wait3A_107 = tpu.memref_slice %arg6[%dma_wait3A_105, %dma_wait3A_106] : memref<10000x128xf32, #tpu.memory_space<vmem_shared>> -> memref<128x128xf32, #tpu.memory_space<vmem_shared>>
        %dma_wait3A_108 = arith.constant 9856 : i32
        %dma_wait3A_109 = arith.constant 0 : i32
        %dma_wait3A_110 = tpu.memref_slice %arg6[%dma_wait3A_108, %dma_wait3A_109] : memref<10000x128xf32, #tpu.memory_space<vmem_shared>> -> memref<128x128xf32, #tpu.memory_space<vmem_shared>>
        tpu.wait_dma2 semaphore(%run_scoped3A : memref<!tpu.dma_semaphore, #tpu.memory_space<semaphore_mem>>) src(%arg11 : memref<128x128xf32, #tpu.memory_space<vmem>>) dst(%dma_wait3A_110 : memref<128x128xf32, #tpu.memory_space<vmem_shared>>)
        tpu.yield
      }) : () -> ()
      "tpu.region"() ({
        %run_scoped3A = tpu.sem_alloc : memref<!tpu.dma_semaphore, #tpu.memory_space<semaphore_mem>>
        %dma_start3A_99 = arith.constant 0 : i32
        %dma_start3A_100 = arith.constant 0 : i32
        %dma_start3A_101 = tpu.memref_slice %arg11[%dma_start3A_99, %dma_start3A_100] : memref<128x128xf32, #tpu.memory_space<vmem>> -> memref<16x128xf32, #tpu.memory_space<vmem>>
        %dma_start3A_102 = arith.constant 9984 : i32
        %dma_start3A_103 = arith.constant 0 : i32
        %dma_start3A_104 = tpu.memref_slice %arg6[%dma_start3A_102, %dma_start3A_103] : memref<10000x128xf32, #tpu.memory_space<vmem_shared>> -> memref<16x128xf32, #tpu.memory_space<vmem_shared>>
        %dma_start3A_105 = arith.constant 9984 : i32
        %dma_start3A_106 = arith.constant 0 : i32
        %dma_start3A_107 = tpu.memref_slice %arg6[%dma_start3A_105, %dma_start3A_106] : memref<10000x128xf32, #tpu.memory_space<vmem_shared>> -> memref<16x128xf32, #tpu.memory_space<vmem_shared>>
        %dma_start3A_108 = arith.constant 0 : i32
        %dma_start3A_109 = arith.constant 0 : i32
        %dma_start3A_110 = tpu.memref_slice %arg11[%dma_start3A_108, %dma_start3A_109] : memref<128x128xf32, #tpu.memory_space<vmem>> -> memref<16x128xf32, #tpu.memory_space<vmem>>
        tpu.enqueue_dma source(%dma_start3A_110 : memref<16x128xf32, #tpu.memory_space<vmem>>) target(%dma_start3A_107 : memref<16x128xf32, #tpu.memory_space<vmem_shared>>) target_semaphore(%run_scoped3A : memref<!tpu.dma_semaphore, #tpu.memory_space<semaphore_mem>>)
        %dma_wait3A_111 = arith.constant 0 : i32
        %dma_wait3A_112 = arith.constant 0 : i32
        %dma_wait3A_113 = tpu.memref_slice %arg11[%dma_wait3A_111, %dma_wait3A_112] : memref<128x128xf32, #tpu.memory_space<vmem>> -> memref<16x128xf32, #tpu.memory_space<vmem>>
        %dma_wait3A_114 = arith.constant 9984 : i32
        %dma_wait3A_115 = arith.constant 0 : i32
        %dma_wait3A_116 = tpu.memref_slice %arg6[%dma_wait3A_114, %dma_wait3A_115] : memref<10000x128xf32, #tpu.memory_space<vmem_shared>> -> memref<16x128xf32, #tpu.memory_space<vmem_shared>>
        %dma_wait3A_117 = arith.constant 9984 : i32
        %dma_wait3A_118 = arith.constant 0 : i32
        %dma_wait3A_119 = tpu.memref_slice %arg6[%dma_wait3A_117, %dma_wait3A_118] : memref<10000x128xf32, #tpu.memory_space<vmem_shared>> -> memref<16x128xf32, #tpu.memory_space<vmem_shared>>
        %dma_wait3A_120 = arith.constant 0 : i32
        %dma_wait3A_121 = arith.constant 0 : i32
        %dma_wait3A_122 = tpu.memref_slice %arg11[%dma_wait3A_120, %dma_wait3A_121] : memref<128x128xf32, #tpu.memory_space<vmem>> -> memref<16x128xf32, #tpu.memory_space<vmem>>
        tpu.wait_dma2 semaphore(%run_scoped3A : memref<!tpu.dma_semaphore, #tpu.memory_space<semaphore_mem>>) src(%dma_wait3A_122 : memref<16x128xf32, #tpu.memory_space<vmem>>) dst(%dma_wait3A_119 : memref<16x128xf32, #tpu.memory_space<vmem_shared>>)
        tpu.yield
      }) : () -> ()
    } else {
    }
    %barrier3A = arith.constant 0 : index
    tpu.barrier barrier_id(%barrier3A)
    %add3A_12 = arith.constant 0 : i32
    %add3A_13 = arith.addi %mul3A_4, %add3A_12 : i32
    %mul3A_14 = arith.constant 128 : i32
    %mul3A_15 = arith.muli %add3A_13, %mul3A_14 : i32
    %dma_start3A = arith.constant 0 : i32
    %dma_start3A_16 = tpu.memref_slice %arg3[%dma_start3A, %mul3A_15] : memref<2x320000xi32, #tpu.memory_space<hbm>> -> memref<2x128xi32, #tpu.memory_space<hbm>>
    %dma_start3A_17 = arith.constant 0 : i32
    %dma_start3A_18 = tpu.memref_slice %arg3[%dma_start3A_17, %mul3A_15] : memref<2x320000xi32, #tpu.memory_space<hbm>> -> memref<2x128xi32, #tpu.memory_space<hbm>>
    tpu.enqueue_dma source(%dma_start3A_18 : memref<2x128xi32, #tpu.memory_space<hbm>>) target(%arg7 : memref<2x128xi32, #tpu.memory_space<vmem>>) target_semaphore(%arg13 : memref<!tpu.dma_semaphore, #tpu.memory_space<semaphore_mem>>)
    %add3A_19 = arith.constant 1 : i32
    %add3A_20 = arith.addi %mul3A_4, %add3A_19 : i32
    %mul3A_21 = arith.constant 128 : i32
    %mul3A_22 = arith.muli %add3A_20, %mul3A_21 : i32
    %dma_start3A_23 = arith.constant 0 : i32
    %dma_start3A_24 = tpu.memref_slice %arg3[%dma_start3A_23, %mul3A_22] : memref<2x320000xi32, #tpu.memory_space<hbm>> -> memref<2x128xi32, #tpu.memory_space<hbm>>
    %dma_start3A_25 = arith.constant 0 : i32
    %dma_start3A_26 = tpu.memref_slice %arg3[%dma_start3A_25, %mul3A_22] : memref<2x320000xi32, #tpu.memory_space<hbm>> -> memref<2x128xi32, #tpu.memory_space<hbm>>
    tpu.enqueue_dma source(%dma_start3A_26 : memref<2x128xi32, #tpu.memory_space<hbm>>) target(%arg8 : memref<2x128xi32, #tpu.memory_space<vmem>>) target_semaphore(%arg14 : memref<!tpu.dma_semaphore, #tpu.memory_space<semaphore_mem>>)
    %add3A_27 = arith.constant 2 : i32
    %add3A_28 = arith.addi %mul3A_4, %add3A_27 : i32
    %mul3A_29 = arith.constant 128 : i32
    %mul3A_30 = arith.muli %add3A_28, %mul3A_29 : i32
    %dma_start3A_31 = arith.constant 0 : i32
    %dma_start3A_32 = tpu.memref_slice %arg3[%dma_start3A_31, %mul3A_30] : memref<2x320000xi32, #tpu.memory_space<hbm>> -> memref<2x128xi32, #tpu.memory_space<hbm>>
    %dma_start3A_33 = arith.constant 0 : i32
    %dma_start3A_34 = tpu.memref_slice %arg3[%dma_start3A_33, %mul3A_30] : memref<2x320000xi32, #tpu.memory_space<hbm>> -> memref<2x128xi32, #tpu.memory_space<hbm>>
    tpu.enqueue_dma source(%dma_start3A_34 : memref<2x128xi32, #tpu.memory_space<hbm>>) target(%arg9 : memref<2x128xi32, #tpu.memory_space<vmem>>) target_semaphore(%arg15 : memref<!tpu.dma_semaphore, #tpu.memory_space<semaphore_mem>>)
    %mul3A_35 = arith.constant 128 : i32
    %mul3A_36 = arith.muli %mul3A_4, %mul3A_35 : i32
    %dma_wait3A = arith.constant 0 : i32
    %dma_wait3A_37 = tpu.memref_slice %arg3[%dma_wait3A, %mul3A_36] : memref<2x320000xi32, #tpu.memory_space<hbm>> -> memref<2x128xi32, #tpu.memory_space<hbm>>
    %dma_wait3A_38 = arith.constant 0 : i32
    %dma_wait3A_39 = tpu.memref_slice %arg3[%dma_wait3A_38, %mul3A_36] : memref<2x320000xi32, #tpu.memory_space<hbm>> -> memref<2x128xi32, #tpu.memory_space<hbm>>
    tpu.wait_dma2 semaphore(%arg13 : memref<!tpu.dma_semaphore, #tpu.memory_space<semaphore_mem>>) src(%dma_wait3A_39 : memref<2x128xi32, #tpu.memory_space<hbm>>) dst(%arg7 : memref<2x128xi32, #tpu.memory_space<vmem>>)
    %dma_start3A_40 = arith.constant 0 : i32
    %dma_start3A_41 = arith.constant 0 : i32
    %dma_start3A_42 = tpu.memref_slice %arg7[%dma_start3A_40, %dma_start3A_41] : memref<2x128xi32, #tpu.memory_space<vmem>> -> memref<1x128xi32, #tpu.memory_space<vmem>>
    %dma_start3A_43 = tpu.memref_squeeze %dma_start3A_42 : memref<1x128xi32, #tpu.memory_space<vmem>> -> memref<128xi32, #tpu.memory_space<vmem>>
    %dma_start3A_44 = arith.constant 0 : i32
    %dma_start3A_45 = arith.constant 0 : i32
    %dma_start3A_46 = tpu.memref_slice %arg2[%dma_start3A_44, %dma_start3A_45] : memref<10000x128xf32, #tpu.memory_space<hbm>> -> memref<10000x128xf32, #tpu.memory_space<hbm>>
    tpu.enqueue_indirect_dma source(%dma_start3A_46 : memref<10000x128xf32, #tpu.memory_space<hbm>>) target(%arg11 : memref<128x128xf32, #tpu.memory_space<vmem>>) offsets(%dma_start3A_43 : memref<128xi32, #tpu.memory_space<vmem>>) semaphore(%arg17 : memref<!tpu.dma_semaphore, #tpu.memory_space<semaphore_mem>>)
    %jit3A_47 = arith.constant 4 : i32
    %div3A = arith.divsi %select_n3A, %jit3A_47 : i32
    %sign3A = arith.constant 0 : i32
    %sign3A_48 = arith.cmpi sgt, %select_n3A, %sign3A : i32
    %sign3A_49 = arith.extui %sign3A_48 : i1 to i32
    %sign3A_50 = arith.constant 0 : i32
    %sign3A_51 = arith.cmpi slt, %select_n3A, %sign3A_50 : i32
    %sign3A_52 = arith.extui %sign3A_51 : i1 to i32
    %sign3A_53 = arith.subi %sign3A_49, %sign3A_52 : i32
    %sign3A_54 = arith.constant 0 : i32
    %sign3A_55 = arith.cmpi sgt, %jit3A_47, %sign3A_54 : i32
    %sign3A_56 = arith.extui %sign3A_55 : i1 to i32
    %sign3A_57 = arith.constant 0 : i32
    %sign3A_58 = arith.cmpi slt, %jit3A_47, %sign3A_57 : i32
    %sign3A_59 = arith.extui %sign3A_58 : i1 to i32
    %sign3A_60 = arith.subi %sign3A_56, %sign3A_59 : i32
    %ne3A = arith.cmpi ne, %sign3A_53, %sign3A_60 : i32
    %rem3A = arith.remsi %select_n3A, %jit3A_47 : i32
    %ne3A_61 = arith.constant 0 : i32
    %ne3A_62 = arith.cmpi ne, %rem3A, %ne3A_61 : i32
    %and3A = arith.andi %ne3A, %ne3A_62 : i1
    %sub3A = arith.constant 1 : i32
    %sub3A_63 = arith.subi %div3A, %sub3A : i32
    %select_n3A_64 = arith.select %and3A, %sub3A_63, %div3A : i32
    %while3A = arith.constant 0 : i32
    %while3A_65 = arith.constant 0 : i32
    %while3A_66 = arith.subi %select_n3A_64, %while3A_65 : i32
    %while3A_67 = arith.addi %while3A_65, %while3A_66 : i32
    %while3A_68 = arith.constant 1 : i32
    %while3A_69 = arith.divsi %while3A_66, %while3A_68 : i32
    %while3A_70 = arith.muli %while3A_69, %while3A_68 : i32
    %while3A_71 = arith.addi %while3A_65, %while3A_70 : i32
    %while3A_72 = arith.constant 1 : i32
    scf.for %while3A_99 = %while3A_65 to %while3A_71 step %while3A_72  : i32 {
      %mul3A_100 = arith.constant 4 : i32
      %mul3A_101 = arith.muli %while3A_99, %mul3A_100 : i32
      %add3A_102 = arith.constant 0 : i32
      %add3A_103 = arith.addi %mul3A_101, %add3A_102 : i32
      %add3A_104 = arith.constant 1 : i32
      %add3A_105 = arith.addi %add3A_103, %add3A_104 : i32
      %lt3A_106 = arith.cmpi slt, %add3A_105, %select_n3A : i32
      %convert_element_type3A_107 = arith.extui %lt3A_106 : i1 to i32
      %cond3A_108 = arith.constant 0 : i32
      %cond3A_109 = arith.cmpi ne, %convert_element_type3A_107, %cond3A_108 : i32
      scf.if %cond3A_109 {
        %ge3A = arith.constant 1 : i32
        %ge3A_220 = arith.cmpi sge, %add3A_103, %ge3A : i32
        %convert_element_type3A_221 = arith.extui %ge3A_220 : i1 to i32
        %cond3A_222 = arith.constant 0 : i32
        %cond3A_223 = arith.cmpi ne, %convert_element_type3A_221, %cond3A_222 : i32
        scf.if %cond3A_223 {
          %dma_wait3A_237 = arith.constant 1 : i32
          %dma_wait3A_238 = arith.constant 0 : i32
          %dma_wait3A_239 = tpu.memref_slice %arg7[%dma_wait3A_237, %dma_wait3A_238] : memref<2x128xi32, #tpu.memory_space<vmem>> -> memref<1x128xi32, #tpu.memory_space<vmem>>
          %dma_wait3A_240 = tpu.memref_squeeze %dma_wait3A_239 : memref<1x128xi32, #tpu.memory_space<vmem>> -> memref<128xi32, #tpu.memory_space<vmem>>
          %dma_wait3A_241 = arith.constant 0 : i32
          %dma_wait3A_242 = arith.constant 0 : i32
          %dma_wait3A_243 = tpu.memref_slice %arg6[%dma_wait3A_241, %dma_wait3A_242] : memref<10000x128xf32, #tpu.memory_space<vmem_shared>> -> memref<10000x128xf32, #tpu.memory_space<vmem_shared>>
          tpu.wait_indirect_dma semaphore(%arg20 : memref<!tpu.dma_semaphore, #tpu.memory_space<semaphore_mem>>) src(%arg12 : memref<128x128xf32, #tpu.memory_space<vmem>>) dst(%dma_wait3A_243 : memref<10000x128xf32, #tpu.memory_space<vmem_shared>>)
        } else {
        }
        %mul3A_224 = arith.constant 128 : i32
        %mul3A_225 = arith.muli %mul3A_4, %mul3A_224 : i32
        %dma_wait3A_226 = arith.constant 0 : i32
        %dma_wait3A_227 = tpu.memref_slice %arg3[%dma_wait3A_226, %mul3A_225] : memref<2x320000xi32, #tpu.memory_space<hbm>> -> memref<2x128xi32, #tpu.memory_space<hbm>>
        %dma_wait3A_228 = arith.constant 0 : i32
        %dma_wait3A_229 = tpu.memref_slice %arg3[%dma_wait3A_228, %mul3A_225] : memref<2x320000xi32, #tpu.memory_space<hbm>> -> memref<2x128xi32, #tpu.memory_space<hbm>>
        tpu.wait_dma2 semaphore(%arg14 : memref<!tpu.dma_semaphore, #tpu.memory_space<semaphore_mem>>) src(%dma_wait3A_229 : memref<2x128xi32, #tpu.memory_space<hbm>>) dst(%arg8 : memref<2x128xi32, #tpu.memory_space<vmem>>)
        %dma_start3A_230 = arith.constant 0 : i32
        %dma_start3A_231 = arith.constant 0 : i32
        %dma_start3A_232 = tpu.memref_slice %arg8[%dma_start3A_230, %dma_start3A_231] : memref<2x128xi32, #tpu.memory_space<vmem>> -> memref<1x128xi32, #tpu.memory_space<vmem>>
        %dma_start3A_233 = tpu.memref_squeeze %dma_start3A_232 : memref<1x128xi32, #tpu.memory_space<vmem>> -> memref<128xi32, #tpu.memory_space<vmem>>
        %dma_start3A_234 = arith.constant 0 : i32
        %dma_start3A_235 = arith.constant 0 : i32
        %dma_start3A_236 = tpu.memref_slice %arg2[%dma_start3A_234, %dma_start3A_235] : memref<10000x128xf32, #tpu.memory_space<hbm>> -> memref<10000x128xf32, #tpu.memory_space<hbm>>
        tpu.enqueue_indirect_dma source(%dma_start3A_236 : memref<10000x128xf32, #tpu.memory_space<hbm>>) target(%arg12 : memref<128x128xf32, #tpu.memory_space<vmem>>) offsets(%dma_start3A_233 : memref<128xi32, #tpu.memory_space<vmem>>) semaphore(%arg18 : memref<!tpu.dma_semaphore, #tpu.memory_space<semaphore_mem>>)
      } else {
      }
      %add3A_110 = arith.constant 3 : i32
      %add3A_111 = arith.addi %add3A_103, %add3A_110 : i32
      %lt3A_112 = arith.cmpi slt, %add3A_111, %select_n3A : i32
      %convert_element_type3A_113 = arith.extui %lt3A_112 : i1 to i32
      %cond3A_114 = arith.constant 0 : i32
      %cond3A_115 = arith.cmpi ne, %convert_element_type3A_113, %cond3A_114 : i32
      scf.if %cond3A_115 {
        %add3A_220 = arith.addi %mul3A_4, %add3A_103 : i32
        %add3A_221 = arith.constant 3 : i32
        %add3A_222 = arith.addi %add3A_220, %add3A_221 : i32
        %mul3A_223 = arith.constant 128 : i32
        %mul3A_224 = arith.muli %add3A_222, %mul3A_223 : i32
        %dma_start3A_225 = arith.constant 0 : i32
        %dma_start3A_226 = tpu.memref_slice %arg3[%dma_start3A_225, %mul3A_224] : memref<2x320000xi32, #tpu.memory_space<hbm>> -> memref<2x128xi32, #tpu.memory_space<hbm>>
        %dma_start3A_227 = arith.constant 0 : i32
        %dma_start3A_228 = tpu.memref_slice %arg3[%dma_start3A_227, %mul3A_224] : memref<2x320000xi32, #tpu.memory_space<hbm>> -> memref<2x128xi32, #tpu.memory_space<hbm>>
        tpu.enqueue_dma source(%dma_start3A_228 : memref<2x128xi32, #tpu.memory_space<hbm>>) target(%arg10 : memref<2x128xi32, #tpu.memory_space<vmem>>) target_semaphore(%arg16 : memref<!tpu.dma_semaphore, #tpu.memory_space<semaphore_mem>>)
      } else {
      }
      %dma_wait3A_116 = arith.constant 0 : i32
      %dma_wait3A_117 = arith.constant 0 : i32
      %dma_wait3A_118 = tpu.memref_slice %arg7[%dma_wait3A_116, %dma_wait3A_117] : memref<2x128xi32, #tpu.memory_space<vmem>> -> memref<1x128xi32, #tpu.memory_space<vmem>>
      %dma_wait3A_119 = tpu.memref_squeeze %dma_wait3A_118 : memref<1x128xi32, #tpu.memory_space<vmem>> -> memref<128xi32, #tpu.memory_space<vmem>>
      %dma_wait3A_120 = arith.constant 0 : i32
      %dma_wait3A_121 = arith.constant 0 : i32
      %dma_wait3A_122 = tpu.memref_slice %arg2[%dma_wait3A_120, %dma_wait3A_121] : memref<10000x128xf32, #tpu.memory_space<hbm>> -> memref<10000x128xf32, #tpu.memory_space<hbm>>
      tpu.wait_indirect_dma semaphore(%arg17 : memref<!tpu.dma_semaphore, #tpu.memory_space<semaphore_mem>>) src(%dma_wait3A_122 : memref<10000x128xf32, #tpu.memory_space<hbm>>) dst(%arg11 : memref<128x128xf32, #tpu.memory_space<vmem>>)
      %dma_start3A_123 = arith.constant 1 : i32
      %dma_start3A_124 = arith.constant 0 : i32
      %dma_start3A_125 = tpu.memref_slice %arg7[%dma_start3A_123, %dma_start3A_124] : memref<2x128xi32, #tpu.memory_space<vmem>> -> memref<1x128xi32, #tpu.memory_space<vmem>>
      %dma_start3A_126 = tpu.memref_squeeze %dma_start3A_125 : memref<1x128xi32, #tpu.memory_space<vmem>> -> memref<128xi32, #tpu.memory_space<vmem>>
      %dma_start3A_127 = arith.constant 0 : i32
      %dma_start3A_128 = arith.constant 0 : i32
      %dma_start3A_129 = tpu.memref_slice %arg6[%dma_start3A_127, %dma_start3A_128] : memref<10000x128xf32, #tpu.memory_space<vmem_shared>> -> memref<10000x128xf32, #tpu.memory_space<vmem_shared>>
      tpu.enqueue_indirect_dma source(%arg11 : memref<128x128xf32, #tpu.memory_space<vmem>>) target(%dma_start3A_129 : memref<10000x128xf32, #tpu.memory_space<vmem_shared>>) offsets(%dma_start3A_126 : memref<128xi32, #tpu.memory_space<vmem>>) semaphore(%arg19 : memref<!tpu.dma_semaphore, #tpu.memory_space<semaphore_mem>>) {add = true}
      %mul3A_130 = arith.constant 4 : i32
      %mul3A_131 = arith.muli %while3A_99, %mul3A_130 : i32
      %add3A_132 = arith.constant 1 : i32
      %add3A_133 = arith.addi %mul3A_131, %add3A_132 : i32
      %add3A_134 = arith.constant 1 : i32
      %add3A_135 = arith.addi %add3A_133, %add3A_134 : i32
      %lt3A_136 = arith.cmpi slt, %add3A_135, %select_n3A : i32
      %convert_element_type3A_137 = arith.extui %lt3A_136 : i1 to i32
      %cond3A_138 = arith.constant 0 : i32
      %cond3A_139 = arith.cmpi ne, %convert_element_type3A_137, %cond3A_138 : i32
      scf.if %cond3A_139 {
        %ge3A = arith.constant 1 : i32
        %ge3A_220 = arith.cmpi sge, %add3A_133, %ge3A : i32
        %convert_element_type3A_221 = arith.extui %ge3A_220 : i1 to i32
        %cond3A_222 = arith.constant 0 : i32
        %cond3A_223 = arith.cmpi ne, %convert_element_type3A_221, %cond3A_222 : i32
        scf.if %cond3A_223 {
          %dma_wait3A_237 = arith.constant 1 : i32
          %dma_wait3A_238 = arith.constant 0 : i32
          %dma_wait3A_239 = tpu.memref_slice %arg7[%dma_wait3A_237, %dma_wait3A_238] : memref<2x128xi32, #tpu.memory_space<vmem>> -> memref<1x128xi32, #tpu.memory_space<vmem>>
          %dma_wait3A_240 = tpu.memref_squeeze %dma_wait3A_239 : memref<1x128xi32, #tpu.memory_space<vmem>> -> memref<128xi32, #tpu.memory_space<vmem>>
          %dma_wait3A_241 = arith.constant 0 : i32
          %dma_wait3A_242 = arith.constant 0 : i32
          %dma_wait3A_243 = tpu.memref_slice %arg6[%dma_wait3A_241, %dma_wait3A_242] : memref<10000x128xf32, #tpu.memory_space<vmem_shared>> -> memref<10000x128xf32, #tpu.memory_space<vmem_shared>>
          tpu.wait_indirect_dma semaphore(%arg19 : memref<!tpu.dma_semaphore, #tpu.memory_space<semaphore_mem>>) src(%arg11 : memref<128x128xf32, #tpu.memory_space<vmem>>) dst(%dma_wait3A_243 : memref<10000x128xf32, #tpu.memory_space<vmem_shared>>)
        } else {
        }
        %mul3A_224 = arith.constant 128 : i32
        %mul3A_225 = arith.muli %mul3A_4, %mul3A_224 : i32
        %dma_wait3A_226 = arith.constant 0 : i32
        %dma_wait3A_227 = tpu.memref_slice %arg3[%dma_wait3A_226, %mul3A_225] : memref<2x320000xi32, #tpu.memory_space<hbm>> -> memref<2x128xi32, #tpu.memory_space<hbm>>
        %dma_wait3A_228 = arith.constant 0 : i32
        %dma_wait3A_229 = tpu.memref_slice %arg3[%dma_wait3A_228, %mul3A_225] : memref<2x320000xi32, #tpu.memory_space<hbm>> -> memref<2x128xi32, #tpu.memory_space<hbm>>
        tpu.wait_dma2 semaphore(%arg15 : memref<!tpu.dma_semaphore, #tpu.memory_space<semaphore_mem>>) src(%dma_wait3A_229 : memref<2x128xi32, #tpu.memory_space<hbm>>) dst(%arg9 : memref<2x128xi32, #tpu.memory_space<vmem>>)
        %dma_start3A_230 = arith.constant 0 : i32
        %dma_start3A_231 = arith.constant 0 : i32
        %dma_start3A_232 = tpu.memref_slice %arg9[%dma_start3A_230, %dma_start3A_231] : memref<2x128xi32, #tpu.memory_space<vmem>> -> memref<1x128xi32, #tpu.memory_space<vmem>>
        %dma_start3A_233 = tpu.memref_squeeze %dma_start3A_232 : memref<1x128xi32, #tpu.memory_space<vmem>> -> memref<128xi32, #tpu.memory_space<vmem>>
        %dma_start3A_234 = arith.constant 0 : i32
        %dma_start3A_235 = arith.constant 0 : i32
        %dma_start3A_236 = tpu.memref_slice %arg2[%dma_start3A_234, %dma_start3A_235] : memref<10000x128xf32, #tpu.memory_space<hbm>> -> memref<10000x128xf32, #tpu.memory_space<hbm>>
        tpu.enqueue_indirect_dma source(%dma_start3A_236 : memref<10000x128xf32, #tpu.memory_space<hbm>>) target(%arg11 : memref<128x128xf32, #tpu.memory_space<vmem>>) offsets(%dma_start3A_233 : memref<128xi32, #tpu.memory_space<vmem>>) semaphore(%arg17 : memref<!tpu.dma_semaphore, #tpu.memory_space<semaphore_mem>>)
      } else {
      }
      %add3A_140 = arith.constant 3 : i32
      %add3A_141 = arith.addi %add3A_133, %add3A_140 : i32
      %lt3A_142 = arith.cmpi slt, %add3A_141, %select_n3A : i32
      %convert_element_type3A_143 = arith.extui %lt3A_142 : i1 to i32
      %cond3A_144 = arith.constant 0 : i32
      %cond3A_145 = arith.cmpi ne, %convert_element_type3A_143, %cond3A_144 : i32
      scf.if %cond3A_145 {
        %add3A_220 = arith.addi %mul3A_4, %add3A_133 : i32
        %add3A_221 = arith.constant 3 : i32
        %add3A_222 = arith.addi %add3A_220, %add3A_221 : i32
        %mul3A_223 = arith.constant 128 : i32
        %mul3A_224 = arith.muli %add3A_222, %mul3A_223 : i32
        %dma_start3A_225 = arith.constant 0 : i32
        %dma_start3A_226 = tpu.memref_slice %arg3[%dma_start3A_225, %mul3A_224] : memref<2x320000xi32, #tpu.memory_space<hbm>> -> memref<2x128xi32, #tpu.memory_space<hbm>>
        %dma_start3A_227 = arith.constant 0 : i32
        %dma_start3A_228 = tpu.memref_slice %arg3[%dma_start3A_227, %mul3A_224] : memref<2x320000xi32, #tpu.memory_space<hbm>> -> memref<2x128xi32, #tpu.memory_space<hbm>>
        tpu.enqueue_dma source(%dma_start3A_228 : memref<2x128xi32, #tpu.memory_space<hbm>>) target(%arg7 : memref<2x128xi32, #tpu.memory_space<vmem>>) target_semaphore(%arg13 : memref<!tpu.dma_semaphore, #tpu.memory_space<semaphore_mem>>)
      } else {
      }
      %dma_wait3A_146 = arith.constant 0 : i32
      %dma_wait3A_147 = arith.constant 0 : i32
      %dma_wait3A_148 = tpu.memref_slice %arg8[%dma_wait3A_146, %dma_wait3A_147] : memref<2x128xi32, #tpu.memory_space<vmem>> -> memref<1x128xi32, #tpu.memory_space<vmem>>
      %dma_wait3A_149 = tpu.memref_squeeze %dma_wait3A_148 : memref<1x128xi32, #tpu.memory_space<vmem>> -> memref<128xi32, #tpu.memory_space<vmem>>
      %dma_wait3A_150 = arith.constant 0 : i32
      %dma_wait3A_151 = arith.constant 0 : i32
      %dma_wait3A_152 = tpu.memref_slice %arg2[%dma_wait3A_150, %dma_wait3A_151] : memref<10000x128xf32, #tpu.memory_space<hbm>> -> memref<10000x128xf32, #tpu.memory_space<hbm>>
      tpu.wait_indirect_dma semaphore(%arg18 : memref<!tpu.dma_semaphore, #tpu.memory_space<semaphore_mem>>) src(%dma_wait3A_152 : memref<10000x128xf32, #tpu.memory_space<hbm>>) dst(%arg12 : memref<128x128xf32, #tpu.memory_space<vmem>>)
      %dma_start3A_153 = arith.constant 1 : i32
      %dma_start3A_154 = arith.constant 0 : i32
      %dma_start3A_155 = tpu.memref_slice %arg8[%dma_start3A_153, %dma_start3A_154] : memref<2x128xi32, #tpu.memory_space<vmem>> -> memref<1x128xi32, #tpu.memory_space<vmem>>
      %dma_start3A_156 = tpu.memref_squeeze %dma_start3A_155 : memref<1x128xi32, #tpu.memory_space<vmem>> -> memref<128xi32, #tpu.memory_space<vmem>>
      %dma_start3A_157 = arith.constant 0 : i32
      %dma_start3A_158 = arith.constant 0 : i32
      %dma_start3A_159 = tpu.memref_slice %arg6[%dma_start3A_157, %dma_start3A_158] : memref<10000x128xf32, #tpu.memory_space<vmem_shared>> -> memref<10000x128xf32, #tpu.memory_space<vmem_shared>>
      tpu.enqueue_indirect_dma source(%arg12 : memref<128x128xf32, #tpu.memory_space<vmem>>) target(%dma_start3A_159 : memref<10000x128xf32, #tpu.memory_space<vmem_shared>>) offsets(%dma_start3A_156 : memref<128xi32, #tpu.memory_space<vmem>>) semaphore(%arg20 : memref<!tpu.dma_semaphore, #tpu.memory_space<semaphore_mem>>) {add = true}
      %mul3A_160 = arith.constant 4 : i32
      %mul3A_161 = arith.muli %while3A_99, %mul3A_160 : i32
      %add3A_162 = arith.constant 2 : i32
      %add3A_163 = arith.addi %mul3A_161, %add3A_162 : i32
      %add3A_164 = arith.constant 1 : i32
      %add3A_165 = arith.addi %add3A_163, %add3A_164 : i32
      %lt3A_166 = arith.cmpi slt, %add3A_165, %select_n3A : i32
      %convert_element_type3A_167 = arith.extui %lt3A_166 : i1 to i32
      %cond3A_168 = arith.constant 0 : i32
      %cond3A_169 = arith.cmpi ne, %convert_element_type3A_167, %cond3A_168 : i32
      scf.if %cond3A_169 {
        %ge3A = arith.constant 1 : i32
        %ge3A_220 = arith.cmpi sge, %add3A_163, %ge3A : i32
        %convert_element_type3A_221 = arith.extui %ge3A_220 : i1 to i32
        %cond3A_222 = arith.constant 0 : i32
        %cond3A_223 = arith.cmpi ne, %convert_element_type3A_221, %cond3A_222 : i32
        scf.if %cond3A_223 {
          %dma_wait3A_237 = arith.constant 1 : i32
          %dma_wait3A_238 = arith.constant 0 : i32
          %dma_wait3A_239 = tpu.memref_slice %arg7[%dma_wait3A_237, %dma_wait3A_238] : memref<2x128xi32, #tpu.memory_space<vmem>> -> memref<1x128xi32, #tpu.memory_space<vmem>>
          %dma_wait3A_240 = tpu.memref_squeeze %dma_wait3A_239 : memref<1x128xi32, #tpu.memory_space<vmem>> -> memref<128xi32, #tpu.memory_space<vmem>>
          %dma_wait3A_241 = arith.constant 0 : i32
          %dma_wait3A_242 = arith.constant 0 : i32
          %dma_wait3A_243 = tpu.memref_slice %arg6[%dma_wait3A_241, %dma_wait3A_242] : memref<10000x128xf32, #tpu.memory_space<vmem_shared>> -> memref<10000x128xf32, #tpu.memory_space<vmem_shared>>
          tpu.wait_indirect_dma semaphore(%arg20 : memref<!tpu.dma_semaphore, #tpu.memory_space<semaphore_mem>>) src(%arg12 : memref<128x128xf32, #tpu.memory_space<vmem>>) dst(%dma_wait3A_243 : memref<10000x128xf32, #tpu.memory_space<vmem_shared>>)
        } else {
        }
        %mul3A_224 = arith.constant 128 : i32
        %mul3A_225 = arith.muli %mul3A_4, %mul3A_224 : i32
        %dma_wait3A_226 = arith.constant 0 : i32
        %dma_wait3A_227 = tpu.memref_slice %arg3[%dma_wait3A_226, %mul3A_225] : memref<2x320000xi32, #tpu.memory_space<hbm>> -> memref<2x128xi32, #tpu.memory_space<hbm>>
        %dma_wait3A_228 = arith.constant 0 : i32
        %dma_wait3A_229 = tpu.memref_slice %arg3[%dma_wait3A_228, %mul3A_225] : memref<2x320000xi32, #tpu.memory_space<hbm>> -> memref<2x128xi32, #tpu.memory_space<hbm>>
        tpu.wait_dma2 semaphore(%arg16 : memref<!tpu.dma_semaphore, #tpu.memory_space<semaphore_mem>>) src(%dma_wait3A_229 : memref<2x128xi32, #tpu.memory_space<hbm>>) dst(%arg10 : memref<2x128xi32, #tpu.memory_space<vmem>>)
        %dma_start3A_230 = arith.constant 0 : i32
        %dma_start3A_231 = arith.constant 0 : i32
        %dma_start3A_232 = tpu.memref_slice %arg10[%dma_start3A_230, %dma_start3A_231] : memref<2x128xi32, #tpu.memory_space<vmem>> -> memref<1x128xi32, #tpu.memory_space<vmem>>
        %dma_start3A_233 = tpu.memref_squeeze %dma_start3A_232 : memref<1x128xi32, #tpu.memory_space<vmem>> -> memref<128xi32, #tpu.memory_space<vmem>>
        %dma_start3A_234 = arith.constant 0 : i32
        %dma_start3A_235 = arith.constant 0 : i32
        %dma_start3A_236 = tpu.memref_slice %arg2[%dma_start3A_234, %dma_start3A_235] : memref<10000x128xf32, #tpu.memory_space<hbm>> -> memref<10000x128xf32, #tpu.memory_space<hbm>>
        tpu.enqueue_indirect_dma source(%dma_start3A_236 : memref<10000x128xf32, #tpu.memory_space<hbm>>) target(%arg12 : memref<128x128xf32, #tpu.memory_space<vmem>>) offsets(%dma_start3A_233 : memref<128xi32, #tpu.memory_space<vmem>>) semaphore(%arg18 : memref<!tpu.dma_semaphore, #tpu.memory_space<semaphore_mem>>)
      } else {
      }
      %add3A_170 = arith.constant 3 : i32
      %add3A_171 = arith.addi %add3A_163, %add3A_170 : i32
      %lt3A_172 = arith.cmpi slt, %add3A_171, %select_n3A : i32
      %convert_element_type3A_173 = arith.extui %lt3A_172 : i1 to i32
      %cond3A_174 = arith.constant 0 : i32
      %cond3A_175 = arith.cmpi ne, %convert_element_type3A_173, %cond3A_174 : i32
      scf.if %cond3A_175 {
        %add3A_220 = arith.addi %mul3A_4, %add3A_163 : i32
        %add3A_221 = arith.constant 3 : i32
        %add3A_222 = arith.addi %add3A_220, %add3A_221 : i32
        %mul3A_223 = arith.constant 128 : i32
        %mul3A_224 = arith.muli %add3A_222, %mul3A_223 : i32
        %dma_start3A_225 = arith.constant 0 : i32
        %dma_start3A_226 = tpu.memref_slice %arg3[%dma_start3A_225, %mul3A_224] : memref<2x320000xi32, #tpu.memory_space<hbm>> -> memref<2x128xi32, #tpu.memory_space<hbm>>
        %dma_start3A_227 = arith.constant 0 : i32
        %dma_start3A_228 = tpu.memref_slice %arg3[%dma_start3A_227, %mul3A_224] : memref<2x320000xi32, #tpu.memory_space<hbm>> -> memref<2x128xi32, #tpu.memory_space<hbm>>
        tpu.enqueue_dma source(%dma_start3A_228 : memref<2x128xi32, #tpu.memory_space<hbm>>) target(%arg8 : memref<2x128xi32, #tpu.memory_space<vmem>>) target_semaphore(%arg14 : memref<!tpu.dma_semaphore, #tpu.memory_space<semaphore_mem>>)
      } else {
      }
      %dma_wait3A_176 = arith.constant 0 : i32
      %dma_wait3A_177 = arith.constant 0 : i32
      %dma_wait3A_178 = tpu.memref_slice %arg9[%dma_wait3A_176, %dma_wait3A_177] : memref<2x128xi32, #tpu.memory_space<vmem>> -> memref<1x128xi32, #tpu.memory_space<vmem>>
      %dma_wait3A_179 = tpu.memref_squeeze %dma_wait3A_178 : memref<1x128xi32, #tpu.memory_space<vmem>> -> memref<128xi32, #tpu.memory_space<vmem>>
      %dma_wait3A_180 = arith.constant 0 : i32
      %dma_wait3A_181 = arith.constant 0 : i32
      %dma_wait3A_182 = tpu.memref_slice %arg2[%dma_wait3A_180, %dma_wait3A_181] : memref<10000x128xf32, #tpu.memory_space<hbm>> -> memref<10000x128xf32, #tpu.memory_space<hbm>>
      tpu.wait_indirect_dma semaphore(%arg17 : memref<!tpu.dma_semaphore, #tpu.memory_space<semaphore_mem>>) src(%dma_wait3A_182 : memref<10000x128xf32, #tpu.memory_space<hbm>>) dst(%arg11 : memref<128x128xf32, #tpu.memory_space<vmem>>)
      %dma_start3A_183 = arith.constant 1 : i32
      %dma_start3A_184 = arith.constant 0 : i32
      %dma_start3A_185 = tpu.memref_slice %arg9[%dma_start3A_183, %dma_start3A_184] : memref<2x128xi32, #tpu.memory_space<vmem>> -> memref<1x128xi32, #tpu.memory_space<vmem>>
      %dma_start3A_186 = tpu.memref_squeeze %dma_start3A_185 : memref<1x128xi32, #tpu.memory_space<vmem>> -> memref<128xi32, #tpu.memory_space<vmem>>
      %dma_start3A_187 = arith.constant 0 : i32
      %dma_start3A_188 = arith.constant 0 : i32
      %dma_start3A_189 = tpu.memref_slice %arg6[%dma_start3A_187, %dma_start3A_188] : memref<10000x128xf32, #tpu.memory_space<vmem_shared>> -> memref<10000x128xf32, #tpu.memory_space<vmem_shared>>
      tpu.enqueue_indirect_dma source(%arg11 : memref<128x128xf32, #tpu.memory_space<vmem>>) target(%dma_start3A_189 : memref<10000x128xf32, #tpu.memory_space<vmem_shared>>) offsets(%dma_start3A_186 : memref<128xi32, #tpu.memory_space<vmem>>) semaphore(%arg19 : memref<!tpu.dma_semaphore, #tpu.memory_space<semaphore_mem>>) {add = true}
      %mul3A_190 = arith.constant 4 : i32
      %mul3A_191 = arith.muli %while3A_99, %mul3A_190 : i32
      %add3A_192 = arith.constant 3 : i32
      %add3A_193 = arith.addi %mul3A_191, %add3A_192 : i32
      %add3A_194 = arith.constant 1 : i32
      %add3A_195 = arith.addi %add3A_193, %add3A_194 : i32
      %lt3A_196 = arith.cmpi slt, %add3A_195, %select_n3A : i32
      %convert_element_type3A_197 = arith.extui %lt3A_196 : i1 to i32
      %cond3A_198 = arith.constant 0 : i32
      %cond3A_199 = arith.cmpi ne, %convert_element_type3A_197, %cond3A_198 : i32
      scf.if %cond3A_199 {
        %ge3A = arith.constant 1 : i32
        %ge3A_220 = arith.cmpi sge, %add3A_193, %ge3A : i32
        %convert_element_type3A_221 = arith.extui %ge3A_220 : i1 to i32
        %cond3A_222 = arith.constant 0 : i32
        %cond3A_223 = arith.cmpi ne, %convert_element_type3A_221, %cond3A_222 : i32
        scf.if %cond3A_223 {
          %dma_wait3A_237 = arith.constant 1 : i32
          %dma_wait3A_238 = arith.constant 0 : i32
          %dma_wait3A_239 = tpu.memref_slice %arg7[%dma_wait3A_237, %dma_wait3A_238] : memref<2x128xi32, #tpu.memory_space<vmem>> -> memref<1x128xi32, #tpu.memory_space<vmem>>
          %dma_wait3A_240 = tpu.memref_squeeze %dma_wait3A_239 : memref<1x128xi32, #tpu.memory_space<vmem>> -> memref<128xi32, #tpu.memory_space<vmem>>
          %dma_wait3A_241 = arith.constant 0 : i32
          %dma_wait3A_242 = arith.constant 0 : i32
          %dma_wait3A_243 = tpu.memref_slice %arg6[%dma_wait3A_241, %dma_wait3A_242] : memref<10000x128xf32, #tpu.memory_space<vmem_shared>> -> memref<10000x128xf32, #tpu.memory_space<vmem_shared>>
          tpu.wait_indirect_dma semaphore(%arg19 : memref<!tpu.dma_semaphore, #tpu.memory_space<semaphore_mem>>) src(%arg11 : memref<128x128xf32, #tpu.memory_space<vmem>>) dst(%dma_wait3A_243 : memref<10000x128xf32, #tpu.memory_space<vmem_shared>>)
        } else {
        }
        %mul3A_224 = arith.constant 128 : i32
        %mul3A_225 = arith.muli %mul3A_4, %mul3A_224 : i32
        %dma_wait3A_226 = arith.constant 0 : i32
        %dma_wait3A_227 = tpu.memref_slice %arg3[%dma_wait3A_226, %mul3A_225] : memref<2x320000xi32, #tpu.memory_space<hbm>> -> memref<2x128xi32, #tpu.memory_space<hbm>>
        %dma_wait3A_228 = arith.constant 0 : i32
        %dma_wait3A_229 = tpu.memref_slice %arg3[%dma_wait3A_228, %mul3A_225] : memref<2x320000xi32, #tpu.memory_space<hbm>> -> memref<2x128xi32, #tpu.memory_space<hbm>>
        tpu.wait_dma2 semaphore(%arg13 : memref<!tpu.dma_semaphore, #tpu.memory_space<semaphore_mem>>) src(%dma_wait3A_229 : memref<2x128xi32, #tpu.memory_space<hbm>>) dst(%arg7 : memref<2x128xi32, #tpu.memory_space<vmem>>)
        %dma_start3A_230 = arith.constant 0 : i32
        %dma_start3A_231 = arith.constant 0 : i32
        %dma_start3A_232 = tpu.memref_slice %arg7[%dma_start3A_230, %dma_start3A_231] : memref<2x128xi32, #tpu.memory_space<vmem>> -> memref<1x128xi32, #tpu.memory_space<vmem>>
        %dma_start3A_233 = tpu.memref_squeeze %dma_start3A_232 : memref<1x128xi32, #tpu.memory_space<vmem>> -> memref<128xi32, #tpu.memory_space<vmem>>
        %dma_start3A_234 = arith.constant 0 : i32
        %dma_start3A_235 = arith.constant 0 : i32
        %dma_start3A_236 = tpu.memref_slice %arg2[%dma_start3A_234, %dma_start3A_235] : memref<10000x128xf32, #tpu.memory_space<hbm>> -> memref<10000x128xf32, #tpu.memory_space<hbm>>
        tpu.enqueue_indirect_dma source(%dma_start3A_236 : memref<10000x128xf32, #tpu.memory_space<hbm>>) target(%arg11 : memref<128x128xf32, #tpu.memory_space<vmem>>) offsets(%dma_start3A_233 : memref<128xi32, #tpu.memory_space<vmem>>) semaphore(%arg17 : memref<!tpu.dma_semaphore, #tpu.memory_space<semaphore_mem>>)
      } else {
      }
      %add3A_200 = arith.constant 3 : i32
      %add3A_201 = arith.addi %add3A_193, %add3A_200 : i32
      %lt3A_202 = arith.cmpi slt, %add3A_201, %select_n3A : i32
      %convert_element_type3A_203 = arith.extui %lt3A_202 : i1 to i32
      %cond3A_204 = arith.constant 0 : i32
      %cond3A_205 = arith.cmpi ne, %convert_element_type3A_203, %cond3A_204 : i32
      scf.if %cond3A_205 {
        %add3A_220 = arith.addi %mul3A_4, %add3A_193 : i32
        %add3A_221 = arith.constant 3 : i32
        %add3A_222 = arith.addi %add3A_220, %add3A_221 : i32
        %mul3A_223 = arith.constant 128 : i32
        %mul3A_224 = arith.muli %add3A_222, %mul3A_223 : i32
        %dma_start3A_225 = arith.constant 0 : i32
        %dma_start3A_226 = tpu.memref_slice %arg3[%dma_start3A_225, %mul3A_224] : memref<2x320000xi32, #tpu.memory_space<hbm>> -> memref<2x128xi32, #tpu.memory_space<hbm>>
        %dma_start3A_227 = arith.constant 0 : i32
        %dma_start3A_228 = tpu.memref_slice %arg3[%dma_start3A_227, %mul3A_224] : memref<2x320000xi32, #tpu.memory_space<hbm>> -> memref<2x128xi32, #tpu.memory_space<hbm>>
        tpu.enqueue_dma source(%dma_start3A_228 : memref<2x128xi32, #tpu.memory_space<hbm>>) target(%arg9 : memref<2x128xi32, #tpu.memory_space<vmem>>) target_semaphore(%arg15 : memref<!tpu.dma_semaphore, #tpu.memory_space<semaphore_mem>>)
      } else {
      }
      %dma_wait3A_206 = arith.constant 0 : i32
      %dma_wait3A_207 = arith.constant 0 : i32
      %dma_wait3A_208 = tpu.memref_slice %arg10[%dma_wait3A_206, %dma_wait3A_207] : memref<2x128xi32, #tpu.memory_space<vmem>> -> memref<1x128xi32, #tpu.memory_space<vmem>>
      %dma_wait3A_209 = tpu.memref_squeeze %dma_wait3A_208 : memref<1x128xi32, #tpu.memory_space<vmem>> -> memref<128xi32, #tpu.memory_space<vmem>>
      %dma_wait3A_210 = arith.constant 0 : i32
      %dma_wait3A_211 = arith.constant 0 : i32
      %dma_wait3A_212 = tpu.memref_slice %arg2[%dma_wait3A_210, %dma_wait3A_211] : memref<10000x128xf32, #tpu.memory_space<hbm>> -> memref<10000x128xf32, #tpu.memory_space<hbm>>
      tpu.wait_indirect_dma semaphore(%arg18 : memref<!tpu.dma_semaphore, #tpu.memory_space<semaphore_mem>>) src(%dma_wait3A_212 : memref<10000x128xf32, #tpu.memory_space<hbm>>) dst(%arg12 : memref<128x128xf32, #tpu.memory_space<vmem>>)
      %dma_start3A_213 = arith.constant 1 : i32
      %dma_start3A_214 = arith.constant 0 : i32
      %dma_start3A_215 = tpu.memref_slice %arg10[%dma_start3A_213, %dma_start3A_214] : memref<2x128xi32, #tpu.memory_space<vmem>> -> memref<1x128xi32, #tpu.memory_space<vmem>>
      %dma_start3A_216 = tpu.memref_squeeze %dma_start3A_215 : memref<1x128xi32, #tpu.memory_space<vmem>> -> memref<128xi32, #tpu.memory_space<vmem>>
      %dma_start3A_217 = arith.constant 0 : i32
      %dma_start3A_218 = arith.constant 0 : i32
      %dma_start3A_219 = tpu.memref_slice %arg6[%dma_start3A_217, %dma_start3A_218] : memref<10000x128xf32, #tpu.memory_space<vmem_shared>> -> memref<10000x128xf32, #tpu.memory_space<vmem_shared>>
      tpu.enqueue_indirect_dma source(%arg12 : memref<128x128xf32, #tpu.memory_space<vmem>>) target(%dma_start3A_219 : memref<10000x128xf32, #tpu.memory_space<vmem_shared>>) offsets(%dma_start3A_216 : memref<128xi32, #tpu.memory_space<vmem>>) semaphore(%arg20 : memref<!tpu.dma_semaphore, #tpu.memory_space<semaphore_mem>>) {add = true}
    }
    %while3A_73 = arith.constant 1 : i32
    scf.for %while3A_99 = %while3A_71 to %while3A_67 step %while3A_73  : i32 {
      %mul3A_100 = arith.constant 4 : i32
      %mul3A_101 = arith.muli %while3A_99, %mul3A_100 : i32
      %add3A_102 = arith.constant 0 : i32
      %add3A_103 = arith.addi %mul3A_101, %add3A_102 : i32
      %add3A_104 = arith.constant 1 : i32
      %add3A_105 = arith.addi %add3A_103, %add3A_104 : i32
      %lt3A_106 = arith.cmpi slt, %add3A_105, %select_n3A : i32
      %convert_element_type3A_107 = arith.extui %lt3A_106 : i1 to i32
      %cond3A_108 = arith.constant 0 : i32
      %cond3A_109 = arith.cmpi ne, %convert_element_type3A_107, %cond3A_108 : i32
      scf.if %cond3A_109 {
        %ge3A = arith.constant 1 : i32
        %ge3A_220 = arith.cmpi sge, %add3A_103, %ge3A : i32
        %convert_element_type3A_221 = arith.extui %ge3A_220 : i1 to i32
        %cond3A_222 = arith.constant 0 : i32
        %cond3A_223 = arith.cmpi ne, %convert_element_type3A_221, %cond3A_222 : i32
        scf.if %cond3A_223 {
          %dma_wait3A_237 = arith.constant 1 : i32
          %dma_wait3A_238 = arith.constant 0 : i32
          %dma_wait3A_239 = tpu.memref_slice %arg7[%dma_wait3A_237, %dma_wait3A_238] : memref<2x128xi32, #tpu.memory_space<vmem>> -> memref<1x128xi32, #tpu.memory_space<vmem>>
          %dma_wait3A_240 = tpu.memref_squeeze %dma_wait3A_239 : memref<1x128xi32, #tpu.memory_space<vmem>> -> memref<128xi32, #tpu.memory_space<vmem>>
          %dma_wait3A_241 = arith.constant 0 : i32
          %dma_wait3A_242 = arith.constant 0 : i32
          %dma_wait3A_243 = tpu.memref_slice %arg6[%dma_wait3A_241, %dma_wait3A_242] : memref<10000x128xf32, #tpu.memory_space<vmem_shared>> -> memref<10000x128xf32, #tpu.memory_space<vmem_shared>>
          tpu.wait_indirect_dma semaphore(%arg20 : memref<!tpu.dma_semaphore, #tpu.memory_space<semaphore_mem>>) src(%arg12 : memref<128x128xf32, #tpu.memory_space<vmem>>) dst(%dma_wait3A_243 : memref<10000x128xf32, #tpu.memory_space<vmem_shared>>)
        } else {
        }
        %mul3A_224 = arith.constant 128 : i32
        %mul3A_225 = arith.muli %mul3A_4, %mul3A_224 : i32
        %dma_wait3A_226 = arith.constant 0 : i32
        %dma_wait3A_227 = tpu.memref_slice %arg3[%dma_wait3A_226, %mul3A_225] : memref<2x320000xi32, #tpu.memory_space<hbm>> -> memref<2x128xi32, #tpu.memory_space<hbm>>
        %dma_wait3A_228 = arith.constant 0 : i32
        %dma_wait3A_229 = tpu.memref_slice %arg3[%dma_wait3A_228, %mul3A_225] : memref<2x320000xi32, #tpu.memory_space<hbm>> -> memref<2x128xi32, #tpu.memory_space<hbm>>
        tpu.wait_dma2 semaphore(%arg14 : memref<!tpu.dma_semaphore, #tpu.memory_space<semaphore_mem>>) src(%dma_wait3A_229 : memref<2x128xi32, #tpu.memory_space<hbm>>) dst(%arg8 : memref<2x128xi32, #tpu.memory_space<vmem>>)
        %dma_start3A_230 = arith.constant 0 : i32
        %dma_start3A_231 = arith.constant 0 : i32
        %dma_start3A_232 = tpu.memref_slice %arg8[%dma_start3A_230, %dma_start3A_231] : memref<2x128xi32, #tpu.memory_space<vmem>> -> memref<1x128xi32, #tpu.memory_space<vmem>>
        %dma_start3A_233 = tpu.memref_squeeze %dma_start3A_232 : memref<1x128xi32, #tpu.memory_space<vmem>> -> memref<128xi32, #tpu.memory_space<vmem>>
        %dma_start3A_234 = arith.constant 0 : i32
        %dma_start3A_235 = arith.constant 0 : i32
        %dma_start3A_236 = tpu.memref_slice %arg2[%dma_start3A_234, %dma_start3A_235] : memref<10000x128xf32, #tpu.memory_space<hbm>> -> memref<10000x128xf32, #tpu.memory_space<hbm>>
        tpu.enqueue_indirect_dma source(%dma_start3A_236 : memref<10000x128xf32, #tpu.memory_space<hbm>>) target(%arg12 : memref<128x128xf32, #tpu.memory_space<vmem>>) offsets(%dma_start3A_233 : memref<128xi32, #tpu.memory_space<vmem>>) semaphore(%arg18 : memref<!tpu.dma_semaphore, #tpu.memory_space<semaphore_mem>>)
      } else {
      }
      %add3A_110 = arith.constant 3 : i32
      %add3A_111 = arith.addi %add3A_103, %add3A_110 : i32
      %lt3A_112 = arith.cmpi slt, %add3A_111, %select_n3A : i32
      %convert_element_type3A_113 = arith.extui %lt3A_112 : i1 to i32
      %cond3A_114 = arith.constant 0 : i32
      %cond3A_115 = arith.cmpi ne, %convert_element_type3A_113, %cond3A_114 : i32
      scf.if %cond3A_115 {
        %add3A_220 = arith.addi %mul3A_4, %add3A_103 : i32
        %add3A_221 = arith.constant 3 : i32
        %add3A_222 = arith.addi %add3A_220, %add3A_221 : i32
        %mul3A_223 = arith.constant 128 : i32
        %mul3A_224 = arith.muli %add3A_222, %mul3A_223 : i32
        %dma_start3A_225 = arith.constant 0 : i32
        %dma_start3A_226 = tpu.memref_slice %arg3[%dma_start3A_225, %mul3A_224] : memref<2x320000xi32, #tpu.memory_space<hbm>> -> memref<2x128xi32, #tpu.memory_space<hbm>>
        %dma_start3A_227 = arith.constant 0 : i32
        %dma_start3A_228 = tpu.memref_slice %arg3[%dma_start3A_227, %mul3A_224] : memref<2x320000xi32, #tpu.memory_space<hbm>> -> memref<2x128xi32, #tpu.memory_space<hbm>>
        tpu.enqueue_dma source(%dma_start3A_228 : memref<2x128xi32, #tpu.memory_space<hbm>>) target(%arg10 : memref<2x128xi32, #tpu.memory_space<vmem>>) target_semaphore(%arg16 : memref<!tpu.dma_semaphore, #tpu.memory_space<semaphore_mem>>)
      } else {
      }
      %dma_wait3A_116 = arith.constant 0 : i32
      %dma_wait3A_117 = arith.constant 0 : i32
      %dma_wait3A_118 = tpu.memref_slice %arg7[%dma_wait3A_116, %dma_wait3A_117] : memref<2x128xi32, #tpu.memory_space<vmem>> -> memref<1x128xi32, #tpu.memory_space<vmem>>
      %dma_wait3A_119 = tpu.memref_squeeze %dma_wait3A_118 : memref<1x128xi32, #tpu.memory_space<vmem>> -> memref<128xi32, #tpu.memory_space<vmem>>
      %dma_wait3A_120 = arith.constant 0 : i32
      %dma_wait3A_121 = arith.constant 0 : i32
      %dma_wait3A_122 = tpu.memref_slice %arg2[%dma_wait3A_120, %dma_wait3A_121] : memref<10000x128xf32, #tpu.memory_space<hbm>> -> memref<10000x128xf32, #tpu.memory_space<hbm>>
      tpu.wait_indirect_dma semaphore(%arg17 : memref<!tpu.dma_semaphore, #tpu.memory_space<semaphore_mem>>) src(%dma_wait3A_122 : memref<10000x128xf32, #tpu.memory_space<hbm>>) dst(%arg11 : memref<128x128xf32, #tpu.memory_space<vmem>>)
      %dma_start3A_123 = arith.constant 1 : i32
      %dma_start3A_124 = arith.constant 0 : i32
      %dma_start3A_125 = tpu.memref_slice %arg7[%dma_start3A_123, %dma_start3A_124] : memref<2x128xi32, #tpu.memory_space<vmem>> -> memref<1x128xi32, #tpu.memory_space<vmem>>
      %dma_start3A_126 = tpu.memref_squeeze %dma_start3A_125 : memref<1x128xi32, #tpu.memory_space<vmem>> -> memref<128xi32, #tpu.memory_space<vmem>>
      %dma_start3A_127 = arith.constant 0 : i32
      %dma_start3A_128 = arith.constant 0 : i32
      %dma_start3A_129 = tpu.memref_slice %arg6[%dma_start3A_127, %dma_start3A_128] : memref<10000x128xf32, #tpu.memory_space<vmem_shared>> -> memref<10000x128xf32, #tpu.memory_space<vmem_shared>>
      tpu.enqueue_indirect_dma source(%arg11 : memref<128x128xf32, #tpu.memory_space<vmem>>) target(%dma_start3A_129 : memref<10000x128xf32, #tpu.memory_space<vmem_shared>>) offsets(%dma_start3A_126 : memref<128xi32, #tpu.memory_space<vmem>>) semaphore(%arg19 : memref<!tpu.dma_semaphore, #tpu.memory_space<semaphore_mem>>) {add = true}
      %mul3A_130 = arith.constant 4 : i32
      %mul3A_131 = arith.muli %while3A_99, %mul3A_130 : i32
      %add3A_132 = arith.constant 1 : i32
      %add3A_133 = arith.addi %mul3A_131, %add3A_132 : i32
      %add3A_134 = arith.constant 1 : i32
      %add3A_135 = arith.addi %add3A_133, %add3A_134 : i32
      %lt3A_136 = arith.cmpi slt, %add3A_135, %select_n3A : i32
      %convert_element_type3A_137 = arith.extui %lt3A_136 : i1 to i32
      %cond3A_138 = arith.constant 0 : i32
      %cond3A_139 = arith.cmpi ne, %convert_element_type3A_137, %cond3A_138 : i32
      scf.if %cond3A_139 {
        %ge3A = arith.constant 1 : i32
        %ge3A_220 = arith.cmpi sge, %add3A_133, %ge3A : i32
        %convert_element_type3A_221 = arith.extui %ge3A_220 : i1 to i32
        %cond3A_222 = arith.constant 0 : i32
        %cond3A_223 = arith.cmpi ne, %convert_element_type3A_221, %cond3A_222 : i32
        scf.if %cond3A_223 {
          %dma_wait3A_237 = arith.constant 1 : i32
          %dma_wait3A_238 = arith.constant 0 : i32
          %dma_wait3A_239 = tpu.memref_slice %arg7[%dma_wait3A_237, %dma_wait3A_238] : memref<2x128xi32, #tpu.memory_space<vmem>> -> memref<1x128xi32, #tpu.memory_space<vmem>>
          %dma_wait3A_240 = tpu.memref_squeeze %dma_wait3A_239 : memref<1x128xi32, #tpu.memory_space<vmem>> -> memref<128xi32, #tpu.memory_space<vmem>>
          %dma_wait3A_241 = arith.constant 0 : i32
          %dma_wait3A_242 = arith.constant 0 : i32
          %dma_wait3A_243 = tpu.memref_slice %arg6[%dma_wait3A_241, %dma_wait3A_242] : memref<10000x128xf32, #tpu.memory_space<vmem_shared>> -> memref<10000x128xf32, #tpu.memory_space<vmem_shared>>
          tpu.wait_indirect_dma semaphore(%arg19 : memref<!tpu.dma_semaphore, #tpu.memory_space<semaphore_mem>>) src(%arg11 : memref<128x128xf32, #tpu.memory_space<vmem>>) dst(%dma_wait3A_243 : memref<10000x128xf32, #tpu.memory_space<vmem_shared>>)
        } else {
        }
        %mul3A_224 = arith.constant 128 : i32
        %mul3A_225 = arith.muli %mul3A_4, %mul3A_224 : i32
        %dma_wait3A_226 = arith.constant 0 : i32
        %dma_wait3A_227 = tpu.memref_slice %arg3[%dma_wait3A_226, %mul3A_225] : memref<2x320000xi32, #tpu.memory_space<hbm>> -> memref<2x128xi32, #tpu.memory_space<hbm>>
        %dma_wait3A_228 = arith.constant 0 : i32
        %dma_wait3A_229 = tpu.memref_slice %arg3[%dma_wait3A_228, %mul3A_225] : memref<2x320000xi32, #tpu.memory_space<hbm>> -> memref<2x128xi32, #tpu.memory_space<hbm>>
        tpu.wait_dma2 semaphore(%arg15 : memref<!tpu.dma_semaphore, #tpu.memory_space<semaphore_mem>>) src(%dma_wait3A_229 : memref<2x128xi32, #tpu.memory_space<hbm>>) dst(%arg9 : memref<2x128xi32, #tpu.memory_space<vmem>>)
        %dma_start3A_230 = arith.constant 0 : i32
        %dma_start3A_231 = arith.constant 0 : i32
        %dma_start3A_232 = tpu.memref_slice %arg9[%dma_start3A_230, %dma_start3A_231] : memref<2x128xi32, #tpu.memory_space<vmem>> -> memref<1x128xi32, #tpu.memory_space<vmem>>
        %dma_start3A_233 = tpu.memref_squeeze %dma_start3A_232 : memref<1x128xi32, #tpu.memory_space<vmem>> -> memref<128xi32, #tpu.memory_space<vmem>>
        %dma_start3A_234 = arith.constant 0 : i32
        %dma_start3A_235 = arith.constant 0 : i32
        %dma_start3A_236 = tpu.memref_slice %arg2[%dma_start3A_234, %dma_start3A_235] : memref<10000x128xf32, #tpu.memory_space<hbm>> -> memref<10000x128xf32, #tpu.memory_space<hbm>>
        tpu.enqueue_indirect_dma source(%dma_start3A_236 : memref<10000x128xf32, #tpu.memory_space<hbm>>) target(%arg11 : memref<128x128xf32, #tpu.memory_space<vmem>>) offsets(%dma_start3A_233 : memref<128xi32, #tpu.memory_space<vmem>>) semaphore(%arg17 : memref<!tpu.dma_semaphore, #tpu.memory_space<semaphore_mem>>)
      } else {
      }
      %add3A_140 = arith.constant 3 : i32
      %add3A_141 = arith.addi %add3A_133, %add3A_140 : i32
      %lt3A_142 = arith.cmpi slt, %add3A_141, %select_n3A : i32
      %convert_element_type3A_143 = arith.extui %lt3A_142 : i1 to i32
      %cond3A_144 = arith.constant 0 : i32
      %cond3A_145 = arith.cmpi ne, %convert_element_type3A_143, %cond3A_144 : i32
      scf.if %cond3A_145 {
        %add3A_220 = arith.addi %mul3A_4, %add3A_133 : i32
        %add3A_221 = arith.constant 3 : i32
        %add3A_222 = arith.addi %add3A_220, %add3A_221 : i32
        %mul3A_223 = arith.constant 128 : i32
        %mul3A_224 = arith.muli %add3A_222, %mul3A_223 : i32
        %dma_start3A_225 = arith.constant 0 : i32
        %dma_start3A_226 = tpu.memref_slice %arg3[%dma_start3A_225, %mul3A_224] : memref<2x320000xi32, #tpu.memory_space<hbm>> -> memref<2x128xi32, #tpu.memory_space<hbm>>
        %dma_start3A_227 = arith.constant 0 : i32
        %dma_start3A_228 = tpu.memref_slice %arg3[%dma_start3A_227, %mul3A_224] : memref<2x320000xi32, #tpu.memory_space<hbm>> -> memref<2x128xi32, #tpu.memory_space<hbm>>
        tpu.enqueue_dma source(%dma_start3A_228 : memref<2x128xi32, #tpu.memory_space<hbm>>) target(%arg7 : memref<2x128xi32, #tpu.memory_space<vmem>>) target_semaphore(%arg13 : memref<!tpu.dma_semaphore, #tpu.memory_space<semaphore_mem>>)
      } else {
      }
      %dma_wait3A_146 = arith.constant 0 : i32
      %dma_wait3A_147 = arith.constant 0 : i32
      %dma_wait3A_148 = tpu.memref_slice %arg8[%dma_wait3A_146, %dma_wait3A_147] : memref<2x128xi32, #tpu.memory_space<vmem>> -> memref<1x128xi32, #tpu.memory_space<vmem>>
      %dma_wait3A_149 = tpu.memref_squeeze %dma_wait3A_148 : memref<1x128xi32, #tpu.memory_space<vmem>> -> memref<128xi32, #tpu.memory_space<vmem>>
      %dma_wait3A_150 = arith.constant 0 : i32
      %dma_wait3A_151 = arith.constant 0 : i32
      %dma_wait3A_152 = tpu.memref_slice %arg2[%dma_wait3A_150, %dma_wait3A_151] : memref<10000x128xf32, #tpu.memory_space<hbm>> -> memref<10000x128xf32, #tpu.memory_space<hbm>>
      tpu.wait_indirect_dma semaphore(%arg18 : memref<!tpu.dma_semaphore, #tpu.memory_space<semaphore_mem>>) src(%dma_wait3A_152 : memref<10000x128xf32, #tpu.memory_space<hbm>>) dst(%arg12 : memref<128x128xf32, #tpu.memory_space<vmem>>)
      %dma_start3A_153 = arith.constant 1 : i32
      %dma_start3A_154 = arith.constant 0 : i32
      %dma_start3A_155 = tpu.memref_slice %arg8[%dma_start3A_153, %dma_start3A_154] : memref<2x128xi32, #tpu.memory_space<vmem>> -> memref<1x128xi32, #tpu.memory_space<vmem>>
      %dma_start3A_156 = tpu.memref_squeeze %dma_start3A_155 : memref<1x128xi32, #tpu.memory_space<vmem>> -> memref<128xi32, #tpu.memory_space<vmem>>
      %dma_start3A_157 = arith.constant 0 : i32
      %dma_start3A_158 = arith.constant 0 : i32
      %dma_start3A_159 = tpu.memref_slice %arg6[%dma_start3A_157, %dma_start3A_158] : memref<10000x128xf32, #tpu.memory_space<vmem_shared>> -> memref<10000x128xf32, #tpu.memory_space<vmem_shared>>
      tpu.enqueue_indirect_dma source(%arg12 : memref<128x128xf32, #tpu.memory_space<vmem>>) target(%dma_start3A_159 : memref<10000x128xf32, #tpu.memory_space<vmem_shared>>) offsets(%dma_start3A_156 : memref<128xi32, #tpu.memory_space<vmem>>) semaphore(%arg20 : memref<!tpu.dma_semaphore, #tpu.memory_space<semaphore_mem>>) {add = true}
      %mul3A_160 = arith.constant 4 : i32
      %mul3A_161 = arith.muli %while3A_99, %mul3A_160 : i32
      %add3A_162 = arith.constant 2 : i32
      %add3A_163 = arith.addi %mul3A_161, %add3A_162 : i32
      %add3A_164 = arith.constant 1 : i32
      %add3A_165 = arith.addi %add3A_163, %add3A_164 : i32
      %lt3A_166 = arith.cmpi slt, %add3A_165, %select_n3A : i32
      %convert_element_type3A_167 = arith.extui %lt3A_166 : i1 to i32
      %cond3A_168 = arith.constant 0 : i32
      %cond3A_169 = arith.cmpi ne, %convert_element_type3A_167, %cond3A_168 : i32
      scf.if %cond3A_169 {
        %ge3A = arith.constant 1 : i32
        %ge3A_220 = arith.cmpi sge, %add3A_163, %ge3A : i32
        %convert_element_type3A_221 = arith.extui %ge3A_220 : i1 to i32
        %cond3A_222 = arith.constant 0 : i32
        %cond3A_223 = arith.cmpi ne, %convert_element_type3A_221, %cond3A_222 : i32
        scf.if %cond3A_223 {
          %dma_wait3A_237 = arith.constant 1 : i32
          %dma_wait3A_238 = arith.constant 0 : i32
          %dma_wait3A_239 = tpu.memref_slice %arg7[%dma_wait3A_237, %dma_wait3A_238] : memref<2x128xi32, #tpu.memory_space<vmem>> -> memref<1x128xi32, #tpu.memory_space<vmem>>
          %dma_wait3A_240 = tpu.memref_squeeze %dma_wait3A_239 : memref<1x128xi32, #tpu.memory_space<vmem>> -> memref<128xi32, #tpu.memory_space<vmem>>
          %dma_wait3A_241 = arith.constant 0 : i32
          %dma_wait3A_242 = arith.constant 0 : i32
          %dma_wait3A_243 = tpu.memref_slice %arg6[%dma_wait3A_241, %dma_wait3A_242] : memref<10000x128xf32, #tpu.memory_space<vmem_shared>> -> memref<10000x128xf32, #tpu.memory_space<vmem_shared>>
          tpu.wait_indirect_dma semaphore(%arg20 : memref<!tpu.dma_semaphore, #tpu.memory_space<semaphore_mem>>) src(%arg12 : memref<128x128xf32, #tpu.memory_space<vmem>>) dst(%dma_wait3A_243 : memref<10000x128xf32, #tpu.memory_space<vmem_shared>>)
        } else {
        }
        %mul3A_224 = arith.constant 128 : i32
        %mul3A_225 = arith.muli %mul3A_4, %mul3A_224 : i32
        %dma_wait3A_226 = arith.constant 0 : i32
        %dma_wait3A_227 = tpu.memref_slice %arg3[%dma_wait3A_226, %mul3A_225] : memref<2x320000xi32, #tpu.memory_space<hbm>> -> memref<2x128xi32, #tpu.memory_space<hbm>>
        %dma_wait3A_228 = arith.constant 0 : i32
        %dma_wait3A_229 = tpu.memref_slice %arg3[%dma_wait3A_228, %mul3A_225] : memref<2x320000xi32, #tpu.memory_space<hbm>> -> memref<2x128xi32, #tpu.memory_space<hbm>>
        tpu.wait_dma2 semaphore(%arg16 : memref<!tpu.dma_semaphore, #tpu.memory_space<semaphore_mem>>) src(%dma_wait3A_229 : memref<2x128xi32, #tpu.memory_space<hbm>>) dst(%arg10 : memref<2x128xi32, #tpu.memory_space<vmem>>)
        %dma_start3A_230 = arith.constant 0 : i32
        %dma_start3A_231 = arith.constant 0 : i32
        %dma_start3A_232 = tpu.memref_slice %arg10[%dma_start3A_230, %dma_start3A_231] : memref<2x128xi32, #tpu.memory_space<vmem>> -> memref<1x128xi32, #tpu.memory_space<vmem>>
        %dma_start3A_233 = tpu.memref_squeeze %dma_start3A_232 : memref<1x128xi32, #tpu.memory_space<vmem>> -> memref<128xi32, #tpu.memory_space<vmem>>
        %dma_start3A_234 = arith.constant 0 : i32
        %dma_start3A_235 = arith.constant 0 : i32
        %dma_start3A_236 = tpu.memref_slice %arg2[%dma_start3A_234, %dma_start3A_235] : memref<10000x128xf32, #tpu.memory_space<hbm>> -> memref<10000x128xf32, #tpu.memory_space<hbm>>
        tpu.enqueue_indirect_dma source(%dma_start3A_236 : memref<10000x128xf32, #tpu.memory_space<hbm>>) target(%arg12 : memref<128x128xf32, #tpu.memory_space<vmem>>) offsets(%dma_start3A_233 : memref<128xi32, #tpu.memory_space<vmem>>) semaphore(%arg18 : memref<!tpu.dma_semaphore, #tpu.memory_space<semaphore_mem>>)
      } else {
      }
      %add3A_170 = arith.constant 3 : i32
      %add3A_171 = arith.addi %add3A_163, %add3A_170 : i32
      %lt3A_172 = arith.cmpi slt, %add3A_171, %select_n3A : i32
      %convert_element_type3A_173 = arith.extui %lt3A_172 : i1 to i32
      %cond3A_174 = arith.constant 0 : i32
      %cond3A_175 = arith.cmpi ne, %convert_element_type3A_173, %cond3A_174 : i32
      scf.if %cond3A_175 {
        %add3A_220 = arith.addi %mul3A_4, %add3A_163 : i32
        %add3A_221 = arith.constant 3 : i32
        %add3A_222 = arith.addi %add3A_220, %add3A_221 : i32
        %mul3A_223 = arith.constant 128 : i32
        %mul3A_224 = arith.muli %add3A_222, %mul3A_223 : i32
        %dma_start3A_225 = arith.constant 0 : i32
        %dma_start3A_226 = tpu.memref_slice %arg3[%dma_start3A_225, %mul3A_224] : memref<2x320000xi32, #tpu.memory_space<hbm>> -> memref<2x128xi32, #tpu.memory_space<hbm>>
        %dma_start3A_227 = arith.constant 0 : i32
        %dma_start3A_228 = tpu.memref_slice %arg3[%dma_start3A_227, %mul3A_224] : memref<2x320000xi32, #tpu.memory_space<hbm>> -> memref<2x128xi32, #tpu.memory_space<hbm>>
        tpu.enqueue_dma source(%dma_start3A_228 : memref<2x128xi32, #tpu.memory_space<hbm>>) target(%arg8 : memref<2x128xi32, #tpu.memory_space<vmem>>) target_semaphore(%arg14 : memref<!tpu.dma_semaphore, #tpu.memory_space<semaphore_mem>>)
      } else {
      }
      %dma_wait3A_176 = arith.constant 0 : i32
      %dma_wait3A_177 = arith.constant 0 : i32
      %dma_wait3A_178 = tpu.memref_slice %arg9[%dma_wait3A_176, %dma_wait3A_177] : memref<2x128xi32, #tpu.memory_space<vmem>> -> memref<1x128xi32, #tpu.memory_space<vmem>>
      %dma_wait3A_179 = tpu.memref_squeeze %dma_wait3A_178 : memref<1x128xi32, #tpu.memory_space<vmem>> -> memref<128xi32, #tpu.memory_space<vmem>>
      %dma_wait3A_180 = arith.constant 0 : i32
      %dma_wait3A_181 = arith.constant 0 : i32
      %dma_wait3A_182 = tpu.memref_slice %arg2[%dma_wait3A_180, %dma_wait3A_181] : memref<10000x128xf32, #tpu.memory_space<hbm>> -> memref<10000x128xf32, #tpu.memory_space<hbm>>
      tpu.wait_indirect_dma semaphore(%arg17 : memref<!tpu.dma_semaphore, #tpu.memory_space<semaphore_mem>>) src(%dma_wait3A_182 : memref<10000x128xf32, #tpu.memory_space<hbm>>) dst(%arg11 : memref<128x128xf32, #tpu.memory_space<vmem>>)
      %dma_start3A_183 = arith.constant 1 : i32
      %dma_start3A_184 = arith.constant 0 : i32
      %dma_start3A_185 = tpu.memref_slice %arg9[%dma_start3A_183, %dma_start3A_184] : memref<2x128xi32, #tpu.memory_space<vmem>> -> memref<1x128xi32, #tpu.memory_space<vmem>>
      %dma_start3A_186 = tpu.memref_squeeze %dma_start3A_185 : memref<1x128xi32, #tpu.memory_space<vmem>> -> memref<128xi32, #tpu.memory_space<vmem>>
      %dma_start3A_187 = arith.constant 0 : i32
      %dma_start3A_188 = arith.constant 0 : i32
      %dma_start3A_189 = tpu.memref_slice %arg6[%dma_start3A_187, %dma_start3A_188] : memref<10000x128xf32, #tpu.memory_space<vmem_shared>> -> memref<10000x128xf32, #tpu.memory_space<vmem_shared>>
      tpu.enqueue_indirect_dma source(%arg11 : memref<128x128xf32, #tpu.memory_space<vmem>>) target(%dma_start3A_189 : memref<10000x128xf32, #tpu.memory_space<vmem_shared>>) offsets(%dma_start3A_186 : memref<128xi32, #tpu.memory_space<vmem>>) semaphore(%arg19 : memref<!tpu.dma_semaphore, #tpu.memory_space<semaphore_mem>>) {add = true}
      %mul3A_190 = arith.constant 4 : i32
      %mul3A_191 = arith.muli %while3A_99, %mul3A_190 : i32
      %add3A_192 = arith.constant 3 : i32
      %add3A_193 = arith.addi %mul3A_191, %add3A_192 : i32
      %add3A_194 = arith.constant 1 : i32
      %add3A_195 = arith.addi %add3A_193, %add3A_194 : i32
      %lt3A_196 = arith.cmpi slt, %add3A_195, %select_n3A : i32
      %convert_element_type3A_197 = arith.extui %lt3A_196 : i1 to i32
      %cond3A_198 = arith.constant 0 : i32
      %cond3A_199 = arith.cmpi ne, %convert_element_type3A_197, %cond3A_198 : i32
      scf.if %cond3A_199 {
        %ge3A = arith.constant 1 : i32
        %ge3A_220 = arith.cmpi sge, %add3A_193, %ge3A : i32
        %convert_element_type3A_221 = arith.extui %ge3A_220 : i1 to i32
        %cond3A_222 = arith.constant 0 : i32
        %cond3A_223 = arith.cmpi ne, %convert_element_type3A_221, %cond3A_222 : i32
        scf.if %cond3A_223 {
          %dma_wait3A_237 = arith.constant 1 : i32
          %dma_wait3A_238 = arith.constant 0 : i32
          %dma_wait3A_239 = tpu.memref_slice %arg7[%dma_wait3A_237, %dma_wait3A_238] : memref<2x128xi32, #tpu.memory_space<vmem>> -> memref<1x128xi32, #tpu.memory_space<vmem>>
          %dma_wait3A_240 = tpu.memref_squeeze %dma_wait3A_239 : memref<1x128xi32, #tpu.memory_space<vmem>> -> memref<128xi32, #tpu.memory_space<vmem>>
          %dma_wait3A_241 = arith.constant 0 : i32
          %dma_wait3A_242 = arith.constant 0 : i32
          %dma_wait3A_243 = tpu.memref_slice %arg6[%dma_wait3A_241, %dma_wait3A_242] : memref<10000x128xf32, #tpu.memory_space<vmem_shared>> -> memref<10000x128xf32, #tpu.memory_space<vmem_shared>>
          tpu.wait_indirect_dma semaphore(%arg19 : memref<!tpu.dma_semaphore, #tpu.memory_space<semaphore_mem>>) src(%arg11 : memref<128x128xf32, #tpu.memory_space<vmem>>) dst(%dma_wait3A_243 : memref<10000x128xf32, #tpu.memory_space<vmem_shared>>)
        } else {
        }
        %mul3A_224 = arith.constant 128 : i32
        %mul3A_225 = arith.muli %mul3A_4, %mul3A_224 : i32
        %dma_wait3A_226 = arith.constant 0 : i32
        %dma_wait3A_227 = tpu.memref_slice %arg3[%dma_wait3A_226, %mul3A_225] : memref<2x320000xi32, #tpu.memory_space<hbm>> -> memref<2x128xi32, #tpu.memory_space<hbm>>
        %dma_wait3A_228 = arith.constant 0 : i32
        %dma_wait3A_229 = tpu.memref_slice %arg3[%dma_wait3A_228, %mul3A_225] : memref<2x320000xi32, #tpu.memory_space<hbm>> -> memref<2x128xi32, #tpu.memory_space<hbm>>
        tpu.wait_dma2 semaphore(%arg13 : memref<!tpu.dma_semaphore, #tpu.memory_space<semaphore_mem>>) src(%dma_wait3A_229 : memref<2x128xi32, #tpu.memory_space<hbm>>) dst(%arg7 : memref<2x128xi32, #tpu.memory_space<vmem>>)
        %dma_start3A_230 = arith.constant 0 : i32
        %dma_start3A_231 = arith.constant 0 : i32
        %dma_start3A_232 = tpu.memref_slice %arg7[%dma_start3A_230, %dma_start3A_231] : memref<2x128xi32, #tpu.memory_space<vmem>> -> memref<1x128xi32, #tpu.memory_space<vmem>>
        %dma_start3A_233 = tpu.memref_squeeze %dma_start3A_232 : memref<1x128xi32, #tpu.memory_space<vmem>> -> memref<128xi32, #tpu.memory_space<vmem>>
        %dma_start3A_234 = arith.constant 0 : i32
        %dma_start3A_235 = arith.constant 0 : i32
        %dma_start3A_236 = tpu.memref_slice %arg2[%dma_start3A_234, %dma_start3A_235] : memref<10000x128xf32, #tpu.memory_space<hbm>> -> memref<10000x128xf32, #tpu.memory_space<hbm>>
        tpu.enqueue_indirect_dma source(%dma_start3A_236 : memref<10000x128xf32, #tpu.memory_space<hbm>>) target(%arg11 : memref<128x128xf32, #tpu.memory_space<vmem>>) offsets(%dma_start3A_233 : memref<128xi32, #tpu.memory_space<vmem>>) semaphore(%arg17 : memref<!tpu.dma_semaphore, #tpu.memory_space<semaphore_mem>>)
      } else {
      }
      %add3A_200 = arith.constant 3 : i32
      %add3A_201 = arith.addi %add3A_193, %add3A_200 : i32
      %lt3A_202 = arith.cmpi slt, %add3A_201, %select_n3A : i32
      %convert_element_type3A_203 = arith.extui %lt3A_202 : i1 to i32
      %cond3A_204 = arith.constant 0 : i32
      %cond3A_205 = arith.cmpi ne, %convert_element_type3A_203, %cond3A_204 : i32
      scf.if %cond3A_205 {
        %add3A_220 = arith.addi %mul3A_4, %add3A_193 : i32
        %add3A_221 = arith.constant 3 : i32
        %add3A_222 = arith.addi %add3A_220, %add3A_221 : i32
        %mul3A_223 = arith.constant 128 : i32
        %mul3A_224 = arith.muli %add3A_222, %mul3A_223 : i32
        %dma_start3A_225 = arith.constant 0 : i32
        %dma_start3A_226 = tpu.memref_slice %arg3[%dma_start3A_225, %mul3A_224] : memref<2x320000xi32, #tpu.memory_space<hbm>> -> memref<2x128xi32, #tpu.memory_space<hbm>>
        %dma_start3A_227 = arith.constant 0 : i32
        %dma_start3A_228 = tpu.memref_slice %arg3[%dma_start3A_227, %mul3A_224] : memref<2x320000xi32, #tpu.memory_space<hbm>> -> memref<2x128xi32, #tpu.memory_space<hbm>>
        tpu.enqueue_dma source(%dma_start3A_228 : memref<2x128xi32, #tpu.memory_space<hbm>>) target(%arg9 : memref<2x128xi32, #tpu.memory_space<vmem>>) target_semaphore(%arg15 : memref<!tpu.dma_semaphore, #tpu.memory_space<semaphore_mem>>)
      } else {
      }
      %dma_wait3A_206 = arith.constant 0 : i32
      %dma_wait3A_207 = arith.constant 0 : i32
      %dma_wait3A_208 = tpu.memref_slice %arg10[%dma_wait3A_206, %dma_wait3A_207] : memref<2x128xi32, #tpu.memory_space<vmem>> -> memref<1x128xi32, #tpu.memory_space<vmem>>
      %dma_wait3A_209 = tpu.memref_squeeze %dma_wait3A_208 : memref<1x128xi32, #tpu.memory_space<vmem>> -> memref<128xi32, #tpu.memory_space<vmem>>
      %dma_wait3A_210 = arith.constant 0 : i32
      %dma_wait3A_211 = arith.constant 0 : i32
      %dma_wait3A_212 = tpu.memref_slice %arg2[%dma_wait3A_210, %dma_wait3A_211] : memref<10000x128xf32, #tpu.memory_space<hbm>> -> memref<10000x128xf32, #tpu.memory_space<hbm>>
      tpu.wait_indirect_dma semaphore(%arg18 : memref<!tpu.dma_semaphore, #tpu.memory_space<semaphore_mem>>) src(%dma_wait3A_212 : memref<10000x128xf32, #tpu.memory_space<hbm>>) dst(%arg12 : memref<128x128xf32, #tpu.memory_space<vmem>>)
      %dma_start3A_213 = arith.constant 1 : i32
      %dma_start3A_214 = arith.constant 0 : i32
      %dma_start3A_215 = tpu.memref_slice %arg10[%dma_start3A_213, %dma_start3A_214] : memref<2x128xi32, #tpu.memory_space<vmem>> -> memref<1x128xi32, #tpu.memory_space<vmem>>
      %dma_start3A_216 = tpu.memref_squeeze %dma_start3A_215 : memref<1x128xi32, #tpu.memory_space<vmem>> -> memref<128xi32, #tpu.memory_space<vmem>>
      %dma_start3A_217 = arith.constant 0 : i32
      %dma_start3A_218 = arith.constant 0 : i32
      %dma_start3A_219 = tpu.memref_slice %arg6[%dma_start3A_217, %dma_start3A_218] : memref<10000x128xf32, #tpu.memory_space<vmem_shared>> -> memref<10000x128xf32, #tpu.memory_space<vmem_shared>>
      tpu.enqueue_indirect_dma source(%arg12 : memref<128x128xf32, #tpu.memory_space<vmem>>) target(%dma_start3A_219 : memref<10000x128xf32, #tpu.memory_space<vmem_shared>>) offsets(%dma_start3A_216 : memref<128xi32, #tpu.memory_space<vmem>>) semaphore(%arg20 : memref<!tpu.dma_semaphore, #tpu.memory_space<semaphore_mem>>) {add = true}
    }
    %dma_wait3A_74 = arith.constant 1 : i32
    %dma_wait3A_75 = arith.constant 0 : i32
    %dma_wait3A_76 = tpu.memref_slice %arg7[%dma_wait3A_74, %dma_wait3A_75] : memref<2x128xi32, #tpu.memory_space<vmem>> -> memref<1x128xi32, #tpu.memory_space<vmem>>
    %dma_wait3A_77 = tpu.memref_squeeze %dma_wait3A_76 : memref<1x128xi32, #tpu.memory_space<vmem>> -> memref<128xi32, #tpu.memory_space<vmem>>
    %dma_wait3A_78 = arith.constant 0 : i32
    %dma_wait3A_79 = arith.constant 0 : i32
    %dma_wait3A_80 = tpu.memref_slice %arg6[%dma_wait3A_78, %dma_wait3A_79] : memref<10000x128xf32, #tpu.memory_space<vmem_shared>> -> memref<10000x128xf32, #tpu.memory_space<vmem_shared>>
    tpu.wait_indirect_dma semaphore(%arg19 : memref<!tpu.dma_semaphore, #tpu.memory_space<semaphore_mem>>) src(%arg11 : memref<128x128xf32, #tpu.memory_space<vmem>>) dst(%dma_wait3A_80 : memref<10000x128xf32, #tpu.memory_space<vmem_shared>>)
    %dma_wait3A_81 = arith.constant 1 : i32
    %dma_wait3A_82 = arith.constant 0 : i32
    %dma_wait3A_83 = tpu.memref_slice %arg7[%dma_wait3A_81, %dma_wait3A_82] : memref<2x128xi32, #tpu.memory_space<vmem>> -> memref<1x128xi32, #tpu.memory_space<vmem>>
    %dma_wait3A_84 = tpu.memref_squeeze %dma_wait3A_83 : memref<1x128xi32, #tpu.memory_space<vmem>> -> memref<128xi32, #tpu.memory_space<vmem>>
    %dma_wait3A_85 = arith.constant 0 : i32
    %dma_wait3A_86 = arith.constant 0 : i32
    %dma_wait3A_87 = tpu.memref_slice %arg6[%dma_wait3A_85, %dma_wait3A_86] : memref<10000x128xf32, #tpu.memory_space<vmem_shared>> -> memref<10000x128xf32, #tpu.memory_space<vmem_shared>>
    tpu.wait_indirect_dma semaphore(%arg20 : memref<!tpu.dma_semaphore, #tpu.memory_space<semaphore_mem>>) src(%arg12 : memref<128x128xf32, #tpu.memory_space<vmem>>) dst(%dma_wait3A_87 : memref<10000x128xf32, #tpu.memory_space<vmem_shared>>)
    %barrier3A_88 = arith.constant 0 : index
    tpu.barrier barrier_id(%barrier3A_88)
    %lt3A_89 = arith.constant 15 : i32
    %lt3A_90 = arith.cmpi slt, %arg1, %lt3A_89 : i32
    %convert_element_type3A_91 = arith.extui %lt3A_90 : i1 to i32
    %cond3A_92 = arith.constant 0 : i32
    %cond3A_93 = arith.cmpi ne, %convert_element_type3A_91, %cond3A_92 : i32
    scf.if %cond3A_93 {
      %mul3A_99 = arith.constant 640 : i32
      %mul3A_100 = arith.muli %arg1, %mul3A_99 : i32
      %mul3A_101 = arith.constant 640 : i32
      %mul3A_102 = arith.muli %arg1, %mul3A_101 : i32
      "tpu.region"() ({
        %run_scoped3A = tpu.sem_alloc : memref<!tpu.dma_semaphore, #tpu.memory_space<semaphore_mem>>
        %dma_start3A_103 = arith.constant 0 : i32
        %dma_start3A_104 = tpu.memref_slice %arg5[%arg0, %mul3A_102, %dma_start3A_103] : memref<2x10000x128xf32, #tpu.memory_space<hbm>> -> memref<1x640x128xf32, #tpu.memory_space<hbm>>
        %dma_start3A_105 = tpu.memref_squeeze %dma_start3A_104 : memref<1x640x128xf32, #tpu.memory_space<hbm>> -> memref<640x128xf32, #tpu.memory_space<hbm>>
        %dma_start3A_106 = arith.constant 0 : i32
        %dma_start3A_107 = tpu.memref_slice %arg6[%mul3A_100, %dma_start3A_106] : memref<10000x128xf32, #tpu.memory_space<vmem_shared>> -> memref<640x128xf32, #tpu.memory_space<vmem_shared>>
        tpu.enqueue_dma source(%dma_start3A_107 : memref<640x128xf32, #tpu.memory_space<vmem_shared>>) target(%dma_start3A_105 : memref<640x128xf32, #tpu.memory_space<hbm>>) target_semaphore(%run_scoped3A : memref<!tpu.dma_semaphore, #tpu.memory_space<semaphore_mem>>)
        %dma_wait3A_108 = arith.constant 0 : i32
        %dma_wait3A_109 = tpu.memref_slice %arg5[%arg0, %mul3A_102, %dma_wait3A_108] : memref<2x10000x128xf32, #tpu.memory_space<hbm>> -> memref<1x640x128xf32, #tpu.memory_space<hbm>>
        %dma_wait3A_110 = tpu.memref_squeeze %dma_wait3A_109 : memref<1x640x128xf32, #tpu.memory_space<hbm>> -> memref<640x128xf32, #tpu.memory_space<hbm>>
        %dma_wait3A_111 = arith.constant 0 : i32
        %dma_wait3A_112 = tpu.memref_slice %arg6[%mul3A_100, %dma_wait3A_111] : memref<10000x128xf32, #tpu.memory_space<vmem_shared>> -> memref<640x128xf32, #tpu.memory_space<vmem_shared>>
        tpu.wait_dma2 semaphore(%run_scoped3A : memref<!tpu.dma_semaphore, #tpu.memory_space<semaphore_mem>>) src(%dma_wait3A_112 : memref<640x128xf32, #tpu.memory_space<vmem_shared>>) dst(%dma_wait3A_110 : memref<640x128xf32, #tpu.memory_space<hbm>>)
        tpu.yield
      }) : () -> ()
    } else {
    }
    %eq3A_94 = arith.constant 15 : i32
    %eq3A_95 = arith.cmpi eq, %arg1, %eq3A_94 : i32
    %convert_element_type3A_96 = arith.extui %eq3A_95 : i1 to i32
    %cond3A_97 = arith.constant 0 : i32
    %cond3A_98 = arith.cmpi ne, %convert_element_type3A_96, %cond3A_97 : i32
    scf.if %cond3A_98 {
      "tpu.region"() ({
        %run_scoped3A = tpu.sem_alloc : memref<!tpu.dma_semaphore, #tpu.memory_space<semaphore_mem>>
        %dma_start3A_99 = arith.constant 9600 : i32
        %dma_start3A_100 = arith.constant 0 : i32
        %dma_start3A_101 = tpu.memref_slice %arg5[%arg0, %dma_start3A_99, %dma_start3A_100] : memref<2x10000x128xf32, #tpu.memory_space<hbm>> -> memref<1x400x128xf32, #tpu.memory_space<hbm>>
        %dma_start3A_102 = tpu.memref_squeeze %dma_start3A_101 : memref<1x400x128xf32, #tpu.memory_space<hbm>> -> memref<400x128xf32, #tpu.memory_space<hbm>>
        %dma_start3A_103 = arith.constant 9600 : i32
        %dma_start3A_104 = arith.constant 0 : i32
        %dma_start3A_105 = tpu.memref_slice %arg6[%dma_start3A_103, %dma_start3A_104] : memref<10000x128xf32, #tpu.memory_space<vmem_shared>> -> memref<400x128xf32, #tpu.memory_space<vmem_shared>>
        tpu.enqueue_dma source(%dma_start3A_105 : memref<400x128xf32, #tpu.memory_space<vmem_shared>>) target(%dma_start3A_102 : memref<400x128xf32, #tpu.memory_space<hbm>>) target_semaphore(%run_scoped3A : memref<!tpu.dma_semaphore, #tpu.memory_space<semaphore_mem>>)
        %dma_wait3A_106 = arith.constant 9600 : i32
        %dma_wait3A_107 = arith.constant 0 : i32
        %dma_wait3A_108 = tpu.memref_slice %arg5[%arg0, %dma_wait3A_106, %dma_wait3A_107] : memref<2x10000x128xf32, #tpu.memory_space<hbm>> -> memref<1x400x128xf32, #tpu.memory_space<hbm>>
        %dma_wait3A_109 = tpu.memref_squeeze %dma_wait3A_108 : memref<1x400x128xf32, #tpu.memory_space<hbm>> -> memref<400x128xf32, #tpu.memory_space<hbm>>
        %dma_wait3A_110 = arith.constant 9600 : i32
        %dma_wait3A_111 = arith.constant 0 : i32
        %dma_wait3A_112 = tpu.memref_slice %arg6[%dma_wait3A_110, %dma_wait3A_111] : memref<10000x128xf32, #tpu.memory_space<vmem_shared>> -> memref<400x128xf32, #tpu.memory_space<vmem_shared>>
        tpu.wait_dma2 semaphore(%run_scoped3A : memref<!tpu.dma_semaphore, #tpu.memory_space<semaphore_mem>>) src(%dma_wait3A_112 : memref<400x128xf32, #tpu.memory_space<vmem_shared>>) dst(%dma_wait3A_109 : memref<400x128xf32, #tpu.memory_space<hbm>>)
        tpu.yield
      }) : () -> ()
    } else {
    }
    return
  }
}

#map = affine_map<(d0, d1) -> (0, 0)>
#map1 = affine_map<(d0, d1) -> (0)>
#map2 = affine_map<(d0, d1) -> (0, 0, 0)>
module attributes {stable_mosaic.version = 14 : i64} {
  func.func @_deg_body(%arg0: i32, %arg1: i32, %arg2: memref<2x320000xi32, #tpu.memory_space<hbm>>, %arg3: memref<128xf32, #tpu.memory_space<hbm>>, %arg4: memref<1000xf32, #tpu.memory_space<hbm>>, %arg5: memref<2x10x1000xf32, #tpu.memory_space<hbm>>, %arg6: memref<10000xf32, #tpu.memory_space<vmem_shared>>, %arg7: memref<2x640xi32, #tpu.memory_space<vmem>>, %arg8: memref<2x640xi32, #tpu.memory_space<vmem>>, %arg9: memref<2x640xi32, #tpu.memory_space<vmem>>, %arg10: memref<2x640xi32, #tpu.memory_space<vmem>>, %arg11: memref<128xf32, #tpu.memory_space<vmem>>, %arg12: memref<1000xf32, #tpu.memory_space<vmem>>, %arg13: memref<!tpu.dma_semaphore, #tpu.memory_space<semaphore_mem>>, %arg14: memref<!tpu.dma_semaphore, #tpu.memory_space<semaphore_mem>>, %arg15: memref<!tpu.dma_semaphore, #tpu.memory_space<semaphore_mem>>, %arg16: memref<!tpu.dma_semaphore, #tpu.memory_space<semaphore_mem>>, %arg17: memref<!tpu.dma_semaphore, #tpu.memory_space<semaphore_mem>>, %arg18: memref<!tpu.dma_semaphore, #tpu.memory_space<semaphore_mem>>, %arg19: memref<!tpu.dma_semaphore, #tpu.memory_space<semaphore_mem>>, %arg20: memref<!tpu.dma_semaphore, #tpu.memory_space<semaphore_mem>>, %arg21: memref<!tpu.dma_semaphore, #tpu.memory_space<semaphore_mem>>) attributes {dimension_semantics = [#tpu.dimension_semantics<core_parallel>, #tpu.dimension_semantics<subcore_parallel>], iteration_bounds = array<i64: 2, 16>, scalar_prefetch = 0 : i64, scratch_operands = 16 : i64, tpu.core_type = #tpu.core_type<sc_vector_subcore>, window_params = [{transform_indices = #map}, {transform_indices = #map1}, {transform_indices = #map1}, {transform_indices = #map2}]} {
    %mul3A = arith.constant 16 : i32
    %mul3A_0 = arith.muli %arg0, %mul3A : i32
    %add3A = arith.addi %mul3A_0, %arg1 : i32
    %eq3A = arith.constant 31 : i32
    %eq3A_1 = arith.cmpi eq, %add3A, %eq3A : i32
    %jit3A = arith.constant 20 : i32
    %jit3A_2 = arith.constant 80 : i32
    %select_n3A = arith.select %eq3A_1, %jit3A, %jit3A_2 : i32
    %mul3A_3 = arith.constant 80 : i32
    %mul3A_4 = arith.muli %add3A, %mul3A_3 : i32
    "tpu.region"() ({
      %run_scoped3A = tpu.sem_alloc : memref<!tpu.dma_semaphore, #tpu.memory_space<semaphore_mem>>
      tpu.enqueue_dma source(%arg3 : memref<128xf32, #tpu.memory_space<hbm>>) target(%arg11 : memref<128xf32, #tpu.memory_space<vmem>>) target_semaphore(%run_scoped3A : memref<!tpu.dma_semaphore, #tpu.memory_space<semaphore_mem>>)
      tpu.wait_dma2 semaphore(%run_scoped3A : memref<!tpu.dma_semaphore, #tpu.memory_space<semaphore_mem>>) src(%arg3 : memref<128xf32, #tpu.memory_space<hbm>>) dst(%arg11 : memref<128xf32, #tpu.memory_space<vmem>>)
      tpu.yield
    }) : () -> ()
    %lt3A = arith.constant 10 : i32
    %lt3A_5 = arith.cmpi slt, %arg1, %lt3A : i32
    %convert_element_type3A = arith.extui %lt3A_5 : i1 to i32
    %cond3A = arith.constant 0 : i32
    %cond3A_6 = arith.cmpi ne, %convert_element_type3A, %cond3A : i32
    scf.if %cond3A_6 {
      "tpu.region"() ({
        %run_scoped3A = tpu.sem_alloc : memref<!tpu.dma_semaphore, #tpu.memory_space<semaphore_mem>>
        tpu.enqueue_dma source(%arg4 : memref<1000xf32, #tpu.memory_space<hbm>>) target(%arg12 : memref<1000xf32, #tpu.memory_space<vmem>>) target_semaphore(%run_scoped3A : memref<!tpu.dma_semaphore, #tpu.memory_space<semaphore_mem>>)
        tpu.wait_dma2 semaphore(%run_scoped3A : memref<!tpu.dma_semaphore, #tpu.memory_space<semaphore_mem>>) src(%arg4 : memref<1000xf32, #tpu.memory_space<hbm>>) dst(%arg12 : memref<1000xf32, #tpu.memory_space<vmem>>)
        tpu.yield
      }) : () -> ()
      %mul3A_108 = arith.constant 1000 : i32
      %mul3A_109 = arith.muli %arg1, %mul3A_108 : i32
      "tpu.region"() ({
        %run_scoped3A = tpu.sem_alloc : memref<!tpu.dma_semaphore, #tpu.memory_space<semaphore_mem>>
        %dma_start3A_110 = tpu.memref_slice %arg6[%mul3A_109] : memref<10000xf32, #tpu.memory_space<vmem_shared>> -> memref<1000xf32, #tpu.memory_space<vmem_shared>>
        %dma_start3A_111 = tpu.memref_slice %arg6[%mul3A_109] : memref<10000xf32, #tpu.memory_space<vmem_shared>> -> memref<1000xf32, #tpu.memory_space<vmem_shared>>
        tpu.enqueue_dma source(%arg12 : memref<1000xf32, #tpu.memory_space<vmem>>) target(%dma_start3A_111 : memref<1000xf32, #tpu.memory_space<vmem_shared>>) target_semaphore(%run_scoped3A : memref<!tpu.dma_semaphore, #tpu.memory_space<semaphore_mem>>)
        %dma_wait3A_112 = tpu.memref_slice %arg6[%mul3A_109] : memref<10000xf32, #tpu.memory_space<vmem_shared>> -> memref<1000xf32, #tpu.memory_space<vmem_shared>>
        %dma_wait3A_113 = tpu.memref_slice %arg6[%mul3A_109] : memref<10000xf32, #tpu.memory_space<vmem_shared>> -> memref<1000xf32, #tpu.memory_space<vmem_shared>>
        tpu.wait_dma2 semaphore(%run_scoped3A : memref<!tpu.dma_semaphore, #tpu.memory_space<semaphore_mem>>) src(%arg12 : memref<1000xf32, #tpu.memory_space<vmem>>) dst(%dma_wait3A_113 : memref<1000xf32, #tpu.memory_space<vmem_shared>>)
        tpu.yield
      }) : () -> ()
    } else {
    }
    %barrier3A = arith.constant 0 : index
    tpu.barrier barrier_id(%barrier3A)
    %jit3A_7 = arith.constant 5 : i32
    %div3A = arith.divsi %select_n3A, %jit3A_7 : i32
    %sign3A = arith.constant 0 : i32
    %sign3A_8 = arith.cmpi sgt, %select_n3A, %sign3A : i32
    %sign3A_9 = arith.extui %sign3A_8 : i1 to i32
    %sign3A_10 = arith.constant 0 : i32
    %sign3A_11 = arith.cmpi slt, %select_n3A, %sign3A_10 : i32
    %sign3A_12 = arith.extui %sign3A_11 : i1 to i32
    %sign3A_13 = arith.subi %sign3A_9, %sign3A_12 : i32
    %sign3A_14 = arith.constant 0 : i32
    %sign3A_15 = arith.cmpi sgt, %jit3A_7, %sign3A_14 : i32
    %sign3A_16 = arith.extui %sign3A_15 : i1 to i32
    %sign3A_17 = arith.constant 0 : i32
    %sign3A_18 = arith.cmpi slt, %jit3A_7, %sign3A_17 : i32
    %sign3A_19 = arith.extui %sign3A_18 : i1 to i32
    %sign3A_20 = arith.subi %sign3A_16, %sign3A_19 : i32
    %ne3A = arith.cmpi ne, %sign3A_13, %sign3A_20 : i32
    %rem3A = arith.remsi %select_n3A, %jit3A_7 : i32
    %ne3A_21 = arith.constant 0 : i32
    %ne3A_22 = arith.cmpi ne, %rem3A, %ne3A_21 : i32
    %and3A = arith.andi %ne3A, %ne3A_22 : i1
    %sub3A = arith.constant 1 : i32
    %sub3A_23 = arith.subi %div3A, %sub3A : i32
    %select_n3A_24 = arith.select %and3A, %sub3A_23, %div3A : i32
    %add3A_25 = arith.constant 0 : i32
    %add3A_26 = arith.addi %mul3A_4, %add3A_25 : i32
    %mul3A_27 = arith.constant 128 : i32
    %mul3A_28 = arith.muli %add3A_26, %mul3A_27 : i32
    %dma_start3A = arith.constant 0 : i32
    %dma_start3A_29 = tpu.memref_slice %arg2[%dma_start3A, %mul3A_28] : memref<2x320000xi32, #tpu.memory_space<hbm>> -> memref<2x640xi32, #tpu.memory_space<hbm>>
    %dma_start3A_30 = arith.constant 0 : i32
    %dma_start3A_31 = tpu.memref_slice %arg2[%dma_start3A_30, %mul3A_28] : memref<2x320000xi32, #tpu.memory_space<hbm>> -> memref<2x640xi32, #tpu.memory_space<hbm>>
    tpu.enqueue_dma source(%dma_start3A_31 : memref<2x640xi32, #tpu.memory_space<hbm>>) target(%arg7 : memref<2x640xi32, #tpu.memory_space<vmem>>) target_semaphore(%arg13 : memref<!tpu.dma_semaphore, #tpu.memory_space<semaphore_mem>>)
    %add3A_32 = arith.constant 5 : i32
    %add3A_33 = arith.addi %mul3A_4, %add3A_32 : i32
    %mul3A_34 = arith.constant 128 : i32
    %mul3A_35 = arith.muli %add3A_33, %mul3A_34 : i32
    %dma_start3A_36 = arith.constant 0 : i32
    %dma_start3A_37 = tpu.memref_slice %arg2[%dma_start3A_36, %mul3A_35] : memref<2x320000xi32, #tpu.memory_space<hbm>> -> memref<2x640xi32, #tpu.memory_space<hbm>>
    %dma_start3A_38 = arith.constant 0 : i32
    %dma_start3A_39 = tpu.memref_slice %arg2[%dma_start3A_38, %mul3A_35] : memref<2x320000xi32, #tpu.memory_space<hbm>> -> memref<2x640xi32, #tpu.memory_space<hbm>>
    tpu.enqueue_dma source(%dma_start3A_39 : memref<2x640xi32, #tpu.memory_space<hbm>>) target(%arg8 : memref<2x640xi32, #tpu.memory_space<vmem>>) target_semaphore(%arg14 : memref<!tpu.dma_semaphore, #tpu.memory_space<semaphore_mem>>)
    %jit3A_40 = arith.constant 4 : i32
    %div3A_41 = arith.divsi %select_n3A_24, %jit3A_40 : i32
    %sign3A_42 = arith.constant 0 : i32
    %sign3A_43 = arith.cmpi sgt, %select_n3A_24, %sign3A_42 : i32
    %sign3A_44 = arith.extui %sign3A_43 : i1 to i32
    %sign3A_45 = arith.constant 0 : i32
    %sign3A_46 = arith.cmpi slt, %select_n3A_24, %sign3A_45 : i32
    %sign3A_47 = arith.extui %sign3A_46 : i1 to i32
    %sign3A_48 = arith.subi %sign3A_44, %sign3A_47 : i32
    %sign3A_49 = arith.constant 0 : i32
    %sign3A_50 = arith.cmpi sgt, %jit3A_40, %sign3A_49 : i32
    %sign3A_51 = arith.extui %sign3A_50 : i1 to i32
    %sign3A_52 = arith.constant 0 : i32
    %sign3A_53 = arith.cmpi slt, %jit3A_40, %sign3A_52 : i32
    %sign3A_54 = arith.extui %sign3A_53 : i1 to i32
    %sign3A_55 = arith.subi %sign3A_51, %sign3A_54 : i32
    %ne3A_56 = arith.cmpi ne, %sign3A_48, %sign3A_55 : i32
    %rem3A_57 = arith.remsi %select_n3A_24, %jit3A_40 : i32
    %ne3A_58 = arith.constant 0 : i32
    %ne3A_59 = arith.cmpi ne, %rem3A_57, %ne3A_58 : i32
    %and3A_60 = arith.andi %ne3A_56, %ne3A_59 : i1
    %sub3A_61 = arith.constant 1 : i32
    %sub3A_62 = arith.subi %div3A_41, %sub3A_61 : i32
    %select_n3A_63 = arith.select %and3A_60, %sub3A_62, %div3A_41 : i32
    %while3A = arith.constant 0 : i32
    %while3A_64 = arith.constant 0 : i32
    %while3A_65 = arith.subi %select_n3A_63, %while3A_64 : i32
    %while3A_66 = arith.addi %while3A_64, %while3A_65 : i32
    %while3A_67 = arith.constant 1 : i32
    %while3A_68 = arith.divsi %while3A_65, %while3A_67 : i32
    %while3A_69 = arith.muli %while3A_68, %while3A_67 : i32
    %while3A_70 = arith.addi %while3A_64, %while3A_69 : i32
    %while3A_71 = arith.constant 1 : i32
    scf.for %while3A_108 = %while3A_64 to %while3A_70 step %while3A_71  : i32 {
      %mul3A_109 = arith.constant 4 : i32
      %mul3A_110 = arith.muli %while3A_108, %mul3A_109 : i32
      %add3A_111 = arith.constant 0 : i32
      %add3A_112 = arith.addi %mul3A_110, %add3A_111 : i32
      %mul3A_113 = arith.constant 5 : i32
      %mul3A_114 = arith.muli %add3A_112, %mul3A_113 : i32
      %add3A_115 = arith.addi %mul3A_4, %mul3A_114 : i32
      %mul3A_116 = arith.constant 128 : i32
      %mul3A_117 = arith.muli %add3A_115, %mul3A_116 : i32
      %dma_wait3A_118 = arith.constant 0 : i32
      %dma_wait3A_119 = tpu.memref_slice %arg2[%dma_wait3A_118, %mul3A_117] : memref<2x320000xi32, #tpu.memory_space<hbm>> -> memref<2x640xi32, #tpu.memory_space<hbm>>
      %dma_wait3A_120 = arith.constant 0 : i32
      %dma_wait3A_121 = tpu.memref_slice %arg2[%dma_wait3A_120, %mul3A_117] : memref<2x320000xi32, #tpu.memory_space<hbm>> -> memref<2x640xi32, #tpu.memory_space<hbm>>
      tpu.wait_dma2 semaphore(%arg13 : memref<!tpu.dma_semaphore, #tpu.memory_space<semaphore_mem>>) src(%dma_wait3A_121 : memref<2x640xi32, #tpu.memory_space<hbm>>) dst(%arg7 : memref<2x640xi32, #tpu.memory_space<vmem>>)
      %ge3A = arith.constant 1 : i32
      %ge3A_122 = arith.cmpi sge, %add3A_112, %ge3A : i32
      %convert_element_type3A_123 = arith.extui %ge3A_122 : i1 to i32
      %cond3A_124 = arith.constant 0 : i32
      %cond3A_125 = arith.cmpi ne, %convert_element_type3A_123, %cond3A_124 : i32
      scf.if %cond3A_125 {
        %dma_wait3A_404 = arith.constant 1 : i32
        %dma_wait3A_405 = arith.constant 0 : i32
        %dma_wait3A_406 = tpu.memref_slice %arg7[%dma_wait3A_404, %dma_wait3A_405] : memref<2x640xi32, #tpu.memory_space<vmem>> -> memref<1x128xi32, #tpu.memory_space<vmem>>
        %dma_wait3A_407 = tpu.memref_squeeze %dma_wait3A_406 : memref<1x128xi32, #tpu.memory_space<vmem>> -> memref<128xi32, #tpu.memory_space<vmem>>
        %dma_wait3A_408 = arith.constant 0 : i32
        %dma_wait3A_409 = tpu.memref_slice %arg6[%dma_wait3A_408] : memref<10000xf32, #tpu.memory_space<vmem_shared>> -> memref<10000xf32, #tpu.memory_space<vmem_shared>>
        tpu.wait_indirect_dma semaphore(%arg17 : memref<!tpu.dma_semaphore, #tpu.memory_space<semaphore_mem>>) src(%arg11 : memref<128xf32, #tpu.memory_space<vmem>>) dst(%dma_wait3A_409 : memref<10000xf32, #tpu.memory_space<vmem_shared>>)
      } else {
      }
      %dma_start3A_126 = arith.constant 1 : i32
      %dma_start3A_127 = arith.constant 0 : i32
      %dma_start3A_128 = tpu.memref_slice %arg7[%dma_start3A_126, %dma_start3A_127] : memref<2x640xi32, #tpu.memory_space<vmem>> -> memref<1x128xi32, #tpu.memory_space<vmem>>
      %dma_start3A_129 = tpu.memref_squeeze %dma_start3A_128 : memref<1x128xi32, #tpu.memory_space<vmem>> -> memref<128xi32, #tpu.memory_space<vmem>>
      %dma_start3A_130 = arith.constant 0 : i32
      %dma_start3A_131 = tpu.memref_slice %arg6[%dma_start3A_130] : memref<10000xf32, #tpu.memory_space<vmem_shared>> -> memref<10000xf32, #tpu.memory_space<vmem_shared>>
      tpu.enqueue_indirect_dma source(%arg11 : memref<128xf32, #tpu.memory_space<vmem>>) target(%dma_start3A_131 : memref<10000xf32, #tpu.memory_space<vmem_shared>>) offsets(%dma_start3A_129 : memref<128xi32, #tpu.memory_space<vmem>>) semaphore(%arg17 : memref<!tpu.dma_semaphore, #tpu.memory_space<semaphore_mem>>) {add = true}
      %ge3A_132 = arith.constant 1 : i32
      %ge3A_133 = arith.cmpi sge, %add3A_112, %ge3A_132 : i32
      %convert_element_type3A_134 = arith.extui %ge3A_133 : i1 to i32
      %cond3A_135 = arith.constant 0 : i32
      %cond3A_136 = arith.cmpi ne, %convert_element_type3A_134, %cond3A_135 : i32
      scf.if %cond3A_136 {
        %dma_wait3A_404 = arith.constant 1 : i32
        %dma_wait3A_405 = arith.constant 0 : i32
        %dma_wait3A_406 = tpu.memref_slice %arg7[%dma_wait3A_404, %dma_wait3A_405] : memref<2x640xi32, #tpu.memory_space<vmem>> -> memref<1x128xi32, #tpu.memory_space<vmem>>
        %dma_wait3A_407 = tpu.memref_squeeze %dma_wait3A_406 : memref<1x128xi32, #tpu.memory_space<vmem>> -> memref<128xi32, #tpu.memory_space<vmem>>
        %dma_wait3A_408 = arith.constant 0 : i32
        %dma_wait3A_409 = tpu.memref_slice %arg6[%dma_wait3A_408] : memref<10000xf32, #tpu.memory_space<vmem_shared>> -> memref<10000xf32, #tpu.memory_space<vmem_shared>>
        tpu.wait_indirect_dma semaphore(%arg18 : memref<!tpu.dma_semaphore, #tpu.memory_space<semaphore_mem>>) src(%arg11 : memref<128xf32, #tpu.memory_space<vmem>>) dst(%dma_wait3A_409 : memref<10000xf32, #tpu.memory_space<vmem_shared>>)
      } else {
      }
      %dma_start3A_137 = arith.constant 1 : i32
      %dma_start3A_138 = arith.constant 128 : i32
      %dma_start3A_139 = tpu.memref_slice %arg7[%dma_start3A_137, %dma_start3A_138] : memref<2x640xi32, #tpu.memory_space<vmem>> -> memref<1x128xi32, #tpu.memory_space<vmem>>
      %dma_start3A_140 = tpu.memref_squeeze %dma_start3A_139 : memref<1x128xi32, #tpu.memory_space<vmem>> -> memref<128xi32, #tpu.memory_space<vmem>>
      %dma_start3A_141 = arith.constant 0 : i32
      %dma_start3A_142 = tpu.memref_slice %arg6[%dma_start3A_141] : memref<10000xf32, #tpu.memory_space<vmem_shared>> -> memref<10000xf32, #tpu.memory_space<vmem_shared>>
      tpu.enqueue_indirect_dma source(%arg11 : memref<128xf32, #tpu.memory_space<vmem>>) target(%dma_start3A_142 : memref<10000xf32, #tpu.memory_space<vmem_shared>>) offsets(%dma_start3A_140 : memref<128xi32, #tpu.memory_space<vmem>>) semaphore(%arg18 : memref<!tpu.dma_semaphore, #tpu.memory_space<semaphore_mem>>) {add = true}
      %ge3A_143 = arith.constant 1 : i32
      %ge3A_144 = arith.cmpi sge, %add3A_112, %ge3A_143 : i32
      %convert_element_type3A_145 = arith.extui %ge3A_144 : i1 to i32
      %cond3A_146 = arith.constant 0 : i32
      %cond3A_147 = arith.cmpi ne, %convert_element_type3A_145, %cond3A_146 : i32
      scf.if %cond3A_147 {
        %dma_wait3A_404 = arith.constant 1 : i32
        %dma_wait3A_405 = arith.constant 0 : i32
        %dma_wait3A_406 = tpu.memref_slice %arg7[%dma_wait3A_404, %dma_wait3A_405] : memref<2x640xi32, #tpu.memory_space<vmem>> -> memref<1x128xi32, #tpu.memory_space<vmem>>
        %dma_wait3A_407 = tpu.memref_squeeze %dma_wait3A_406 : memref<1x128xi32, #tpu.memory_space<vmem>> -> memref<128xi32, #tpu.memory_space<vmem>>
        %dma_wait3A_408 = arith.constant 0 : i32
        %dma_wait3A_409 = tpu.memref_slice %arg6[%dma_wait3A_408] : memref<10000xf32, #tpu.memory_space<vmem_shared>> -> memref<10000xf32, #tpu.memory_space<vmem_shared>>
        tpu.wait_indirect_dma semaphore(%arg19 : memref<!tpu.dma_semaphore, #tpu.memory_space<semaphore_mem>>) src(%arg11 : memref<128xf32, #tpu.memory_space<vmem>>) dst(%dma_wait3A_409 : memref<10000xf32, #tpu.memory_space<vmem_shared>>)
      } else {
      }
      %dma_start3A_148 = arith.constant 1 : i32
      %dma_start3A_149 = arith.constant 256 : i32
      %dma_start3A_150 = tpu.memref_slice %arg7[%dma_start3A_148, %dma_start3A_149] : memref<2x640xi32, #tpu.memory_space<vmem>> -> memref<1x128xi32, #tpu.memory_space<vmem>>
      %dma_start3A_151 = tpu.memref_squeeze %dma_start3A_150 : memref<1x128xi32, #tpu.memory_space<vmem>> -> memref<128xi32, #tpu.memory_space<vmem>>
      %dma_start3A_152 = arith.constant 0 : i32
      %dma_start3A_153 = tpu.memref_slice %arg6[%dma_start3A_152] : memref<10000xf32, #tpu.memory_space<vmem_shared>> -> memref<10000xf32, #tpu.memory_space<vmem_shared>>
      tpu.enqueue_indirect_dma source(%arg11 : memref<128xf32, #tpu.memory_space<vmem>>) target(%dma_start3A_153 : memref<10000xf32, #tpu.memory_space<vmem_shared>>) offsets(%dma_start3A_151 : memref<128xi32, #tpu.memory_space<vmem>>) semaphore(%arg19 : memref<!tpu.dma_semaphore, #tpu.memory_space<semaphore_mem>>) {add = true}
      %ge3A_154 = arith.constant 1 : i32
      %ge3A_155 = arith.cmpi sge, %add3A_112, %ge3A_154 : i32
      %convert_element_type3A_156 = arith.extui %ge3A_155 : i1 to i32
      %cond3A_157 = arith.constant 0 : i32
      %cond3A_158 = arith.cmpi ne, %convert_element_type3A_156, %cond3A_157 : i32
      scf.if %cond3A_158 {
        %dma_wait3A_404 = arith.constant 1 : i32
        %dma_wait3A_405 = arith.constant 0 : i32
        %dma_wait3A_406 = tpu.memref_slice %arg7[%dma_wait3A_404, %dma_wait3A_405] : memref<2x640xi32, #tpu.memory_space<vmem>> -> memref<1x128xi32, #tpu.memory_space<vmem>>
        %dma_wait3A_407 = tpu.memref_squeeze %dma_wait3A_406 : memref<1x128xi32, #tpu.memory_space<vmem>> -> memref<128xi32, #tpu.memory_space<vmem>>
        %dma_wait3A_408 = arith.constant 0 : i32
        %dma_wait3A_409 = tpu.memref_slice %arg6[%dma_wait3A_408] : memref<10000xf32, #tpu.memory_space<vmem_shared>> -> memref<10000xf32, #tpu.memory_space<vmem_shared>>
        tpu.wait_indirect_dma semaphore(%arg20 : memref<!tpu.dma_semaphore, #tpu.memory_space<semaphore_mem>>) src(%arg11 : memref<128xf32, #tpu.memory_space<vmem>>) dst(%dma_wait3A_409 : memref<10000xf32, #tpu.memory_space<vmem_shared>>)
      } else {
      }
      %dma_start3A_159 = arith.constant 1 : i32
      %dma_start3A_160 = arith.constant 384 : i32
      %dma_start3A_161 = tpu.memref_slice %arg7[%dma_start3A_159, %dma_start3A_160] : memref<2x640xi32, #tpu.memory_space<vmem>> -> memref<1x128xi32, #tpu.memory_space<vmem>>
      %dma_start3A_162 = tpu.memref_squeeze %dma_start3A_161 : memref<1x128xi32, #tpu.memory_space<vmem>> -> memref<128xi32, #tpu.memory_space<vmem>>
      %dma_start3A_163 = arith.constant 0 : i32
      %dma_start3A_164 = tpu.memref_slice %arg6[%dma_start3A_163] : memref<10000xf32, #tpu.memory_space<vmem_shared>> -> memref<10000xf32, #tpu.memory_space<vmem_shared>>
      tpu.enqueue_indirect_dma source(%arg11 : memref<128xf32, #tpu.memory_space<vmem>>) target(%dma_start3A_164 : memref<10000xf32, #tpu.memory_space<vmem_shared>>) offsets(%dma_start3A_162 : memref<128xi32, #tpu.memory_space<vmem>>) semaphore(%arg20 : memref<!tpu.dma_semaphore, #tpu.memory_space<semaphore_mem>>) {add = true}
      %ge3A_165 = arith.constant 1 : i32
      %ge3A_166 = arith.cmpi sge, %add3A_112, %ge3A_165 : i32
      %convert_element_type3A_167 = arith.extui %ge3A_166 : i1 to i32
      %cond3A_168 = arith.constant 0 : i32
      %cond3A_169 = arith.cmpi ne, %convert_element_type3A_167, %cond3A_168 : i32
      scf.if %cond3A_169 {
        %dma_wait3A_404 = arith.constant 1 : i32
        %dma_wait3A_405 = arith.constant 0 : i32
        %dma_wait3A_406 = tpu.memref_slice %arg7[%dma_wait3A_404, %dma_wait3A_405] : memref<2x640xi32, #tpu.memory_space<vmem>> -> memref<1x128xi32, #tpu.memory_space<vmem>>
        %dma_wait3A_407 = tpu.memref_squeeze %dma_wait3A_406 : memref<1x128xi32, #tpu.memory_space<vmem>> -> memref<128xi32, #tpu.memory_space<vmem>>
        %dma_wait3A_408 = arith.constant 0 : i32
        %dma_wait3A_409 = tpu.memref_slice %arg6[%dma_wait3A_408] : memref<10000xf32, #tpu.memory_space<vmem_shared>> -> memref<10000xf32, #tpu.memory_space<vmem_shared>>
        tpu.wait_indirect_dma semaphore(%arg21 : memref<!tpu.dma_semaphore, #tpu.memory_space<semaphore_mem>>) src(%arg11 : memref<128xf32, #tpu.memory_space<vmem>>) dst(%dma_wait3A_409 : memref<10000xf32, #tpu.memory_space<vmem_shared>>)
      } else {
      }
      %dma_start3A_170 = arith.constant 1 : i32
      %dma_start3A_171 = arith.constant 512 : i32
      %dma_start3A_172 = tpu.memref_slice %arg7[%dma_start3A_170, %dma_start3A_171] : memref<2x640xi32, #tpu.memory_space<vmem>> -> memref<1x128xi32, #tpu.memory_space<vmem>>
      %dma_start3A_173 = tpu.memref_squeeze %dma_start3A_172 : memref<1x128xi32, #tpu.memory_space<vmem>> -> memref<128xi32, #tpu.memory_space<vmem>>
      %dma_start3A_174 = arith.constant 0 : i32
      %dma_start3A_175 = tpu.memref_slice %arg6[%dma_start3A_174] : memref<10000xf32, #tpu.memory_space<vmem_shared>> -> memref<10000xf32, #tpu.memory_space<vmem_shared>>
      tpu.enqueue_indirect_dma source(%arg11 : memref<128xf32, #tpu.memory_space<vmem>>) target(%dma_start3A_175 : memref<10000xf32, #tpu.memory_space<vmem_shared>>) offsets(%dma_start3A_173 : memref<128xi32, #tpu.memory_space<vmem>>) semaphore(%arg21 : memref<!tpu.dma_semaphore, #tpu.memory_space<semaphore_mem>>) {add = true}
      %add3A_176 = arith.constant 2 : i32
      %add3A_177 = arith.addi %add3A_112, %add3A_176 : i32
      %lt3A_178 = arith.cmpi slt, %add3A_177, %select_n3A_24 : i32
      %convert_element_type3A_179 = arith.extui %lt3A_178 : i1 to i32
      %cond3A_180 = arith.constant 0 : i32
      %cond3A_181 = arith.cmpi ne, %convert_element_type3A_179, %cond3A_180 : i32
      scf.if %cond3A_181 {
        %add3A_404 = arith.constant 2 : i32
        %add3A_405 = arith.addi %add3A_112, %add3A_404 : i32
        %mul3A_406 = arith.constant 5 : i32
        %mul3A_407 = arith.muli %add3A_405, %mul3A_406 : i32
        %add3A_408 = arith.addi %mul3A_4, %mul3A_407 : i32
        %mul3A_409 = arith.constant 128 : i32
        %mul3A_410 = arith.muli %add3A_408, %mul3A_409 : i32
        %dma_start3A_411 = arith.constant 0 : i32
        %dma_start3A_412 = tpu.memref_slice %arg2[%dma_start3A_411, %mul3A_410] : memref<2x320000xi32, #tpu.memory_space<hbm>> -> memref<2x640xi32, #tpu.memory_space<hbm>>
        %dma_start3A_413 = arith.constant 0 : i32
        %dma_start3A_414 = tpu.memref_slice %arg2[%dma_start3A_413, %mul3A_410] : memref<2x320000xi32, #tpu.memory_space<hbm>> -> memref<2x640xi32, #tpu.memory_space<hbm>>
        tpu.enqueue_dma source(%dma_start3A_414 : memref<2x640xi32, #tpu.memory_space<hbm>>) target(%arg9 : memref<2x640xi32, #tpu.memory_space<vmem>>) target_semaphore(%arg15 : memref<!tpu.dma_semaphore, #tpu.memory_space<semaphore_mem>>)
      } else {
      }
      %mul3A_182 = arith.constant 4 : i32
      %mul3A_183 = arith.muli %while3A_108, %mul3A_182 : i32
      %add3A_184 = arith.constant 1 : i32
      %add3A_185 = arith.addi %mul3A_183, %add3A_184 : i32
      %mul3A_186 = arith.constant 5 : i32
      %mul3A_187 = arith.muli %add3A_185, %mul3A_186 : i32
      %add3A_188 = arith.addi %mul3A_4, %mul3A_187 : i32
      %mul3A_189 = arith.constant 128 : i32
      %mul3A_190 = arith.muli %add3A_188, %mul3A_189 : i32
      %dma_wait3A_191 = arith.constant 0 : i32
      %dma_wait3A_192 = tpu.memref_slice %arg2[%dma_wait3A_191, %mul3A_190] : memref<2x320000xi32, #tpu.memory_space<hbm>> -> memref<2x640xi32, #tpu.memory_space<hbm>>
      %dma_wait3A_193 = arith.constant 0 : i32
      %dma_wait3A_194 = tpu.memref_slice %arg2[%dma_wait3A_193, %mul3A_190] : memref<2x320000xi32, #tpu.memory_space<hbm>> -> memref<2x640xi32, #tpu.memory_space<hbm>>
      tpu.wait_dma2 semaphore(%arg14 : memref<!tpu.dma_semaphore, #tpu.memory_space<semaphore_mem>>) src(%dma_wait3A_194 : memref<2x640xi32, #tpu.memory_space<hbm>>) dst(%arg8 : memref<2x640xi32, #tpu.memory_space<vmem>>)
      %ge3A_195 = arith.constant 1 : i32
      %ge3A_196 = arith.cmpi sge, %add3A_185, %ge3A_195 : i32
      %convert_element_type3A_197 = arith.extui %ge3A_196 : i1 to i32
      %cond3A_198 = arith.constant 0 : i32
      %cond3A_199 = arith.cmpi ne, %convert_element_type3A_197, %cond3A_198 : i32
      scf.if %cond3A_199 {
        %dma_wait3A_404 = arith.constant 1 : i32
        %dma_wait3A_405 = arith.constant 0 : i32
        %dma_wait3A_406 = tpu.memref_slice %arg7[%dma_wait3A_404, %dma_wait3A_405] : memref<2x640xi32, #tpu.memory_space<vmem>> -> memref<1x128xi32, #tpu.memory_space<vmem>>
        %dma_wait3A_407 = tpu.memref_squeeze %dma_wait3A_406 : memref<1x128xi32, #tpu.memory_space<vmem>> -> memref<128xi32, #tpu.memory_space<vmem>>
        %dma_wait3A_408 = arith.constant 0 : i32
        %dma_wait3A_409 = tpu.memref_slice %arg6[%dma_wait3A_408] : memref<10000xf32, #tpu.memory_space<vmem_shared>> -> memref<10000xf32, #tpu.memory_space<vmem_shared>>
        tpu.wait_indirect_dma semaphore(%arg17 : memref<!tpu.dma_semaphore, #tpu.memory_space<semaphore_mem>>) src(%arg11 : memref<128xf32, #tpu.memory_space<vmem>>) dst(%dma_wait3A_409 : memref<10000xf32, #tpu.memory_space<vmem_shared>>)
      } else {
      }
      %dma_start3A_200 = arith.constant 1 : i32
      %dma_start3A_201 = arith.constant 0 : i32
      %dma_start3A_202 = tpu.memref_slice %arg8[%dma_start3A_200, %dma_start3A_201] : memref<2x640xi32, #tpu.memory_space<vmem>> -> memref<1x128xi32, #tpu.memory_space<vmem>>
      %dma_start3A_203 = tpu.memref_squeeze %dma_start3A_202 : memref<1x128xi32, #tpu.memory_space<vmem>> -> memref<128xi32, #tpu.memory_space<vmem>>
      %dma_start3A_204 = arith.constant 0 : i32
      %dma_start3A_205 = tpu.memref_slice %arg6[%dma_start3A_204] : memref<10000xf32, #tpu.memory_space<vmem_shared>> -> memref<10000xf32, #tpu.memory_space<vmem_shared>>
      tpu.enqueue_indirect_dma source(%arg11 : memref<128xf32, #tpu.memory_space<vmem>>) target(%dma_start3A_205 : memref<10000xf32, #tpu.memory_space<vmem_shared>>) offsets(%dma_start3A_203 : memref<128xi32, #tpu.memory_space<vmem>>) semaphore(%arg17 : memref<!tpu.dma_semaphore, #tpu.memory_space<semaphore_mem>>) {add = true}
      %ge3A_206 = arith.constant 1 : i32
      %ge3A_207 = arith.cmpi sge, %add3A_185, %ge3A_206 : i32
      %convert_element_type3A_208 = arith.extui %ge3A_207 : i1 to i32
      %cond3A_209 = arith.constant 0 : i32
      %cond3A_210 = arith.cmpi ne, %convert_element_type3A_208, %cond3A_209 : i32
      scf.if %cond3A_210 {
        %dma_wait3A_404 = arith.constant 1 : i32
        %dma_wait3A_405 = arith.constant 0 : i32
        %dma_wait3A_406 = tpu.memref_slice %arg7[%dma_wait3A_404, %dma_wait3A_405] : memref<2x640xi32, #tpu.memory_space<vmem>> -> memref<1x128xi32, #tpu.memory_space<vmem>>
        %dma_wait3A_407 = tpu.memref_squeeze %dma_wait3A_406 : memref<1x128xi32, #tpu.memory_space<vmem>> -> memref<128xi32, #tpu.memory_space<vmem>>
        %dma_wait3A_408 = arith.constant 0 : i32
        %dma_wait3A_409 = tpu.memref_slice %arg6[%dma_wait3A_408] : memref<10000xf32, #tpu.memory_space<vmem_shared>> -> memref<10000xf32, #tpu.memory_space<vmem_shared>>
        tpu.wait_indirect_dma semaphore(%arg18 : memref<!tpu.dma_semaphore, #tpu.memory_space<semaphore_mem>>) src(%arg11 : memref<128xf32, #tpu.memory_space<vmem>>) dst(%dma_wait3A_409 : memref<10000xf32, #tpu.memory_space<vmem_shared>>)
      } else {
      }
      %dma_start3A_211 = arith.constant 1 : i32
      %dma_start3A_212 = arith.constant 128 : i32
      %dma_start3A_213 = tpu.memref_slice %arg8[%dma_start3A_211, %dma_start3A_212] : memref<2x640xi32, #tpu.memory_space<vmem>> -> memref<1x128xi32, #tpu.memory_space<vmem>>
      %dma_start3A_214 = tpu.memref_squeeze %dma_start3A_213 : memref<1x128xi32, #tpu.memory_space<vmem>> -> memref<128xi32, #tpu.memory_space<vmem>>
      %dma_start3A_215 = arith.constant 0 : i32
      %dma_start3A_216 = tpu.memref_slice %arg6[%dma_start3A_215] : memref<10000xf32, #tpu.memory_space<vmem_shared>> -> memref<10000xf32, #tpu.memory_space<vmem_shared>>
      tpu.enqueue_indirect_dma source(%arg11 : memref<128xf32, #tpu.memory_space<vmem>>) target(%dma_start3A_216 : memref<10000xf32, #tpu.memory_space<vmem_shared>>) offsets(%dma_start3A_214 : memref<128xi32, #tpu.memory_space<vmem>>) semaphore(%arg18 : memref<!tpu.dma_semaphore, #tpu.memory_space<semaphore_mem>>) {add = true}
      %ge3A_217 = arith.constant 1 : i32
      %ge3A_218 = arith.cmpi sge, %add3A_185, %ge3A_217 : i32
      %convert_element_type3A_219 = arith.extui %ge3A_218 : i1 to i32
      %cond3A_220 = arith.constant 0 : i32
      %cond3A_221 = arith.cmpi ne, %convert_element_type3A_219, %cond3A_220 : i32
      scf.if %cond3A_221 {
        %dma_wait3A_404 = arith.constant 1 : i32
        %dma_wait3A_405 = arith.constant 0 : i32
        %dma_wait3A_406 = tpu.memref_slice %arg7[%dma_wait3A_404, %dma_wait3A_405] : memref<2x640xi32, #tpu.memory_space<vmem>> -> memref<1x128xi32, #tpu.memory_space<vmem>>
        %dma_wait3A_407 = tpu.memref_squeeze %dma_wait3A_406 : memref<1x128xi32, #tpu.memory_space<vmem>> -> memref<128xi32, #tpu.memory_space<vmem>>
        %dma_wait3A_408 = arith.constant 0 : i32
        %dma_wait3A_409 = tpu.memref_slice %arg6[%dma_wait3A_408] : memref<10000xf32, #tpu.memory_space<vmem_shared>> -> memref<10000xf32, #tpu.memory_space<vmem_shared>>
        tpu.wait_indirect_dma semaphore(%arg19 : memref<!tpu.dma_semaphore, #tpu.memory_space<semaphore_mem>>) src(%arg11 : memref<128xf32, #tpu.memory_space<vmem>>) dst(%dma_wait3A_409 : memref<10000xf32, #tpu.memory_space<vmem_shared>>)
      } else {
      }
      %dma_start3A_222 = arith.constant 1 : i32
      %dma_start3A_223 = arith.constant 256 : i32
      %dma_start3A_224 = tpu.memref_slice %arg8[%dma_start3A_222, %dma_start3A_223] : memref<2x640xi32, #tpu.memory_space<vmem>> -> memref<1x128xi32, #tpu.memory_space<vmem>>
      %dma_start3A_225 = tpu.memref_squeeze %dma_start3A_224 : memref<1x128xi32, #tpu.memory_space<vmem>> -> memref<128xi32, #tpu.memory_space<vmem>>
      %dma_start3A_226 = arith.constant 0 : i32
      %dma_start3A_227 = tpu.memref_slice %arg6[%dma_start3A_226] : memref<10000xf32, #tpu.memory_space<vmem_shared>> -> memref<10000xf32, #tpu.memory_space<vmem_shared>>
      tpu.enqueue_indirect_dma source(%arg11 : memref<128xf32, #tpu.memory_space<vmem>>) target(%dma_start3A_227 : memref<10000xf32, #tpu.memory_space<vmem_shared>>) offsets(%dma_start3A_225 : memref<128xi32, #tpu.memory_space<vmem>>) semaphore(%arg19 : memref<!tpu.dma_semaphore, #tpu.memory_space<semaphore_mem>>) {add = true}
      %ge3A_228 = arith.constant 1 : i32
      %ge3A_229 = arith.cmpi sge, %add3A_185, %ge3A_228 : i32
      %convert_element_type3A_230 = arith.extui %ge3A_229 : i1 to i32
      %cond3A_231 = arith.constant 0 : i32
      %cond3A_232 = arith.cmpi ne, %convert_element_type3A_230, %cond3A_231 : i32
      scf.if %cond3A_232 {
        %dma_wait3A_404 = arith.constant 1 : i32
        %dma_wait3A_405 = arith.constant 0 : i32
        %dma_wait3A_406 = tpu.memref_slice %arg7[%dma_wait3A_404, %dma_wait3A_405] : memref<2x640xi32, #tpu.memory_space<vmem>> -> memref<1x128xi32, #tpu.memory_space<vmem>>
        %dma_wait3A_407 = tpu.memref_squeeze %dma_wait3A_406 : memref<1x128xi32, #tpu.memory_space<vmem>> -> memref<128xi32, #tpu.memory_space<vmem>>
        %dma_wait3A_408 = arith.constant 0 : i32
        %dma_wait3A_409 = tpu.memref_slice %arg6[%dma_wait3A_408] : memref<10000xf32, #tpu.memory_space<vmem_shared>> -> memref<10000xf32, #tpu.memory_space<vmem_shared>>
        tpu.wait_indirect_dma semaphore(%arg20 : memref<!tpu.dma_semaphore, #tpu.memory_space<semaphore_mem>>) src(%arg11 : memref<128xf32, #tpu.memory_space<vmem>>) dst(%dma_wait3A_409 : memref<10000xf32, #tpu.memory_space<vmem_shared>>)
      } else {
      }
      %dma_start3A_233 = arith.constant 1 : i32
      %dma_start3A_234 = arith.constant 384 : i32
      %dma_start3A_235 = tpu.memref_slice %arg8[%dma_start3A_233, %dma_start3A_234] : memref<2x640xi32, #tpu.memory_space<vmem>> -> memref<1x128xi32, #tpu.memory_space<vmem>>
      %dma_start3A_236 = tpu.memref_squeeze %dma_start3A_235 : memref<1x128xi32, #tpu.memory_space<vmem>> -> memref<128xi32, #tpu.memory_space<vmem>>
      %dma_start3A_237 = arith.constant 0 : i32
      %dma_start3A_238 = tpu.memref_slice %arg6[%dma_start3A_237] : memref<10000xf32, #tpu.memory_space<vmem_shared>> -> memref<10000xf32, #tpu.memory_space<vmem_shared>>
      tpu.enqueue_indirect_dma source(%arg11 : memref<128xf32, #tpu.memory_space<vmem>>) target(%dma_start3A_238 : memref<10000xf32, #tpu.memory_space<vmem_shared>>) offsets(%dma_start3A_236 : memref<128xi32, #tpu.memory_space<vmem>>) semaphore(%arg20 : memref<!tpu.dma_semaphore, #tpu.memory_space<semaphore_mem>>) {add = true}
      %ge3A_239 = arith.constant 1 : i32
      %ge3A_240 = arith.cmpi sge, %add3A_185, %ge3A_239 : i32
      %convert_element_type3A_241 = arith.extui %ge3A_240 : i1 to i32
      %cond3A_242 = arith.constant 0 : i32
      %cond3A_243 = arith.cmpi ne, %convert_element_type3A_241, %cond3A_242 : i32
      scf.if %cond3A_243 {
        %dma_wait3A_404 = arith.constant 1 : i32
        %dma_wait3A_405 = arith.constant 0 : i32
        %dma_wait3A_406 = tpu.memref_slice %arg7[%dma_wait3A_404, %dma_wait3A_405] : memref<2x640xi32, #tpu.memory_space<vmem>> -> memref<1x128xi32, #tpu.memory_space<vmem>>
        %dma_wait3A_407 = tpu.memref_squeeze %dma_wait3A_406 : memref<1x128xi32, #tpu.memory_space<vmem>> -> memref<128xi32, #tpu.memory_space<vmem>>
        %dma_wait3A_408 = arith.constant 0 : i32
        %dma_wait3A_409 = tpu.memref_slice %arg6[%dma_wait3A_408] : memref<10000xf32, #tpu.memory_space<vmem_shared>> -> memref<10000xf32, #tpu.memory_space<vmem_shared>>
        tpu.wait_indirect_dma semaphore(%arg21 : memref<!tpu.dma_semaphore, #tpu.memory_space<semaphore_mem>>) src(%arg11 : memref<128xf32, #tpu.memory_space<vmem>>) dst(%dma_wait3A_409 : memref<10000xf32, #tpu.memory_space<vmem_shared>>)
      } else {
      }
      %dma_start3A_244 = arith.constant 1 : i32
      %dma_start3A_245 = arith.constant 512 : i32
      %dma_start3A_246 = tpu.memref_slice %arg8[%dma_start3A_244, %dma_start3A_245] : memref<2x640xi32, #tpu.memory_space<vmem>> -> memref<1x128xi32, #tpu.memory_space<vmem>>
      %dma_start3A_247 = tpu.memref_squeeze %dma_start3A_246 : memref<1x128xi32, #tpu.memory_space<vmem>> -> memref<128xi32, #tpu.memory_space<vmem>>
      %dma_start3A_248 = arith.constant 0 : i32
      %dma_start3A_249 = tpu.memref_slice %arg6[%dma_start3A_248] : memref<10000xf32, #tpu.memory_space<vmem_shared>> -> memref<10000xf32, #tpu.memory_space<vmem_shared>>
      tpu.enqueue_indirect_dma source(%arg11 : memref<128xf32, #tpu.memory_space<vmem>>) target(%dma_start3A_249 : memref<10000xf32, #tpu.memory_space<vmem_shared>>) offsets(%dma_start3A_247 : memref<128xi32, #tpu.memory_space<vmem>>) semaphore(%arg21 : memref<!tpu.dma_semaphore, #tpu.memory_space<semaphore_mem>>) {add = true}
      %add3A_250 = arith.constant 2 : i32
      %add3A_251 = arith.addi %add3A_185, %add3A_250 : i32
      %lt3A_252 = arith.cmpi slt, %add3A_251, %select_n3A_24 : i32
      %convert_element_type3A_253 = arith.extui %lt3A_252 : i1 to i32
      %cond3A_254 = arith.constant 0 : i32
      %cond3A_255 = arith.cmpi ne, %convert_element_type3A_253, %cond3A_254 : i32
      scf.if %cond3A_255 {
        %add3A_404 = arith.constant 2 : i32
        %add3A_405 = arith.addi %add3A_185, %add3A_404 : i32
        %mul3A_406 = arith.constant 5 : i32
        %mul3A_407 = arith.muli %add3A_405, %mul3A_406 : i32
        %add3A_408 = arith.addi %mul3A_4, %mul3A_407 : i32
        %mul3A_409 = arith.constant 128 : i32
        %mul3A_410 = arith.muli %add3A_408, %mul3A_409 : i32
        %dma_start3A_411 = arith.constant 0 : i32
        %dma_start3A_412 = tpu.memref_slice %arg2[%dma_start3A_411, %mul3A_410] : memref<2x320000xi32, #tpu.memory_space<hbm>> -> memref<2x640xi32, #tpu.memory_space<hbm>>
        %dma_start3A_413 = arith.constant 0 : i32
        %dma_start3A_414 = tpu.memref_slice %arg2[%dma_start3A_413, %mul3A_410] : memref<2x320000xi32, #tpu.memory_space<hbm>> -> memref<2x640xi32, #tpu.memory_space<hbm>>
        tpu.enqueue_dma source(%dma_start3A_414 : memref<2x640xi32, #tpu.memory_space<hbm>>) target(%arg10 : memref<2x640xi32, #tpu.memory_space<vmem>>) target_semaphore(%arg16 : memref<!tpu.dma_semaphore, #tpu.memory_space<semaphore_mem>>)
      } else {
      }
      %mul3A_256 = arith.constant 4 : i32
      %mul3A_257 = arith.muli %while3A_108, %mul3A_256 : i32
      %add3A_258 = arith.constant 2 : i32
      %add3A_259 = arith.addi %mul3A_257, %add3A_258 : i32
      %mul3A_260 = arith.constant 5 : i32
      %mul3A_261 = arith.muli %add3A_259, %mul3A_260 : i32
      %add3A_262 = arith.addi %mul3A_4, %mul3A_261 : i32
      %mul3A_263 = arith.constant 128 : i32
      %mul3A_264 = arith.muli %add3A_262, %mul3A_263 : i32
      %dma_wait3A_265 = arith.constant 0 : i32
      %dma_wait3A_266 = tpu.memref_slice %arg2[%dma_wait3A_265, %mul3A_264] : memref<2x320000xi32, #tpu.memory_space<hbm>> -> memref<2x640xi32, #tpu.memory_space<hbm>>
      %dma_wait3A_267 = arith.constant 0 : i32
      %dma_wait3A_268 = tpu.memref_slice %arg2[%dma_wait3A_267, %mul3A_264] : memref<2x320000xi32, #tpu.memory_space<hbm>> -> memref<2x640xi32, #tpu.memory_space<hbm>>
      tpu.wait_dma2 semaphore(%arg15 : memref<!tpu.dma_semaphore, #tpu.memory_space<semaphore_mem>>) src(%dma_wait3A_268 : memref<2x640xi32, #tpu.memory_space<hbm>>) dst(%arg9 : memref<2x640xi32, #tpu.memory_space<vmem>>)
      %ge3A_269 = arith.constant 1 : i32
      %ge3A_270 = arith.cmpi sge, %add3A_259, %ge3A_269 : i32
      %convert_element_type3A_271 = arith.extui %ge3A_270 : i1 to i32
      %cond3A_272 = arith.constant 0 : i32
      %cond3A_273 = arith.cmpi ne, %convert_element_type3A_271, %cond3A_272 : i32
      scf.if %cond3A_273 {
        %dma_wait3A_404 = arith.constant 1 : i32
        %dma_wait3A_405 = arith.constant 0 : i32
        %dma_wait3A_406 = tpu.memref_slice %arg7[%dma_wait3A_404, %dma_wait3A_405] : memref<2x640xi32, #tpu.memory_space<vmem>> -> memref<1x128xi32, #tpu.memory_space<vmem>>
        %dma_wait3A_407 = tpu.memref_squeeze %dma_wait3A_406 : memref<1x128xi32, #tpu.memory_space<vmem>> -> memref<128xi32, #tpu.memory_space<vmem>>
        %dma_wait3A_408 = arith.constant 0 : i32
        %dma_wait3A_409 = tpu.memref_slice %arg6[%dma_wait3A_408] : memref<10000xf32, #tpu.memory_space<vmem_shared>> -> memref<10000xf32, #tpu.memory_space<vmem_shared>>
        tpu.wait_indirect_dma semaphore(%arg17 : memref<!tpu.dma_semaphore, #tpu.memory_space<semaphore_mem>>) src(%arg11 : memref<128xf32, #tpu.memory_space<vmem>>) dst(%dma_wait3A_409 : memref<10000xf32, #tpu.memory_space<vmem_shared>>)
      } else {
      }
      %dma_start3A_274 = arith.constant 1 : i32
      %dma_start3A_275 = arith.constant 0 : i32
      %dma_start3A_276 = tpu.memref_slice %arg9[%dma_start3A_274, %dma_start3A_275] : memref<2x640xi32, #tpu.memory_space<vmem>> -> memref<1x128xi32, #tpu.memory_space<vmem>>
      %dma_start3A_277 = tpu.memref_squeeze %dma_start3A_276 : memref<1x128xi32, #tpu.memory_space<vmem>> -> memref<128xi32, #tpu.memory_space<vmem>>
      %dma_start3A_278 = arith.constant 0 : i32
      %dma_start3A_279 = tpu.memref_slice %arg6[%dma_start3A_278] : memref<10000xf32, #tpu.memory_space<vmem_shared>> -> memref<10000xf32, #tpu.memory_space<vmem_shared>>
      tpu.enqueue_indirect_dma source(%arg11 : memref<128xf32, #tpu.memory_space<vmem>>) target(%dma_start3A_279 : memref<10000xf32, #tpu.memory_space<vmem_shared>>) offsets(%dma_start3A_277 : memref<128xi32, #tpu.memory_space<vmem>>) semaphore(%arg17 : memref<!tpu.dma_semaphore, #tpu.memory_space<semaphore_mem>>) {add = true}
      %ge3A_280 = arith.constant 1 : i32
      %ge3A_281 = arith.cmpi sge, %add3A_259, %ge3A_280 : i32
      %convert_element_type3A_282 = arith.extui %ge3A_281 : i1 to i32
      %cond3A_283 = arith.constant 0 : i32
      %cond3A_284 = arith.cmpi ne, %convert_element_type3A_282, %cond3A_283 : i32
      scf.if %cond3A_284 {
        %dma_wait3A_404 = arith.constant 1 : i32
        %dma_wait3A_405 = arith.constant 0 : i32
        %dma_wait3A_406 = tpu.memref_slice %arg7[%dma_wait3A_404, %dma_wait3A_405] : memref<2x640xi32, #tpu.memory_space<vmem>> -> memref<1x128xi32, #tpu.memory_space<vmem>>
        %dma_wait3A_407 = tpu.memref_squeeze %dma_wait3A_406 : memref<1x128xi32, #tpu.memory_space<vmem>> -> memref<128xi32, #tpu.memory_space<vmem>>
        %dma_wait3A_408 = arith.constant 0 : i32
        %dma_wait3A_409 = tpu.memref_slice %arg6[%dma_wait3A_408] : memref<10000xf32, #tpu.memory_space<vmem_shared>> -> memref<10000xf32, #tpu.memory_space<vmem_shared>>
        tpu.wait_indirect_dma semaphore(%arg18 : memref<!tpu.dma_semaphore, #tpu.memory_space<semaphore_mem>>) src(%arg11 : memref<128xf32, #tpu.memory_space<vmem>>) dst(%dma_wait3A_409 : memref<10000xf32, #tpu.memory_space<vmem_shared>>)
      } else {
      }
      %dma_start3A_285 = arith.constant 1 : i32
      %dma_start3A_286 = arith.constant 128 : i32
      %dma_start3A_287 = tpu.memref_slice %arg9[%dma_start3A_285, %dma_start3A_286] : memref<2x640xi32, #tpu.memory_space<vmem>> -> memref<1x128xi32, #tpu.memory_space<vmem>>
      %dma_start3A_288 = tpu.memref_squeeze %dma_start3A_287 : memref<1x128xi32, #tpu.memory_space<vmem>> -> memref<128xi32, #tpu.memory_space<vmem>>
      %dma_start3A_289 = arith.constant 0 : i32
      %dma_start3A_290 = tpu.memref_slice %arg6[%dma_start3A_289] : memref<10000xf32, #tpu.memory_space<vmem_shared>> -> memref<10000xf32, #tpu.memory_space<vmem_shared>>
      tpu.enqueue_indirect_dma source(%arg11 : memref<128xf32, #tpu.memory_space<vmem>>) target(%dma_start3A_290 : memref<10000xf32, #tpu.memory_space<vmem_shared>>) offsets(%dma_start3A_288 : memref<128xi32, #tpu.memory_space<vmem>>) semaphore(%arg18 : memref<!tpu.dma_semaphore, #tpu.memory_space<semaphore_mem>>) {add = true}
      %ge3A_291 = arith.constant 1 : i32
      %ge3A_292 = arith.cmpi sge, %add3A_259, %ge3A_291 : i32
      %convert_element_type3A_293 = arith.extui %ge3A_292 : i1 to i32
      %cond3A_294 = arith.constant 0 : i32
      %cond3A_295 = arith.cmpi ne, %convert_element_type3A_293, %cond3A_294 : i32
      scf.if %cond3A_295 {
        %dma_wait3A_404 = arith.constant 1 : i32
        %dma_wait3A_405 = arith.constant 0 : i32
        %dma_wait3A_406 = tpu.memref_slice %arg7[%dma_wait3A_404, %dma_wait3A_405] : memref<2x640xi32, #tpu.memory_space<vmem>> -> memref<1x128xi32, #tpu.memory_space<vmem>>
        %dma_wait3A_407 = tpu.memref_squeeze %dma_wait3A_406 : memref<1x128xi32, #tpu.memory_space<vmem>> -> memref<128xi32, #tpu.memory_space<vmem>>
        %dma_wait3A_408 = arith.constant 0 : i32
        %dma_wait3A_409 = tpu.memref_slice %arg6[%dma_wait3A_408] : memref<10000xf32, #tpu.memory_space<vmem_shared>> -> memref<10000xf32, #tpu.memory_space<vmem_shared>>
        tpu.wait_indirect_dma semaphore(%arg19 : memref<!tpu.dma_semaphore, #tpu.memory_space<semaphore_mem>>) src(%arg11 : memref<128xf32, #tpu.memory_space<vmem>>) dst(%dma_wait3A_409 : memref<10000xf32, #tpu.memory_space<vmem_shared>>)
      } else {
      }
      %dma_start3A_296 = arith.constant 1 : i32
      %dma_start3A_297 = arith.constant 256 : i32
      %dma_start3A_298 = tpu.memref_slice %arg9[%dma_start3A_296, %dma_start3A_297] : memref<2x640xi32, #tpu.memory_space<vmem>> -> memref<1x128xi32, #tpu.memory_space<vmem>>
      %dma_start3A_299 = tpu.memref_squeeze %dma_start3A_298 : memref<1x128xi32, #tpu.memory_space<vmem>> -> memref<128xi32, #tpu.memory_space<vmem>>
      %dma_start3A_300 = arith.constant 0 : i32
      %dma_start3A_301 = tpu.memref_slice %arg6[%dma_start3A_300] : memref<10000xf32, #tpu.memory_space<vmem_shared>> -> memref<10000xf32, #tpu.memory_space<vmem_shared>>
      tpu.enqueue_indirect_dma source(%arg11 : memref<128xf32, #tpu.memory_space<vmem>>) target(%dma_start3A_301 : memref<10000xf32, #tpu.memory_space<vmem_shared>>) offsets(%dma_start3A_299 : memref<128xi32, #tpu.memory_space<vmem>>) semaphore(%arg19 : memref<!tpu.dma_semaphore, #tpu.memory_space<semaphore_mem>>) {add = true}
      %ge3A_302 = arith.constant 1 : i32
      %ge3A_303 = arith.cmpi sge, %add3A_259, %ge3A_302 : i32
      %convert_element_type3A_304 = arith.extui %ge3A_303 : i1 to i32
      %cond3A_305 = arith.constant 0 : i32
      %cond3A_306 = arith.cmpi ne, %convert_element_type3A_304, %cond3A_305 : i32
      scf.if %cond3A_306 {
        %dma_wait3A_404 = arith.constant 1 : i32
        %dma_wait3A_405 = arith.constant 0 : i32
        %dma_wait3A_406 = tpu.memref_slice %arg7[%dma_wait3A_404, %dma_wait3A_405] : memref<2x640xi32, #tpu.memory_space<vmem>> -> memref<1x128xi32, #tpu.memory_space<vmem>>
        %dma_wait3A_407 = tpu.memref_squeeze %dma_wait3A_406 : memref<1x128xi32, #tpu.memory_space<vmem>> -> memref<128xi32, #tpu.memory_space<vmem>>
        %dma_wait3A_408 = arith.constant 0 : i32
        %dma_wait3A_409 = tpu.memref_slice %arg6[%dma_wait3A_408] : memref<10000xf32, #tpu.memory_space<vmem_shared>> -> memref<10000xf32, #tpu.memory_space<vmem_shared>>
        tpu.wait_indirect_dma semaphore(%arg20 : memref<!tpu.dma_semaphore, #tpu.memory_space<semaphore_mem>>) src(%arg11 : memref<128xf32, #tpu.memory_space<vmem>>) dst(%dma_wait3A_409 : memref<10000xf32, #tpu.memory_space<vmem_shared>>)
      } else {
      }
      %dma_start3A_307 = arith.constant 1 : i32
      %dma_start3A_308 = arith.constant 384 : i32
      %dma_start3A_309 = tpu.memref_slice %arg9[%dma_start3A_307, %dma_start3A_308] : memref<2x640xi32, #tpu.memory_space<vmem>> -> memref<1x128xi32, #tpu.memory_space<vmem>>
      %dma_start3A_310 = tpu.memref_squeeze %dma_start3A_309 : memref<1x128xi32, #tpu.memory_space<vmem>> -> memref<128xi32, #tpu.memory_space<vmem>>
      %dma_start3A_311 = arith.constant 0 : i32
      %dma_start3A_312 = tpu.memref_slice %arg6[%dma_start3A_311] : memref<10000xf32, #tpu.memory_space<vmem_shared>> -> memref<10000xf32, #tpu.memory_space<vmem_shared>>
      tpu.enqueue_indirect_dma source(%arg11 : memref<128xf32, #tpu.memory_space<vmem>>) target(%dma_start3A_312 : memref<10000xf32, #tpu.memory_space<vmem_shared>>) offsets(%dma_start3A_310 : memref<128xi32, #tpu.memory_space<vmem>>) semaphore(%arg20 : memref<!tpu.dma_semaphore, #tpu.memory_space<semaphore_mem>>) {add = true}
      %ge3A_313 = arith.constant 1 : i32
      %ge3A_314 = arith.cmpi sge, %add3A_259, %ge3A_313 : i32
      %convert_element_type3A_315 = arith.extui %ge3A_314 : i1 to i32
      %cond3A_316 = arith.constant 0 : i32
      %cond3A_317 = arith.cmpi ne, %convert_element_type3A_315, %cond3A_316 : i32
      scf.if %cond3A_317 {
        %dma_wait3A_404 = arith.constant 1 : i32
        %dma_wait3A_405 = arith.constant 0 : i32
        %dma_wait3A_406 = tpu.memref_slice %arg7[%dma_wait3A_404, %dma_wait3A_405] : memref<2x640xi32, #tpu.memory_space<vmem>> -> memref<1x128xi32, #tpu.memory_space<vmem>>
        %dma_wait3A_407 = tpu.memref_squeeze %dma_wait3A_406 : memref<1x128xi32, #tpu.memory_space<vmem>> -> memref<128xi32, #tpu.memory_space<vmem>>
        %dma_wait3A_408 = arith.constant 0 : i32
        %dma_wait3A_409 = tpu.memref_slice %arg6[%dma_wait3A_408] : memref<10000xf32, #tpu.memory_space<vmem_shared>> -> memref<10000xf32, #tpu.memory_space<vmem_shared>>
        tpu.wait_indirect_dma semaphore(%arg21 : memref<!tpu.dma_semaphore, #tpu.memory_space<semaphore_mem>>) src(%arg11 : memref<128xf32, #tpu.memory_space<vmem>>) dst(%dma_wait3A_409 : memref<10000xf32, #tpu.memory_space<vmem_shared>>)
      } else {
      }
      %dma_start3A_318 = arith.constant 1 : i32
      %dma_start3A_319 = arith.constant 512 : i32
      %dma_start3A_320 = tpu.memref_slice %arg9[%dma_start3A_318, %dma_start3A_319] : memref<2x640xi32, #tpu.memory_space<vmem>> -> memref<1x128xi32, #tpu.memory_space<vmem>>
      %dma_start3A_321 = tpu.memref_squeeze %dma_start3A_320 : memref<1x128xi32, #tpu.memory_space<vmem>> -> memref<128xi32, #tpu.memory_space<vmem>>
      %dma_start3A_322 = arith.constant 0 : i32
      %dma_start3A_323 = tpu.memref_slice %arg6[%dma_start3A_322] : memref<10000xf32, #tpu.memory_space<vmem_shared>> -> memref<10000xf32, #tpu.memory_space<vmem_shared>>
      tpu.enqueue_indirect_dma source(%arg11 : memref<128xf32, #tpu.memory_space<vmem>>) target(%dma_start3A_323 : memref<10000xf32, #tpu.memory_space<vmem_shared>>) offsets(%dma_start3A_321 : memref<128xi32, #tpu.memory_space<vmem>>) semaphore(%arg21 : memref<!tpu.dma_semaphore, #tpu.memory_space<semaphore_mem>>) {add = true}
      %add3A_324 = arith.constant 2 : i32
      %add3A_325 = arith.addi %add3A_259, %add3A_324 : i32
      %lt3A_326 = arith.cmpi slt, %add3A_325, %select_n3A_24 : i32
      %convert_element_type3A_327 = arith.extui %lt3A_326 : i1 to i32
      %cond3A_328 = arith.constant 0 : i32
      %cond3A_329 = arith.cmpi ne, %convert_element_type3A_327, %cond3A_328 : i32
      scf.if %cond3A_329 {
        %add3A_404 = arith.constant 2 : i32
        %add3A_405 = arith.addi %add3A_259, %add3A_404 : i32
        %mul3A_406 = arith.constant 5 : i32
        %mul3A_407 = arith.muli %add3A_405, %mul3A_406 : i32
        %add3A_408 = arith.addi %mul3A_4, %mul3A_407 : i32
        %mul3A_409 = arith.constant 128 : i32
        %mul3A_410 = arith.muli %add3A_408, %mul3A_409 : i32
        %dma_start3A_411 = arith.constant 0 : i32
        %dma_start3A_412 = tpu.memref_slice %arg2[%dma_start3A_411, %mul3A_410] : memref<2x320000xi32, #tpu.memory_space<hbm>> -> memref<2x640xi32, #tpu.memory_space<hbm>>
        %dma_start3A_413 = arith.constant 0 : i32
        %dma_start3A_414 = tpu.memref_slice %arg2[%dma_start3A_413, %mul3A_410] : memref<2x320000xi32, #tpu.memory_space<hbm>> -> memref<2x640xi32, #tpu.memory_space<hbm>>
        tpu.enqueue_dma source(%dma_start3A_414 : memref<2x640xi32, #tpu.memory_space<hbm>>) target(%arg7 : memref<2x640xi32, #tpu.memory_space<vmem>>) target_semaphore(%arg13 : memref<!tpu.dma_semaphore, #tpu.memory_space<semaphore_mem>>)
      } else {
      }
      %mul3A_330 = arith.constant 4 : i32
      %mul3A_331 = arith.muli %while3A_108, %mul3A_330 : i32
      %add3A_332 = arith.constant 3 : i32
      %add3A_333 = arith.addi %mul3A_331, %add3A_332 : i32
      %mul3A_334 = arith.constant 5 : i32
      %mul3A_335 = arith.muli %add3A_333, %mul3A_334 : i32
      %add3A_336 = arith.addi %mul3A_4, %mul3A_335 : i32
      %mul3A_337 = arith.constant 128 : i32
      %mul3A_338 = arith.muli %add3A_336, %mul3A_337 : i32
      %dma_wait3A_339 = arith.constant 0 : i32
      %dma_wait3A_340 = tpu.memref_slice %arg2[%dma_wait3A_339, %mul3A_338] : memref<2x320000xi32, #tpu.memory_space<hbm>> -> memref<2x640xi32, #tpu.memory_space<hbm>>
      %dma_wait3A_341 = arith.constant 0 : i32
      %dma_wait3A_342 = tpu.memref_slice %arg2[%dma_wait3A_341, %mul3A_338] : memref<2x320000xi32, #tpu.memory_space<hbm>> -> memref<2x640xi32, #tpu.memory_space<hbm>>
      tpu.wait_dma2 semaphore(%arg16 : memref<!tpu.dma_semaphore, #tpu.memory_space<semaphore_mem>>) src(%dma_wait3A_342 : memref<2x640xi32, #tpu.memory_space<hbm>>) dst(%arg10 : memref<2x640xi32, #tpu.memory_space<vmem>>)
      %ge3A_343 = arith.constant 1 : i32
      %ge3A_344 = arith.cmpi sge, %add3A_333, %ge3A_343 : i32
      %convert_element_type3A_345 = arith.extui %ge3A_344 : i1 to i32
      %cond3A_346 = arith.constant 0 : i32
      %cond3A_347 = arith.cmpi ne, %convert_element_type3A_345, %cond3A_346 : i32
      scf.if %cond3A_347 {
        %dma_wait3A_404 = arith.constant 1 : i32
        %dma_wait3A_405 = arith.constant 0 : i32
        %dma_wait3A_406 = tpu.memref_slice %arg7[%dma_wait3A_404, %dma_wait3A_405] : memref<2x640xi32, #tpu.memory_space<vmem>> -> memref<1x128xi32, #tpu.memory_space<vmem>>
        %dma_wait3A_407 = tpu.memref_squeeze %dma_wait3A_406 : memref<1x128xi32, #tpu.memory_space<vmem>> -> memref<128xi32, #tpu.memory_space<vmem>>
        %dma_wait3A_408 = arith.constant 0 : i32
        %dma_wait3A_409 = tpu.memref_slice %arg6[%dma_wait3A_408] : memref<10000xf32, #tpu.memory_space<vmem_shared>> -> memref<10000xf32, #tpu.memory_space<vmem_shared>>
        tpu.wait_indirect_dma semaphore(%arg17 : memref<!tpu.dma_semaphore, #tpu.memory_space<semaphore_mem>>) src(%arg11 : memref<128xf32, #tpu.memory_space<vmem>>) dst(%dma_wait3A_409 : memref<10000xf32, #tpu.memory_space<vmem_shared>>)
      } else {
      }
      %dma_start3A_348 = arith.constant 1 : i32
      %dma_start3A_349 = arith.constant 0 : i32
      %dma_start3A_350 = tpu.memref_slice %arg10[%dma_start3A_348, %dma_start3A_349] : memref<2x640xi32, #tpu.memory_space<vmem>> -> memref<1x128xi32, #tpu.memory_space<vmem>>
      %dma_start3A_351 = tpu.memref_squeeze %dma_start3A_350 : memref<1x128xi32, #tpu.memory_space<vmem>> -> memref<128xi32, #tpu.memory_space<vmem>>
      %dma_start3A_352 = arith.constant 0 : i32
      %dma_start3A_353 = tpu.memref_slice %arg6[%dma_start3A_352] : memref<10000xf32, #tpu.memory_space<vmem_shared>> -> memref<10000xf32, #tpu.memory_space<vmem_shared>>
      tpu.enqueue_indirect_dma source(%arg11 : memref<128xf32, #tpu.memory_space<vmem>>) target(%dma_start3A_353 : memref<10000xf32, #tpu.memory_space<vmem_shared>>) offsets(%dma_start3A_351 : memref<128xi32, #tpu.memory_space<vmem>>) semaphore(%arg17 : memref<!tpu.dma_semaphore, #tpu.memory_space<semaphore_mem>>) {add = true}
      %ge3A_354 = arith.constant 1 : i32
      %ge3A_355 = arith.cmpi sge, %add3A_333, %ge3A_354 : i32
      %convert_element_type3A_356 = arith.extui %ge3A_355 : i1 to i32
      %cond3A_357 = arith.constant 0 : i32
      %cond3A_358 = arith.cmpi ne, %convert_element_type3A_356, %cond3A_357 : i32
      scf.if %cond3A_358 {
        %dma_wait3A_404 = arith.constant 1 : i32
        %dma_wait3A_405 = arith.constant 0 : i32
        %dma_wait3A_406 = tpu.memref_slice %arg7[%dma_wait3A_404, %dma_wait3A_405] : memref<2x640xi32, #tpu.memory_space<vmem>> -> memref<1x128xi32, #tpu.memory_space<vmem>>
        %dma_wait3A_407 = tpu.memref_squeeze %dma_wait3A_406 : memref<1x128xi32, #tpu.memory_space<vmem>> -> memref<128xi32, #tpu.memory_space<vmem>>
        %dma_wait3A_408 = arith.constant 0 : i32
        %dma_wait3A_409 = tpu.memref_slice %arg6[%dma_wait3A_408] : memref<10000xf32, #tpu.memory_space<vmem_shared>> -> memref<10000xf32, #tpu.memory_space<vmem_shared>>
        tpu.wait_indirect_dma semaphore(%arg18 : memref<!tpu.dma_semaphore, #tpu.memory_space<semaphore_mem>>) src(%arg11 : memref<128xf32, #tpu.memory_space<vmem>>) dst(%dma_wait3A_409 : memref<10000xf32, #tpu.memory_space<vmem_shared>>)
      } else {
      }
      %dma_start3A_359 = arith.constant 1 : i32
      %dma_start3A_360 = arith.constant 128 : i32
      %dma_start3A_361 = tpu.memref_slice %arg10[%dma_start3A_359, %dma_start3A_360] : memref<2x640xi32, #tpu.memory_space<vmem>> -> memref<1x128xi32, #tpu.memory_space<vmem>>
      %dma_start3A_362 = tpu.memref_squeeze %dma_start3A_361 : memref<1x128xi32, #tpu.memory_space<vmem>> -> memref<128xi32, #tpu.memory_space<vmem>>
      %dma_start3A_363 = arith.constant 0 : i32
      %dma_start3A_364 = tpu.memref_slice %arg6[%dma_start3A_363] : memref<10000xf32, #tpu.memory_space<vmem_shared>> -> memref<10000xf32, #tpu.memory_space<vmem_shared>>
      tpu.enqueue_indirect_dma source(%arg11 : memref<128xf32, #tpu.memory_space<vmem>>) target(%dma_start3A_364 : memref<10000xf32, #tpu.memory_space<vmem_shared>>) offsets(%dma_start3A_362 : memref<128xi32, #tpu.memory_space<vmem>>) semaphore(%arg18 : memref<!tpu.dma_semaphore, #tpu.memory_space<semaphore_mem>>) {add = true}
      %ge3A_365 = arith.constant 1 : i32
      %ge3A_366 = arith.cmpi sge, %add3A_333, %ge3A_365 : i32
      %convert_element_type3A_367 = arith.extui %ge3A_366 : i1 to i32
      %cond3A_368 = arith.constant 0 : i32
      %cond3A_369 = arith.cmpi ne, %convert_element_type3A_367, %cond3A_368 : i32
      scf.if %cond3A_369 {
        %dma_wait3A_404 = arith.constant 1 : i32
        %dma_wait3A_405 = arith.constant 0 : i32
        %dma_wait3A_406 = tpu.memref_slice %arg7[%dma_wait3A_404, %dma_wait3A_405] : memref<2x640xi32, #tpu.memory_space<vmem>> -> memref<1x128xi32, #tpu.memory_space<vmem>>
        %dma_wait3A_407 = tpu.memref_squeeze %dma_wait3A_406 : memref<1x128xi32, #tpu.memory_space<vmem>> -> memref<128xi32, #tpu.memory_space<vmem>>
        %dma_wait3A_408 = arith.constant 0 : i32
        %dma_wait3A_409 = tpu.memref_slice %arg6[%dma_wait3A_408] : memref<10000xf32, #tpu.memory_space<vmem_shared>> -> memref<10000xf32, #tpu.memory_space<vmem_shared>>
        tpu.wait_indirect_dma semaphore(%arg19 : memref<!tpu.dma_semaphore, #tpu.memory_space<semaphore_mem>>) src(%arg11 : memref<128xf32, #tpu.memory_space<vmem>>) dst(%dma_wait3A_409 : memref<10000xf32, #tpu.memory_space<vmem_shared>>)
      } else {
      }
      %dma_start3A_370 = arith.constant 1 : i32
      %dma_start3A_371 = arith.constant 256 : i32
      %dma_start3A_372 = tpu.memref_slice %arg10[%dma_start3A_370, %dma_start3A_371] : memref<2x640xi32, #tpu.memory_space<vmem>> -> memref<1x128xi32, #tpu.memory_space<vmem>>
      %dma_start3A_373 = tpu.memref_squeeze %dma_start3A_372 : memref<1x128xi32, #tpu.memory_space<vmem>> -> memref<128xi32, #tpu.memory_space<vmem>>
      %dma_start3A_374 = arith.constant 0 : i32
      %dma_start3A_375 = tpu.memref_slice %arg6[%dma_start3A_374] : memref<10000xf32, #tpu.memory_space<vmem_shared>> -> memref<10000xf32, #tpu.memory_space<vmem_shared>>
      tpu.enqueue_indirect_dma source(%arg11 : memref<128xf32, #tpu.memory_space<vmem>>) target(%dma_start3A_375 : memref<10000xf32, #tpu.memory_space<vmem_shared>>) offsets(%dma_start3A_373 : memref<128xi32, #tpu.memory_space<vmem>>) semaphore(%arg19 : memref<!tpu.dma_semaphore, #tpu.memory_space<semaphore_mem>>) {add = true}
      %ge3A_376 = arith.constant 1 : i32
      %ge3A_377 = arith.cmpi sge, %add3A_333, %ge3A_376 : i32
      %convert_element_type3A_378 = arith.extui %ge3A_377 : i1 to i32
      %cond3A_379 = arith.constant 0 : i32
      %cond3A_380 = arith.cmpi ne, %convert_element_type3A_378, %cond3A_379 : i32
      scf.if %cond3A_380 {
        %dma_wait3A_404 = arith.constant 1 : i32
        %dma_wait3A_405 = arith.constant 0 : i32
        %dma_wait3A_406 = tpu.memref_slice %arg7[%dma_wait3A_404, %dma_wait3A_405] : memref<2x640xi32, #tpu.memory_space<vmem>> -> memref<1x128xi32, #tpu.memory_space<vmem>>
        %dma_wait3A_407 = tpu.memref_squeeze %dma_wait3A_406 : memref<1x128xi32, #tpu.memory_space<vmem>> -> memref<128xi32, #tpu.memory_space<vmem>>
        %dma_wait3A_408 = arith.constant 0 : i32
        %dma_wait3A_409 = tpu.memref_slice %arg6[%dma_wait3A_408] : memref<10000xf32, #tpu.memory_space<vmem_shared>> -> memref<10000xf32, #tpu.memory_space<vmem_shared>>
        tpu.wait_indirect_dma semaphore(%arg20 : memref<!tpu.dma_semaphore, #tpu.memory_space<semaphore_mem>>) src(%arg11 : memref<128xf32, #tpu.memory_space<vmem>>) dst(%dma_wait3A_409 : memref<10000xf32, #tpu.memory_space<vmem_shared>>)
      } else {
      }
      %dma_start3A_381 = arith.constant 1 : i32
      %dma_start3A_382 = arith.constant 384 : i32
      %dma_start3A_383 = tpu.memref_slice %arg10[%dma_start3A_381, %dma_start3A_382] : memref<2x640xi32, #tpu.memory_space<vmem>> -> memref<1x128xi32, #tpu.memory_space<vmem>>
      %dma_start3A_384 = tpu.memref_squeeze %dma_start3A_383 : memref<1x128xi32, #tpu.memory_space<vmem>> -> memref<128xi32, #tpu.memory_space<vmem>>
      %dma_start3A_385 = arith.constant 0 : i32
      %dma_start3A_386 = tpu.memref_slice %arg6[%dma_start3A_385] : memref<10000xf32, #tpu.memory_space<vmem_shared>> -> memref<10000xf32, #tpu.memory_space<vmem_shared>>
      tpu.enqueue_indirect_dma source(%arg11 : memref<128xf32, #tpu.memory_space<vmem>>) target(%dma_start3A_386 : memref<10000xf32, #tpu.memory_space<vmem_shared>>) offsets(%dma_start3A_384 : memref<128xi32, #tpu.memory_space<vmem>>) semaphore(%arg20 : memref<!tpu.dma_semaphore, #tpu.memory_space<semaphore_mem>>) {add = true}
      %ge3A_387 = arith.constant 1 : i32
      %ge3A_388 = arith.cmpi sge, %add3A_333, %ge3A_387 : i32
      %convert_element_type3A_389 = arith.extui %ge3A_388 : i1 to i32
      %cond3A_390 = arith.constant 0 : i32
      %cond3A_391 = arith.cmpi ne, %convert_element_type3A_389, %cond3A_390 : i32
      scf.if %cond3A_391 {
        %dma_wait3A_404 = arith.constant 1 : i32
        %dma_wait3A_405 = arith.constant 0 : i32
        %dma_wait3A_406 = tpu.memref_slice %arg7[%dma_wait3A_404, %dma_wait3A_405] : memref<2x640xi32, #tpu.memory_space<vmem>> -> memref<1x128xi32, #tpu.memory_space<vmem>>
        %dma_wait3A_407 = tpu.memref_squeeze %dma_wait3A_406 : memref<1x128xi32, #tpu.memory_space<vmem>> -> memref<128xi32, #tpu.memory_space<vmem>>
        %dma_wait3A_408 = arith.constant 0 : i32
        %dma_wait3A_409 = tpu.memref_slice %arg6[%dma_wait3A_408] : memref<10000xf32, #tpu.memory_space<vmem_shared>> -> memref<10000xf32, #tpu.memory_space<vmem_shared>>
        tpu.wait_indirect_dma semaphore(%arg21 : memref<!tpu.dma_semaphore, #tpu.memory_space<semaphore_mem>>) src(%arg11 : memref<128xf32, #tpu.memory_space<vmem>>) dst(%dma_wait3A_409 : memref<10000xf32, #tpu.memory_space<vmem_shared>>)
      } else {
      }
      %dma_start3A_392 = arith.constant 1 : i32
      %dma_start3A_393 = arith.constant 512 : i32
      %dma_start3A_394 = tpu.memref_slice %arg10[%dma_start3A_392, %dma_start3A_393] : memref<2x640xi32, #tpu.memory_space<vmem>> -> memref<1x128xi32, #tpu.memory_space<vmem>>
      %dma_start3A_395 = tpu.memref_squeeze %dma_start3A_394 : memref<1x128xi32, #tpu.memory_space<vmem>> -> memref<128xi32, #tpu.memory_space<vmem>>
      %dma_start3A_396 = arith.constant 0 : i32
      %dma_start3A_397 = tpu.memref_slice %arg6[%dma_start3A_396] : memref<10000xf32, #tpu.memory_space<vmem_shared>> -> memref<10000xf32, #tpu.memory_space<vmem_shared>>
      tpu.enqueue_indirect_dma source(%arg11 : memref<128xf32, #tpu.memory_space<vmem>>) target(%dma_start3A_397 : memref<10000xf32, #tpu.memory_space<vmem_shared>>) offsets(%dma_start3A_395 : memref<128xi32, #tpu.memory_space<vmem>>) semaphore(%arg21 : memref<!tpu.dma_semaphore, #tpu.memory_space<semaphore_mem>>) {add = true}
      %add3A_398 = arith.constant 2 : i32
      %add3A_399 = arith.addi %add3A_333, %add3A_398 : i32
      %lt3A_400 = arith.cmpi slt, %add3A_399, %select_n3A_24 : i32
      %convert_element_type3A_401 = arith.extui %lt3A_400 : i1 to i32
      %cond3A_402 = arith.constant 0 : i32
      %cond3A_403 = arith.cmpi ne, %convert_element_type3A_401, %cond3A_402 : i32
      scf.if %cond3A_403 {
        %add3A_404 = arith.constant 2 : i32
        %add3A_405 = arith.addi %add3A_333, %add3A_404 : i32
        %mul3A_406 = arith.constant 5 : i32
        %mul3A_407 = arith.muli %add3A_405, %mul3A_406 : i32
        %add3A_408 = arith.addi %mul3A_4, %mul3A_407 : i32
        %mul3A_409 = arith.constant 128 : i32
        %mul3A_410 = arith.muli %add3A_408, %mul3A_409 : i32
        %dma_start3A_411 = arith.constant 0 : i32
        %dma_start3A_412 = tpu.memref_slice %arg2[%dma_start3A_411, %mul3A_410] : memref<2x320000xi32, #tpu.memory_space<hbm>> -> memref<2x640xi32, #tpu.memory_space<hbm>>
        %dma_start3A_413 = arith.constant 0 : i32
        %dma_start3A_414 = tpu.memref_slice %arg2[%dma_start3A_413, %mul3A_410] : memref<2x320000xi32, #tpu.memory_space<hbm>> -> memref<2x640xi32, #tpu.memory_space<hbm>>
        tpu.enqueue_dma source(%dma_start3A_414 : memref<2x640xi32, #tpu.memory_space<hbm>>) target(%arg8 : memref<2x640xi32, #tpu.memory_space<vmem>>) target_semaphore(%arg14 : memref<!tpu.dma_semaphore, #tpu.memory_space<semaphore_mem>>)
      } else {
      }
    }
    %while3A_72 = arith.constant 1 : i32
    scf.for %while3A_108 = %while3A_70 to %while3A_66 step %while3A_72  : i32 {
      %mul3A_109 = arith.constant 4 : i32
      %mul3A_110 = arith.muli %while3A_108, %mul3A_109 : i32
      %add3A_111 = arith.constant 0 : i32
      %add3A_112 = arith.addi %mul3A_110, %add3A_111 : i32
      %mul3A_113 = arith.constant 5 : i32
      %mul3A_114 = arith.muli %add3A_112, %mul3A_113 : i32
      %add3A_115 = arith.addi %mul3A_4, %mul3A_114 : i32
      %mul3A_116 = arith.constant 128 : i32
      %mul3A_117 = arith.muli %add3A_115, %mul3A_116 : i32
      %dma_wait3A_118 = arith.constant 0 : i32
      %dma_wait3A_119 = tpu.memref_slice %arg2[%dma_wait3A_118, %mul3A_117] : memref<2x320000xi32, #tpu.memory_space<hbm>> -> memref<2x640xi32, #tpu.memory_space<hbm>>
      %dma_wait3A_120 = arith.constant 0 : i32
      %dma_wait3A_121 = tpu.memref_slice %arg2[%dma_wait3A_120, %mul3A_117] : memref<2x320000xi32, #tpu.memory_space<hbm>> -> memref<2x640xi32, #tpu.memory_space<hbm>>
      tpu.wait_dma2 semaphore(%arg13 : memref<!tpu.dma_semaphore, #tpu.memory_space<semaphore_mem>>) src(%dma_wait3A_121 : memref<2x640xi32, #tpu.memory_space<hbm>>) dst(%arg7 : memref<2x640xi32, #tpu.memory_space<vmem>>)
      %ge3A = arith.constant 1 : i32
      %ge3A_122 = arith.cmpi sge, %add3A_112, %ge3A : i32
      %convert_element_type3A_123 = arith.extui %ge3A_122 : i1 to i32
      %cond3A_124 = arith.constant 0 : i32
      %cond3A_125 = arith.cmpi ne, %convert_element_type3A_123, %cond3A_124 : i32
      scf.if %cond3A_125 {
        %dma_wait3A_404 = arith.constant 1 : i32
        %dma_wait3A_405 = arith.constant 0 : i32
        %dma_wait3A_406 = tpu.memref_slice %arg7[%dma_wait3A_404, %dma_wait3A_405] : memref<2x640xi32, #tpu.memory_space<vmem>> -> memref<1x128xi32, #tpu.memory_space<vmem>>
        %dma_wait3A_407 = tpu.memref_squeeze %dma_wait3A_406 : memref<1x128xi32, #tpu.memory_space<vmem>> -> memref<128xi32, #tpu.memory_space<vmem>>
        %dma_wait3A_408 = arith.constant 0 : i32
        %dma_wait3A_409 = tpu.memref_slice %arg6[%dma_wait3A_408] : memref<10000xf32, #tpu.memory_space<vmem_shared>> -> memref<10000xf32, #tpu.memory_space<vmem_shared>>
        tpu.wait_indirect_dma semaphore(%arg17 : memref<!tpu.dma_semaphore, #tpu.memory_space<semaphore_mem>>) src(%arg11 : memref<128xf32, #tpu.memory_space<vmem>>) dst(%dma_wait3A_409 : memref<10000xf32, #tpu.memory_space<vmem_shared>>)
      } else {
      }
      %dma_start3A_126 = arith.constant 1 : i32
      %dma_start3A_127 = arith.constant 0 : i32
      %dma_start3A_128 = tpu.memref_slice %arg7[%dma_start3A_126, %dma_start3A_127] : memref<2x640xi32, #tpu.memory_space<vmem>> -> memref<1x128xi32, #tpu.memory_space<vmem>>
      %dma_start3A_129 = tpu.memref_squeeze %dma_start3A_128 : memref<1x128xi32, #tpu.memory_space<vmem>> -> memref<128xi32, #tpu.memory_space<vmem>>
      %dma_start3A_130 = arith.constant 0 : i32
      %dma_start3A_131 = tpu.memref_slice %arg6[%dma_start3A_130] : memref<10000xf32, #tpu.memory_space<vmem_shared>> -> memref<10000xf32, #tpu.memory_space<vmem_shared>>
      tpu.enqueue_indirect_dma source(%arg11 : memref<128xf32, #tpu.memory_space<vmem>>) target(%dma_start3A_131 : memref<10000xf32, #tpu.memory_space<vmem_shared>>) offsets(%dma_start3A_129 : memref<128xi32, #tpu.memory_space<vmem>>) semaphore(%arg17 : memref<!tpu.dma_semaphore, #tpu.memory_space<semaphore_mem>>) {add = true}
      %ge3A_132 = arith.constant 1 : i32
      %ge3A_133 = arith.cmpi sge, %add3A_112, %ge3A_132 : i32
      %convert_element_type3A_134 = arith.extui %ge3A_133 : i1 to i32
      %cond3A_135 = arith.constant 0 : i32
      %cond3A_136 = arith.cmpi ne, %convert_element_type3A_134, %cond3A_135 : i32
      scf.if %cond3A_136 {
        %dma_wait3A_404 = arith.constant 1 : i32
        %dma_wait3A_405 = arith.constant 0 : i32
        %dma_wait3A_406 = tpu.memref_slice %arg7[%dma_wait3A_404, %dma_wait3A_405] : memref<2x640xi32, #tpu.memory_space<vmem>> -> memref<1x128xi32, #tpu.memory_space<vmem>>
        %dma_wait3A_407 = tpu.memref_squeeze %dma_wait3A_406 : memref<1x128xi32, #tpu.memory_space<vmem>> -> memref<128xi32, #tpu.memory_space<vmem>>
        %dma_wait3A_408 = arith.constant 0 : i32
        %dma_wait3A_409 = tpu.memref_slice %arg6[%dma_wait3A_408] : memref<10000xf32, #tpu.memory_space<vmem_shared>> -> memref<10000xf32, #tpu.memory_space<vmem_shared>>
        tpu.wait_indirect_dma semaphore(%arg18 : memref<!tpu.dma_semaphore, #tpu.memory_space<semaphore_mem>>) src(%arg11 : memref<128xf32, #tpu.memory_space<vmem>>) dst(%dma_wait3A_409 : memref<10000xf32, #tpu.memory_space<vmem_shared>>)
      } else {
      }
      %dma_start3A_137 = arith.constant 1 : i32
      %dma_start3A_138 = arith.constant 128 : i32
      %dma_start3A_139 = tpu.memref_slice %arg7[%dma_start3A_137, %dma_start3A_138] : memref<2x640xi32, #tpu.memory_space<vmem>> -> memref<1x128xi32, #tpu.memory_space<vmem>>
      %dma_start3A_140 = tpu.memref_squeeze %dma_start3A_139 : memref<1x128xi32, #tpu.memory_space<vmem>> -> memref<128xi32, #tpu.memory_space<vmem>>
      %dma_start3A_141 = arith.constant 0 : i32
      %dma_start3A_142 = tpu.memref_slice %arg6[%dma_start3A_141] : memref<10000xf32, #tpu.memory_space<vmem_shared>> -> memref<10000xf32, #tpu.memory_space<vmem_shared>>
      tpu.enqueue_indirect_dma source(%arg11 : memref<128xf32, #tpu.memory_space<vmem>>) target(%dma_start3A_142 : memref<10000xf32, #tpu.memory_space<vmem_shared>>) offsets(%dma_start3A_140 : memref<128xi32, #tpu.memory_space<vmem>>) semaphore(%arg18 : memref<!tpu.dma_semaphore, #tpu.memory_space<semaphore_mem>>) {add = true}
      %ge3A_143 = arith.constant 1 : i32
      %ge3A_144 = arith.cmpi sge, %add3A_112, %ge3A_143 : i32
      %convert_element_type3A_145 = arith.extui %ge3A_144 : i1 to i32
      %cond3A_146 = arith.constant 0 : i32
      %cond3A_147 = arith.cmpi ne, %convert_element_type3A_145, %cond3A_146 : i32
      scf.if %cond3A_147 {
        %dma_wait3A_404 = arith.constant 1 : i32
        %dma_wait3A_405 = arith.constant 0 : i32
        %dma_wait3A_406 = tpu.memref_slice %arg7[%dma_wait3A_404, %dma_wait3A_405] : memref<2x640xi32, #tpu.memory_space<vmem>> -> memref<1x128xi32, #tpu.memory_space<vmem>>
        %dma_wait3A_407 = tpu.memref_squeeze %dma_wait3A_406 : memref<1x128xi32, #tpu.memory_space<vmem>> -> memref<128xi32, #tpu.memory_space<vmem>>
        %dma_wait3A_408 = arith.constant 0 : i32
        %dma_wait3A_409 = tpu.memref_slice %arg6[%dma_wait3A_408] : memref<10000xf32, #tpu.memory_space<vmem_shared>> -> memref<10000xf32, #tpu.memory_space<vmem_shared>>
        tpu.wait_indirect_dma semaphore(%arg19 : memref<!tpu.dma_semaphore, #tpu.memory_space<semaphore_mem>>) src(%arg11 : memref<128xf32, #tpu.memory_space<vmem>>) dst(%dma_wait3A_409 : memref<10000xf32, #tpu.memory_space<vmem_shared>>)
      } else {
      }
      %dma_start3A_148 = arith.constant 1 : i32
      %dma_start3A_149 = arith.constant 256 : i32
      %dma_start3A_150 = tpu.memref_slice %arg7[%dma_start3A_148, %dma_start3A_149] : memref<2x640xi32, #tpu.memory_space<vmem>> -> memref<1x128xi32, #tpu.memory_space<vmem>>
      %dma_start3A_151 = tpu.memref_squeeze %dma_start3A_150 : memref<1x128xi32, #tpu.memory_space<vmem>> -> memref<128xi32, #tpu.memory_space<vmem>>
      %dma_start3A_152 = arith.constant 0 : i32
      %dma_start3A_153 = tpu.memref_slice %arg6[%dma_start3A_152] : memref<10000xf32, #tpu.memory_space<vmem_shared>> -> memref<10000xf32, #tpu.memory_space<vmem_shared>>
      tpu.enqueue_indirect_dma source(%arg11 : memref<128xf32, #tpu.memory_space<vmem>>) target(%dma_start3A_153 : memref<10000xf32, #tpu.memory_space<vmem_shared>>) offsets(%dma_start3A_151 : memref<128xi32, #tpu.memory_space<vmem>>) semaphore(%arg19 : memref<!tpu.dma_semaphore, #tpu.memory_space<semaphore_mem>>) {add = true}
      %ge3A_154 = arith.constant 1 : i32
      %ge3A_155 = arith.cmpi sge, %add3A_112, %ge3A_154 : i32
      %convert_element_type3A_156 = arith.extui %ge3A_155 : i1 to i32
      %cond3A_157 = arith.constant 0 : i32
      %cond3A_158 = arith.cmpi ne, %convert_element_type3A_156, %cond3A_157 : i32
      scf.if %cond3A_158 {
        %dma_wait3A_404 = arith.constant 1 : i32
        %dma_wait3A_405 = arith.constant 0 : i32
        %dma_wait3A_406 = tpu.memref_slice %arg7[%dma_wait3A_404, %dma_wait3A_405] : memref<2x640xi32, #tpu.memory_space<vmem>> -> memref<1x128xi32, #tpu.memory_space<vmem>>
        %dma_wait3A_407 = tpu.memref_squeeze %dma_wait3A_406 : memref<1x128xi32, #tpu.memory_space<vmem>> -> memref<128xi32, #tpu.memory_space<vmem>>
        %dma_wait3A_408 = arith.constant 0 : i32
        %dma_wait3A_409 = tpu.memref_slice %arg6[%dma_wait3A_408] : memref<10000xf32, #tpu.memory_space<vmem_shared>> -> memref<10000xf32, #tpu.memory_space<vmem_shared>>
        tpu.wait_indirect_dma semaphore(%arg20 : memref<!tpu.dma_semaphore, #tpu.memory_space<semaphore_mem>>) src(%arg11 : memref<128xf32, #tpu.memory_space<vmem>>) dst(%dma_wait3A_409 : memref<10000xf32, #tpu.memory_space<vmem_shared>>)
      } else {
      }
      %dma_start3A_159 = arith.constant 1 : i32
      %dma_start3A_160 = arith.constant 384 : i32
      %dma_start3A_161 = tpu.memref_slice %arg7[%dma_start3A_159, %dma_start3A_160] : memref<2x640xi32, #tpu.memory_space<vmem>> -> memref<1x128xi32, #tpu.memory_space<vmem>>
      %dma_start3A_162 = tpu.memref_squeeze %dma_start3A_161 : memref<1x128xi32, #tpu.memory_space<vmem>> -> memref<128xi32, #tpu.memory_space<vmem>>
      %dma_start3A_163 = arith.constant 0 : i32
      %dma_start3A_164 = tpu.memref_slice %arg6[%dma_start3A_163] : memref<10000xf32, #tpu.memory_space<vmem_shared>> -> memref<10000xf32, #tpu.memory_space<vmem_shared>>
      tpu.enqueue_indirect_dma source(%arg11 : memref<128xf32, #tpu.memory_space<vmem>>) target(%dma_start3A_164 : memref<10000xf32, #tpu.memory_space<vmem_shared>>) offsets(%dma_start3A_162 : memref<128xi32, #tpu.memory_space<vmem>>) semaphore(%arg20 : memref<!tpu.dma_semaphore, #tpu.memory_space<semaphore_mem>>) {add = true}
      %ge3A_165 = arith.constant 1 : i32
      %ge3A_166 = arith.cmpi sge, %add3A_112, %ge3A_165 : i32
      %convert_element_type3A_167 = arith.extui %ge3A_166 : i1 to i32
      %cond3A_168 = arith.constant 0 : i32
      %cond3A_169 = arith.cmpi ne, %convert_element_type3A_167, %cond3A_168 : i32
      scf.if %cond3A_169 {
        %dma_wait3A_404 = arith.constant 1 : i32
        %dma_wait3A_405 = arith.constant 0 : i32
        %dma_wait3A_406 = tpu.memref_slice %arg7[%dma_wait3A_404, %dma_wait3A_405] : memref<2x640xi32, #tpu.memory_space<vmem>> -> memref<1x128xi32, #tpu.memory_space<vmem>>
        %dma_wait3A_407 = tpu.memref_squeeze %dma_wait3A_406 : memref<1x128xi32, #tpu.memory_space<vmem>> -> memref<128xi32, #tpu.memory_space<vmem>>
        %dma_wait3A_408 = arith.constant 0 : i32
        %dma_wait3A_409 = tpu.memref_slice %arg6[%dma_wait3A_408] : memref<10000xf32, #tpu.memory_space<vmem_shared>> -> memref<10000xf32, #tpu.memory_space<vmem_shared>>
        tpu.wait_indirect_dma semaphore(%arg21 : memref<!tpu.dma_semaphore, #tpu.memory_space<semaphore_mem>>) src(%arg11 : memref<128xf32, #tpu.memory_space<vmem>>) dst(%dma_wait3A_409 : memref<10000xf32, #tpu.memory_space<vmem_shared>>)
      } else {
      }
      %dma_start3A_170 = arith.constant 1 : i32
      %dma_start3A_171 = arith.constant 512 : i32
      %dma_start3A_172 = tpu.memref_slice %arg7[%dma_start3A_170, %dma_start3A_171] : memref<2x640xi32, #tpu.memory_space<vmem>> -> memref<1x128xi32, #tpu.memory_space<vmem>>
      %dma_start3A_173 = tpu.memref_squeeze %dma_start3A_172 : memref<1x128xi32, #tpu.memory_space<vmem>> -> memref<128xi32, #tpu.memory_space<vmem>>
      %dma_start3A_174 = arith.constant 0 : i32
      %dma_start3A_175 = tpu.memref_slice %arg6[%dma_start3A_174] : memref<10000xf32, #tpu.memory_space<vmem_shared>> -> memref<10000xf32, #tpu.memory_space<vmem_shared>>
      tpu.enqueue_indirect_dma source(%arg11 : memref<128xf32, #tpu.memory_space<vmem>>) target(%dma_start3A_175 : memref<10000xf32, #tpu.memory_space<vmem_shared>>) offsets(%dma_start3A_173 : memref<128xi32, #tpu.memory_space<vmem>>) semaphore(%arg21 : memref<!tpu.dma_semaphore, #tpu.memory_space<semaphore_mem>>) {add = true}
      %add3A_176 = arith.constant 2 : i32
      %add3A_177 = arith.addi %add3A_112, %add3A_176 : i32
      %lt3A_178 = arith.cmpi slt, %add3A_177, %select_n3A_24 : i32
      %convert_element_type3A_179 = arith.extui %lt3A_178 : i1 to i32
      %cond3A_180 = arith.constant 0 : i32
      %cond3A_181 = arith.cmpi ne, %convert_element_type3A_179, %cond3A_180 : i32
      scf.if %cond3A_181 {
        %add3A_404 = arith.constant 2 : i32
        %add3A_405 = arith.addi %add3A_112, %add3A_404 : i32
        %mul3A_406 = arith.constant 5 : i32
        %mul3A_407 = arith.muli %add3A_405, %mul3A_406 : i32
        %add3A_408 = arith.addi %mul3A_4, %mul3A_407 : i32
        %mul3A_409 = arith.constant 128 : i32
        %mul3A_410 = arith.muli %add3A_408, %mul3A_409 : i32
        %dma_start3A_411 = arith.constant 0 : i32
        %dma_start3A_412 = tpu.memref_slice %arg2[%dma_start3A_411, %mul3A_410] : memref<2x320000xi32, #tpu.memory_space<hbm>> -> memref<2x640xi32, #tpu.memory_space<hbm>>
        %dma_start3A_413 = arith.constant 0 : i32
        %dma_start3A_414 = tpu.memref_slice %arg2[%dma_start3A_413, %mul3A_410] : memref<2x320000xi32, #tpu.memory_space<hbm>> -> memref<2x640xi32, #tpu.memory_space<hbm>>
        tpu.enqueue_dma source(%dma_start3A_414 : memref<2x640xi32, #tpu.memory_space<hbm>>) target(%arg9 : memref<2x640xi32, #tpu.memory_space<vmem>>) target_semaphore(%arg15 : memref<!tpu.dma_semaphore, #tpu.memory_space<semaphore_mem>>)
      } else {
      }
      %mul3A_182 = arith.constant 4 : i32
      %mul3A_183 = arith.muli %while3A_108, %mul3A_182 : i32
      %add3A_184 = arith.constant 1 : i32
      %add3A_185 = arith.addi %mul3A_183, %add3A_184 : i32
      %mul3A_186 = arith.constant 5 : i32
      %mul3A_187 = arith.muli %add3A_185, %mul3A_186 : i32
      %add3A_188 = arith.addi %mul3A_4, %mul3A_187 : i32
      %mul3A_189 = arith.constant 128 : i32
      %mul3A_190 = arith.muli %add3A_188, %mul3A_189 : i32
      %dma_wait3A_191 = arith.constant 0 : i32
      %dma_wait3A_192 = tpu.memref_slice %arg2[%dma_wait3A_191, %mul3A_190] : memref<2x320000xi32, #tpu.memory_space<hbm>> -> memref<2x640xi32, #tpu.memory_space<hbm>>
      %dma_wait3A_193 = arith.constant 0 : i32
      %dma_wait3A_194 = tpu.memref_slice %arg2[%dma_wait3A_193, %mul3A_190] : memref<2x320000xi32, #tpu.memory_space<hbm>> -> memref<2x640xi32, #tpu.memory_space<hbm>>
      tpu.wait_dma2 semaphore(%arg14 : memref<!tpu.dma_semaphore, #tpu.memory_space<semaphore_mem>>) src(%dma_wait3A_194 : memref<2x640xi32, #tpu.memory_space<hbm>>) dst(%arg8 : memref<2x640xi32, #tpu.memory_space<vmem>>)
      %ge3A_195 = arith.constant 1 : i32
      %ge3A_196 = arith.cmpi sge, %add3A_185, %ge3A_195 : i32
      %convert_element_type3A_197 = arith.extui %ge3A_196 : i1 to i32
      %cond3A_198 = arith.constant 0 : i32
      %cond3A_199 = arith.cmpi ne, %convert_element_type3A_197, %cond3A_198 : i32
      scf.if %cond3A_199 {
        %dma_wait3A_404 = arith.constant 1 : i32
        %dma_wait3A_405 = arith.constant 0 : i32
        %dma_wait3A_406 = tpu.memref_slice %arg7[%dma_wait3A_404, %dma_wait3A_405] : memref<2x640xi32, #tpu.memory_space<vmem>> -> memref<1x128xi32, #tpu.memory_space<vmem>>
        %dma_wait3A_407 = tpu.memref_squeeze %dma_wait3A_406 : memref<1x128xi32, #tpu.memory_space<vmem>> -> memref<128xi32, #tpu.memory_space<vmem>>
        %dma_wait3A_408 = arith.constant 0 : i32
        %dma_wait3A_409 = tpu.memref_slice %arg6[%dma_wait3A_408] : memref<10000xf32, #tpu.memory_space<vmem_shared>> -> memref<10000xf32, #tpu.memory_space<vmem_shared>>
        tpu.wait_indirect_dma semaphore(%arg17 : memref<!tpu.dma_semaphore, #tpu.memory_space<semaphore_mem>>) src(%arg11 : memref<128xf32, #tpu.memory_space<vmem>>) dst(%dma_wait3A_409 : memref<10000xf32, #tpu.memory_space<vmem_shared>>)
      } else {
      }
      %dma_start3A_200 = arith.constant 1 : i32
      %dma_start3A_201 = arith.constant 0 : i32
      %dma_start3A_202 = tpu.memref_slice %arg8[%dma_start3A_200, %dma_start3A_201] : memref<2x640xi32, #tpu.memory_space<vmem>> -> memref<1x128xi32, #tpu.memory_space<vmem>>
      %dma_start3A_203 = tpu.memref_squeeze %dma_start3A_202 : memref<1x128xi32, #tpu.memory_space<vmem>> -> memref<128xi32, #tpu.memory_space<vmem>>
      %dma_start3A_204 = arith.constant 0 : i32
      %dma_start3A_205 = tpu.memref_slice %arg6[%dma_start3A_204] : memref<10000xf32, #tpu.memory_space<vmem_shared>> -> memref<10000xf32, #tpu.memory_space<vmem_shared>>
      tpu.enqueue_indirect_dma source(%arg11 : memref<128xf32, #tpu.memory_space<vmem>>) target(%dma_start3A_205 : memref<10000xf32, #tpu.memory_space<vmem_shared>>) offsets(%dma_start3A_203 : memref<128xi32, #tpu.memory_space<vmem>>) semaphore(%arg17 : memref<!tpu.dma_semaphore, #tpu.memory_space<semaphore_mem>>) {add = true}
      %ge3A_206 = arith.constant 1 : i32
      %ge3A_207 = arith.cmpi sge, %add3A_185, %ge3A_206 : i32
      %convert_element_type3A_208 = arith.extui %ge3A_207 : i1 to i32
      %cond3A_209 = arith.constant 0 : i32
      %cond3A_210 = arith.cmpi ne, %convert_element_type3A_208, %cond3A_209 : i32
      scf.if %cond3A_210 {
        %dma_wait3A_404 = arith.constant 1 : i32
        %dma_wait3A_405 = arith.constant 0 : i32
        %dma_wait3A_406 = tpu.memref_slice %arg7[%dma_wait3A_404, %dma_wait3A_405] : memref<2x640xi32, #tpu.memory_space<vmem>> -> memref<1x128xi32, #tpu.memory_space<vmem>>
        %dma_wait3A_407 = tpu.memref_squeeze %dma_wait3A_406 : memref<1x128xi32, #tpu.memory_space<vmem>> -> memref<128xi32, #tpu.memory_space<vmem>>
        %dma_wait3A_408 = arith.constant 0 : i32
        %dma_wait3A_409 = tpu.memref_slice %arg6[%dma_wait3A_408] : memref<10000xf32, #tpu.memory_space<vmem_shared>> -> memref<10000xf32, #tpu.memory_space<vmem_shared>>
        tpu.wait_indirect_dma semaphore(%arg18 : memref<!tpu.dma_semaphore, #tpu.memory_space<semaphore_mem>>) src(%arg11 : memref<128xf32, #tpu.memory_space<vmem>>) dst(%dma_wait3A_409 : memref<10000xf32, #tpu.memory_space<vmem_shared>>)
      } else {
      }
      %dma_start3A_211 = arith.constant 1 : i32
      %dma_start3A_212 = arith.constant 128 : i32
      %dma_start3A_213 = tpu.memref_slice %arg8[%dma_start3A_211, %dma_start3A_212] : memref<2x640xi32, #tpu.memory_space<vmem>> -> memref<1x128xi32, #tpu.memory_space<vmem>>
      %dma_start3A_214 = tpu.memref_squeeze %dma_start3A_213 : memref<1x128xi32, #tpu.memory_space<vmem>> -> memref<128xi32, #tpu.memory_space<vmem>>
      %dma_start3A_215 = arith.constant 0 : i32
      %dma_start3A_216 = tpu.memref_slice %arg6[%dma_start3A_215] : memref<10000xf32, #tpu.memory_space<vmem_shared>> -> memref<10000xf32, #tpu.memory_space<vmem_shared>>
      tpu.enqueue_indirect_dma source(%arg11 : memref<128xf32, #tpu.memory_space<vmem>>) target(%dma_start3A_216 : memref<10000xf32, #tpu.memory_space<vmem_shared>>) offsets(%dma_start3A_214 : memref<128xi32, #tpu.memory_space<vmem>>) semaphore(%arg18 : memref<!tpu.dma_semaphore, #tpu.memory_space<semaphore_mem>>) {add = true}
      %ge3A_217 = arith.constant 1 : i32
      %ge3A_218 = arith.cmpi sge, %add3A_185, %ge3A_217 : i32
      %convert_element_type3A_219 = arith.extui %ge3A_218 : i1 to i32
      %cond3A_220 = arith.constant 0 : i32
      %cond3A_221 = arith.cmpi ne, %convert_element_type3A_219, %cond3A_220 : i32
      scf.if %cond3A_221 {
        %dma_wait3A_404 = arith.constant 1 : i32
        %dma_wait3A_405 = arith.constant 0 : i32
        %dma_wait3A_406 = tpu.memref_slice %arg7[%dma_wait3A_404, %dma_wait3A_405] : memref<2x640xi32, #tpu.memory_space<vmem>> -> memref<1x128xi32, #tpu.memory_space<vmem>>
        %dma_wait3A_407 = tpu.memref_squeeze %dma_wait3A_406 : memref<1x128xi32, #tpu.memory_space<vmem>> -> memref<128xi32, #tpu.memory_space<vmem>>
        %dma_wait3A_408 = arith.constant 0 : i32
        %dma_wait3A_409 = tpu.memref_slice %arg6[%dma_wait3A_408] : memref<10000xf32, #tpu.memory_space<vmem_shared>> -> memref<10000xf32, #tpu.memory_space<vmem_shared>>
        tpu.wait_indirect_dma semaphore(%arg19 : memref<!tpu.dma_semaphore, #tpu.memory_space<semaphore_mem>>) src(%arg11 : memref<128xf32, #tpu.memory_space<vmem>>) dst(%dma_wait3A_409 : memref<10000xf32, #tpu.memory_space<vmem_shared>>)
      } else {
      }
      %dma_start3A_222 = arith.constant 1 : i32
      %dma_start3A_223 = arith.constant 256 : i32
      %dma_start3A_224 = tpu.memref_slice %arg8[%dma_start3A_222, %dma_start3A_223] : memref<2x640xi32, #tpu.memory_space<vmem>> -> memref<1x128xi32, #tpu.memory_space<vmem>>
      %dma_start3A_225 = tpu.memref_squeeze %dma_start3A_224 : memref<1x128xi32, #tpu.memory_space<vmem>> -> memref<128xi32, #tpu.memory_space<vmem>>
      %dma_start3A_226 = arith.constant 0 : i32
      %dma_start3A_227 = tpu.memref_slice %arg6[%dma_start3A_226] : memref<10000xf32, #tpu.memory_space<vmem_shared>> -> memref<10000xf32, #tpu.memory_space<vmem_shared>>
      tpu.enqueue_indirect_dma source(%arg11 : memref<128xf32, #tpu.memory_space<vmem>>) target(%dma_start3A_227 : memref<10000xf32, #tpu.memory_space<vmem_shared>>) offsets(%dma_start3A_225 : memref<128xi32, #tpu.memory_space<vmem>>) semaphore(%arg19 : memref<!tpu.dma_semaphore, #tpu.memory_space<semaphore_mem>>) {add = true}
      %ge3A_228 = arith.constant 1 : i32
      %ge3A_229 = arith.cmpi sge, %add3A_185, %ge3A_228 : i32
      %convert_element_type3A_230 = arith.extui %ge3A_229 : i1 to i32
      %cond3A_231 = arith.constant 0 : i32
      %cond3A_232 = arith.cmpi ne, %convert_element_type3A_230, %cond3A_231 : i32
      scf.if %cond3A_232 {
        %dma_wait3A_404 = arith.constant 1 : i32
        %dma_wait3A_405 = arith.constant 0 : i32
        %dma_wait3A_406 = tpu.memref_slice %arg7[%dma_wait3A_404, %dma_wait3A_405] : memref<2x640xi32, #tpu.memory_space<vmem>> -> memref<1x128xi32, #tpu.memory_space<vmem>>
        %dma_wait3A_407 = tpu.memref_squeeze %dma_wait3A_406 : memref<1x128xi32, #tpu.memory_space<vmem>> -> memref<128xi32, #tpu.memory_space<vmem>>
        %dma_wait3A_408 = arith.constant 0 : i32
        %dma_wait3A_409 = tpu.memref_slice %arg6[%dma_wait3A_408] : memref<10000xf32, #tpu.memory_space<vmem_shared>> -> memref<10000xf32, #tpu.memory_space<vmem_shared>>
        tpu.wait_indirect_dma semaphore(%arg20 : memref<!tpu.dma_semaphore, #tpu.memory_space<semaphore_mem>>) src(%arg11 : memref<128xf32, #tpu.memory_space<vmem>>) dst(%dma_wait3A_409 : memref<10000xf32, #tpu.memory_space<vmem_shared>>)
      } else {
      }
      %dma_start3A_233 = arith.constant 1 : i32
      %dma_start3A_234 = arith.constant 384 : i32
      %dma_start3A_235 = tpu.memref_slice %arg8[%dma_start3A_233, %dma_start3A_234] : memref<2x640xi32, #tpu.memory_space<vmem>> -> memref<1x128xi32, #tpu.memory_space<vmem>>
      %dma_start3A_236 = tpu.memref_squeeze %dma_start3A_235 : memref<1x128xi32, #tpu.memory_space<vmem>> -> memref<128xi32, #tpu.memory_space<vmem>>
      %dma_start3A_237 = arith.constant 0 : i32
      %dma_start3A_238 = tpu.memref_slice %arg6[%dma_start3A_237] : memref<10000xf32, #tpu.memory_space<vmem_shared>> -> memref<10000xf32, #tpu.memory_space<vmem_shared>>
      tpu.enqueue_indirect_dma source(%arg11 : memref<128xf32, #tpu.memory_space<vmem>>) target(%dma_start3A_238 : memref<10000xf32, #tpu.memory_space<vmem_shared>>) offsets(%dma_start3A_236 : memref<128xi32, #tpu.memory_space<vmem>>) semaphore(%arg20 : memref<!tpu.dma_semaphore, #tpu.memory_space<semaphore_mem>>) {add = true}
      %ge3A_239 = arith.constant 1 : i32
      %ge3A_240 = arith.cmpi sge, %add3A_185, %ge3A_239 : i32
      %convert_element_type3A_241 = arith.extui %ge3A_240 : i1 to i32
      %cond3A_242 = arith.constant 0 : i32
      %cond3A_243 = arith.cmpi ne, %convert_element_type3A_241, %cond3A_242 : i32
      scf.if %cond3A_243 {
        %dma_wait3A_404 = arith.constant 1 : i32
        %dma_wait3A_405 = arith.constant 0 : i32
        %dma_wait3A_406 = tpu.memref_slice %arg7[%dma_wait3A_404, %dma_wait3A_405] : memref<2x640xi32, #tpu.memory_space<vmem>> -> memref<1x128xi32, #tpu.memory_space<vmem>>
        %dma_wait3A_407 = tpu.memref_squeeze %dma_wait3A_406 : memref<1x128xi32, #tpu.memory_space<vmem>> -> memref<128xi32, #tpu.memory_space<vmem>>
        %dma_wait3A_408 = arith.constant 0 : i32
        %dma_wait3A_409 = tpu.memref_slice %arg6[%dma_wait3A_408] : memref<10000xf32, #tpu.memory_space<vmem_shared>> -> memref<10000xf32, #tpu.memory_space<vmem_shared>>
        tpu.wait_indirect_dma semaphore(%arg21 : memref<!tpu.dma_semaphore, #tpu.memory_space<semaphore_mem>>) src(%arg11 : memref<128xf32, #tpu.memory_space<vmem>>) dst(%dma_wait3A_409 : memref<10000xf32, #tpu.memory_space<vmem_shared>>)
      } else {
      }
      %dma_start3A_244 = arith.constant 1 : i32
      %dma_start3A_245 = arith.constant 512 : i32
      %dma_start3A_246 = tpu.memref_slice %arg8[%dma_start3A_244, %dma_start3A_245] : memref<2x640xi32, #tpu.memory_space<vmem>> -> memref<1x128xi32, #tpu.memory_space<vmem>>
      %dma_start3A_247 = tpu.memref_squeeze %dma_start3A_246 : memref<1x128xi32, #tpu.memory_space<vmem>> -> memref<128xi32, #tpu.memory_space<vmem>>
      %dma_start3A_248 = arith.constant 0 : i32
      %dma_start3A_249 = tpu.memref_slice %arg6[%dma_start3A_248] : memref<10000xf32, #tpu.memory_space<vmem_shared>> -> memref<10000xf32, #tpu.memory_space<vmem_shared>>
      tpu.enqueue_indirect_dma source(%arg11 : memref<128xf32, #tpu.memory_space<vmem>>) target(%dma_start3A_249 : memref<10000xf32, #tpu.memory_space<vmem_shared>>) offsets(%dma_start3A_247 : memref<128xi32, #tpu.memory_space<vmem>>) semaphore(%arg21 : memref<!tpu.dma_semaphore, #tpu.memory_space<semaphore_mem>>) {add = true}
      %add3A_250 = arith.constant 2 : i32
      %add3A_251 = arith.addi %add3A_185, %add3A_250 : i32
      %lt3A_252 = arith.cmpi slt, %add3A_251, %select_n3A_24 : i32
      %convert_element_type3A_253 = arith.extui %lt3A_252 : i1 to i32
      %cond3A_254 = arith.constant 0 : i32
      %cond3A_255 = arith.cmpi ne, %convert_element_type3A_253, %cond3A_254 : i32
      scf.if %cond3A_255 {
        %add3A_404 = arith.constant 2 : i32
        %add3A_405 = arith.addi %add3A_185, %add3A_404 : i32
        %mul3A_406 = arith.constant 5 : i32
        %mul3A_407 = arith.muli %add3A_405, %mul3A_406 : i32
        %add3A_408 = arith.addi %mul3A_4, %mul3A_407 : i32
        %mul3A_409 = arith.constant 128 : i32
        %mul3A_410 = arith.muli %add3A_408, %mul3A_409 : i32
        %dma_start3A_411 = arith.constant 0 : i32
        %dma_start3A_412 = tpu.memref_slice %arg2[%dma_start3A_411, %mul3A_410] : memref<2x320000xi32, #tpu.memory_space<hbm>> -> memref<2x640xi32, #tpu.memory_space<hbm>>
        %dma_start3A_413 = arith.constant 0 : i32
        %dma_start3A_414 = tpu.memref_slice %arg2[%dma_start3A_413, %mul3A_410] : memref<2x320000xi32, #tpu.memory_space<hbm>> -> memref<2x640xi32, #tpu.memory_space<hbm>>
        tpu.enqueue_dma source(%dma_start3A_414 : memref<2x640xi32, #tpu.memory_space<hbm>>) target(%arg10 : memref<2x640xi32, #tpu.memory_space<vmem>>) target_semaphore(%arg16 : memref<!tpu.dma_semaphore, #tpu.memory_space<semaphore_mem>>)
      } else {
      }
      %mul3A_256 = arith.constant 4 : i32
      %mul3A_257 = arith.muli %while3A_108, %mul3A_256 : i32
      %add3A_258 = arith.constant 2 : i32
      %add3A_259 = arith.addi %mul3A_257, %add3A_258 : i32
      %mul3A_260 = arith.constant 5 : i32
      %mul3A_261 = arith.muli %add3A_259, %mul3A_260 : i32
      %add3A_262 = arith.addi %mul3A_4, %mul3A_261 : i32
      %mul3A_263 = arith.constant 128 : i32
      %mul3A_264 = arith.muli %add3A_262, %mul3A_263 : i32
      %dma_wait3A_265 = arith.constant 0 : i32
      %dma_wait3A_266 = tpu.memref_slice %arg2[%dma_wait3A_265, %mul3A_264] : memref<2x320000xi32, #tpu.memory_space<hbm>> -> memref<2x640xi32, #tpu.memory_space<hbm>>
      %dma_wait3A_267 = arith.constant 0 : i32
      %dma_wait3A_268 = tpu.memref_slice %arg2[%dma_wait3A_267, %mul3A_264] : memref<2x320000xi32, #tpu.memory_space<hbm>> -> memref<2x640xi32, #tpu.memory_space<hbm>>
      tpu.wait_dma2 semaphore(%arg15 : memref<!tpu.dma_semaphore, #tpu.memory_space<semaphore_mem>>) src(%dma_wait3A_268 : memref<2x640xi32, #tpu.memory_space<hbm>>) dst(%arg9 : memref<2x640xi32, #tpu.memory_space<vmem>>)
      %ge3A_269 = arith.constant 1 : i32
      %ge3A_270 = arith.cmpi sge, %add3A_259, %ge3A_269 : i32
      %convert_element_type3A_271 = arith.extui %ge3A_270 : i1 to i32
      %cond3A_272 = arith.constant 0 : i32
      %cond3A_273 = arith.cmpi ne, %convert_element_type3A_271, %cond3A_272 : i32
      scf.if %cond3A_273 {
        %dma_wait3A_404 = arith.constant 1 : i32
        %dma_wait3A_405 = arith.constant 0 : i32
        %dma_wait3A_406 = tpu.memref_slice %arg7[%dma_wait3A_404, %dma_wait3A_405] : memref<2x640xi32, #tpu.memory_space<vmem>> -> memref<1x128xi32, #tpu.memory_space<vmem>>
        %dma_wait3A_407 = tpu.memref_squeeze %dma_wait3A_406 : memref<1x128xi32, #tpu.memory_space<vmem>> -> memref<128xi32, #tpu.memory_space<vmem>>
        %dma_wait3A_408 = arith.constant 0 : i32
        %dma_wait3A_409 = tpu.memref_slice %arg6[%dma_wait3A_408] : memref<10000xf32, #tpu.memory_space<vmem_shared>> -> memref<10000xf32, #tpu.memory_space<vmem_shared>>
        tpu.wait_indirect_dma semaphore(%arg17 : memref<!tpu.dma_semaphore, #tpu.memory_space<semaphore_mem>>) src(%arg11 : memref<128xf32, #tpu.memory_space<vmem>>) dst(%dma_wait3A_409 : memref<10000xf32, #tpu.memory_space<vmem_shared>>)
      } else {
      }
      %dma_start3A_274 = arith.constant 1 : i32
      %dma_start3A_275 = arith.constant 0 : i32
      %dma_start3A_276 = tpu.memref_slice %arg9[%dma_start3A_274, %dma_start3A_275] : memref<2x640xi32, #tpu.memory_space<vmem>> -> memref<1x128xi32, #tpu.memory_space<vmem>>
      %dma_start3A_277 = tpu.memref_squeeze %dma_start3A_276 : memref<1x128xi32, #tpu.memory_space<vmem>> -> memref<128xi32, #tpu.memory_space<vmem>>
      %dma_start3A_278 = arith.constant 0 : i32
      %dma_start3A_279 = tpu.memref_slice %arg6[%dma_start3A_278] : memref<10000xf32, #tpu.memory_space<vmem_shared>> -> memref<10000xf32, #tpu.memory_space<vmem_shared>>
      tpu.enqueue_indirect_dma source(%arg11 : memref<128xf32, #tpu.memory_space<vmem>>) target(%dma_start3A_279 : memref<10000xf32, #tpu.memory_space<vmem_shared>>) offsets(%dma_start3A_277 : memref<128xi32, #tpu.memory_space<vmem>>) semaphore(%arg17 : memref<!tpu.dma_semaphore, #tpu.memory_space<semaphore_mem>>) {add = true}
      %ge3A_280 = arith.constant 1 : i32
      %ge3A_281 = arith.cmpi sge, %add3A_259, %ge3A_280 : i32
      %convert_element_type3A_282 = arith.extui %ge3A_281 : i1 to i32
      %cond3A_283 = arith.constant 0 : i32
      %cond3A_284 = arith.cmpi ne, %convert_element_type3A_282, %cond3A_283 : i32
      scf.if %cond3A_284 {
        %dma_wait3A_404 = arith.constant 1 : i32
        %dma_wait3A_405 = arith.constant 0 : i32
        %dma_wait3A_406 = tpu.memref_slice %arg7[%dma_wait3A_404, %dma_wait3A_405] : memref<2x640xi32, #tpu.memory_space<vmem>> -> memref<1x128xi32, #tpu.memory_space<vmem>>
        %dma_wait3A_407 = tpu.memref_squeeze %dma_wait3A_406 : memref<1x128xi32, #tpu.memory_space<vmem>> -> memref<128xi32, #tpu.memory_space<vmem>>
        %dma_wait3A_408 = arith.constant 0 : i32
        %dma_wait3A_409 = tpu.memref_slice %arg6[%dma_wait3A_408] : memref<10000xf32, #tpu.memory_space<vmem_shared>> -> memref<10000xf32, #tpu.memory_space<vmem_shared>>
        tpu.wait_indirect_dma semaphore(%arg18 : memref<!tpu.dma_semaphore, #tpu.memory_space<semaphore_mem>>) src(%arg11 : memref<128xf32, #tpu.memory_space<vmem>>) dst(%dma_wait3A_409 : memref<10000xf32, #tpu.memory_space<vmem_shared>>)
      } else {
      }
      %dma_start3A_285 = arith.constant 1 : i32
      %dma_start3A_286 = arith.constant 128 : i32
      %dma_start3A_287 = tpu.memref_slice %arg9[%dma_start3A_285, %dma_start3A_286] : memref<2x640xi32, #tpu.memory_space<vmem>> -> memref<1x128xi32, #tpu.memory_space<vmem>>
      %dma_start3A_288 = tpu.memref_squeeze %dma_start3A_287 : memref<1x128xi32, #tpu.memory_space<vmem>> -> memref<128xi32, #tpu.memory_space<vmem>>
      %dma_start3A_289 = arith.constant 0 : i32
      %dma_start3A_290 = tpu.memref_slice %arg6[%dma_start3A_289] : memref<10000xf32, #tpu.memory_space<vmem_shared>> -> memref<10000xf32, #tpu.memory_space<vmem_shared>>
      tpu.enqueue_indirect_dma source(%arg11 : memref<128xf32, #tpu.memory_space<vmem>>) target(%dma_start3A_290 : memref<10000xf32, #tpu.memory_space<vmem_shared>>) offsets(%dma_start3A_288 : memref<128xi32, #tpu.memory_space<vmem>>) semaphore(%arg18 : memref<!tpu.dma_semaphore, #tpu.memory_space<semaphore_mem>>) {add = true}
      %ge3A_291 = arith.constant 1 : i32
      %ge3A_292 = arith.cmpi sge, %add3A_259, %ge3A_291 : i32
      %convert_element_type3A_293 = arith.extui %ge3A_292 : i1 to i32
      %cond3A_294 = arith.constant 0 : i32
      %cond3A_295 = arith.cmpi ne, %convert_element_type3A_293, %cond3A_294 : i32
      scf.if %cond3A_295 {
        %dma_wait3A_404 = arith.constant 1 : i32
        %dma_wait3A_405 = arith.constant 0 : i32
        %dma_wait3A_406 = tpu.memref_slice %arg7[%dma_wait3A_404, %dma_wait3A_405] : memref<2x640xi32, #tpu.memory_space<vmem>> -> memref<1x128xi32, #tpu.memory_space<vmem>>
        %dma_wait3A_407 = tpu.memref_squeeze %dma_wait3A_406 : memref<1x128xi32, #tpu.memory_space<vmem>> -> memref<128xi32, #tpu.memory_space<vmem>>
        %dma_wait3A_408 = arith.constant 0 : i32
        %dma_wait3A_409 = tpu.memref_slice %arg6[%dma_wait3A_408] : memref<10000xf32, #tpu.memory_space<vmem_shared>> -> memref<10000xf32, #tpu.memory_space<vmem_shared>>
        tpu.wait_indirect_dma semaphore(%arg19 : memref<!tpu.dma_semaphore, #tpu.memory_space<semaphore_mem>>) src(%arg11 : memref<128xf32, #tpu.memory_space<vmem>>) dst(%dma_wait3A_409 : memref<10000xf32, #tpu.memory_space<vmem_shared>>)
      } else {
      }
      %dma_start3A_296 = arith.constant 1 : i32
      %dma_start3A_297 = arith.constant 256 : i32
      %dma_start3A_298 = tpu.memref_slice %arg9[%dma_start3A_296, %dma_start3A_297] : memref<2x640xi32, #tpu.memory_space<vmem>> -> memref<1x128xi32, #tpu.memory_space<vmem>>
      %dma_start3A_299 = tpu.memref_squeeze %dma_start3A_298 : memref<1x128xi32, #tpu.memory_space<vmem>> -> memref<128xi32, #tpu.memory_space<vmem>>
      %dma_start3A_300 = arith.constant 0 : i32
      %dma_start3A_301 = tpu.memref_slice %arg6[%dma_start3A_300] : memref<10000xf32, #tpu.memory_space<vmem_shared>> -> memref<10000xf32, #tpu.memory_space<vmem_shared>>
      tpu.enqueue_indirect_dma source(%arg11 : memref<128xf32, #tpu.memory_space<vmem>>) target(%dma_start3A_301 : memref<10000xf32, #tpu.memory_space<vmem_shared>>) offsets(%dma_start3A_299 : memref<128xi32, #tpu.memory_space<vmem>>) semaphore(%arg19 : memref<!tpu.dma_semaphore, #tpu.memory_space<semaphore_mem>>) {add = true}
      %ge3A_302 = arith.constant 1 : i32
      %ge3A_303 = arith.cmpi sge, %add3A_259, %ge3A_302 : i32
      %convert_element_type3A_304 = arith.extui %ge3A_303 : i1 to i32
      %cond3A_305 = arith.constant 0 : i32
      %cond3A_306 = arith.cmpi ne, %convert_element_type3A_304, %cond3A_305 : i32
      scf.if %cond3A_306 {
        %dma_wait3A_404 = arith.constant 1 : i32
        %dma_wait3A_405 = arith.constant 0 : i32
        %dma_wait3A_406 = tpu.memref_slice %arg7[%dma_wait3A_404, %dma_wait3A_405] : memref<2x640xi32, #tpu.memory_space<vmem>> -> memref<1x128xi32, #tpu.memory_space<vmem>>
        %dma_wait3A_407 = tpu.memref_squeeze %dma_wait3A_406 : memref<1x128xi32, #tpu.memory_space<vmem>> -> memref<128xi32, #tpu.memory_space<vmem>>
        %dma_wait3A_408 = arith.constant 0 : i32
        %dma_wait3A_409 = tpu.memref_slice %arg6[%dma_wait3A_408] : memref<10000xf32, #tpu.memory_space<vmem_shared>> -> memref<10000xf32, #tpu.memory_space<vmem_shared>>
        tpu.wait_indirect_dma semaphore(%arg20 : memref<!tpu.dma_semaphore, #tpu.memory_space<semaphore_mem>>) src(%arg11 : memref<128xf32, #tpu.memory_space<vmem>>) dst(%dma_wait3A_409 : memref<10000xf32, #tpu.memory_space<vmem_shared>>)
      } else {
      }
      %dma_start3A_307 = arith.constant 1 : i32
      %dma_start3A_308 = arith.constant 384 : i32
      %dma_start3A_309 = tpu.memref_slice %arg9[%dma_start3A_307, %dma_start3A_308] : memref<2x640xi32, #tpu.memory_space<vmem>> -> memref<1x128xi32, #tpu.memory_space<vmem>>
      %dma_start3A_310 = tpu.memref_squeeze %dma_start3A_309 : memref<1x128xi32, #tpu.memory_space<vmem>> -> memref<128xi32, #tpu.memory_space<vmem>>
      %dma_start3A_311 = arith.constant 0 : i32
      %dma_start3A_312 = tpu.memref_slice %arg6[%dma_start3A_311] : memref<10000xf32, #tpu.memory_space<vmem_shared>> -> memref<10000xf32, #tpu.memory_space<vmem_shared>>
      tpu.enqueue_indirect_dma source(%arg11 : memref<128xf32, #tpu.memory_space<vmem>>) target(%dma_start3A_312 : memref<10000xf32, #tpu.memory_space<vmem_shared>>) offsets(%dma_start3A_310 : memref<128xi32, #tpu.memory_space<vmem>>) semaphore(%arg20 : memref<!tpu.dma_semaphore, #tpu.memory_space<semaphore_mem>>) {add = true}
      %ge3A_313 = arith.constant 1 : i32
      %ge3A_314 = arith.cmpi sge, %add3A_259, %ge3A_313 : i32
      %convert_element_type3A_315 = arith.extui %ge3A_314 : i1 to i32
      %cond3A_316 = arith.constant 0 : i32
      %cond3A_317 = arith.cmpi ne, %convert_element_type3A_315, %cond3A_316 : i32
      scf.if %cond3A_317 {
        %dma_wait3A_404 = arith.constant 1 : i32
        %dma_wait3A_405 = arith.constant 0 : i32
        %dma_wait3A_406 = tpu.memref_slice %arg7[%dma_wait3A_404, %dma_wait3A_405] : memref<2x640xi32, #tpu.memory_space<vmem>> -> memref<1x128xi32, #tpu.memory_space<vmem>>
        %dma_wait3A_407 = tpu.memref_squeeze %dma_wait3A_406 : memref<1x128xi32, #tpu.memory_space<vmem>> -> memref<128xi32, #tpu.memory_space<vmem>>
        %dma_wait3A_408 = arith.constant 0 : i32
        %dma_wait3A_409 = tpu.memref_slice %arg6[%dma_wait3A_408] : memref<10000xf32, #tpu.memory_space<vmem_shared>> -> memref<10000xf32, #tpu.memory_space<vmem_shared>>
        tpu.wait_indirect_dma semaphore(%arg21 : memref<!tpu.dma_semaphore, #tpu.memory_space<semaphore_mem>>) src(%arg11 : memref<128xf32, #tpu.memory_space<vmem>>) dst(%dma_wait3A_409 : memref<10000xf32, #tpu.memory_space<vmem_shared>>)
      } else {
      }
      %dma_start3A_318 = arith.constant 1 : i32
      %dma_start3A_319 = arith.constant 512 : i32
      %dma_start3A_320 = tpu.memref_slice %arg9[%dma_start3A_318, %dma_start3A_319] : memref<2x640xi32, #tpu.memory_space<vmem>> -> memref<1x128xi32, #tpu.memory_space<vmem>>
      %dma_start3A_321 = tpu.memref_squeeze %dma_start3A_320 : memref<1x128xi32, #tpu.memory_space<vmem>> -> memref<128xi32, #tpu.memory_space<vmem>>
      %dma_start3A_322 = arith.constant 0 : i32
      %dma_start3A_323 = tpu.memref_slice %arg6[%dma_start3A_322] : memref<10000xf32, #tpu.memory_space<vmem_shared>> -> memref<10000xf32, #tpu.memory_space<vmem_shared>>
      tpu.enqueue_indirect_dma source(%arg11 : memref<128xf32, #tpu.memory_space<vmem>>) target(%dma_start3A_323 : memref<10000xf32, #tpu.memory_space<vmem_shared>>) offsets(%dma_start3A_321 : memref<128xi32, #tpu.memory_space<vmem>>) semaphore(%arg21 : memref<!tpu.dma_semaphore, #tpu.memory_space<semaphore_mem>>) {add = true}
      %add3A_324 = arith.constant 2 : i32
      %add3A_325 = arith.addi %add3A_259, %add3A_324 : i32
      %lt3A_326 = arith.cmpi slt, %add3A_325, %select_n3A_24 : i32
      %convert_element_type3A_327 = arith.extui %lt3A_326 : i1 to i32
      %cond3A_328 = arith.constant 0 : i32
      %cond3A_329 = arith.cmpi ne, %convert_element_type3A_327, %cond3A_328 : i32
      scf.if %cond3A_329 {
        %add3A_404 = arith.constant 2 : i32
        %add3A_405 = arith.addi %add3A_259, %add3A_404 : i32
        %mul3A_406 = arith.constant 5 : i32
        %mul3A_407 = arith.muli %add3A_405, %mul3A_406 : i32
        %add3A_408 = arith.addi %mul3A_4, %mul3A_407 : i32
        %mul3A_409 = arith.constant 128 : i32
        %mul3A_410 = arith.muli %add3A_408, %mul3A_409 : i32
        %dma_start3A_411 = arith.constant 0 : i32
        %dma_start3A_412 = tpu.memref_slice %arg2[%dma_start3A_411, %mul3A_410] : memref<2x320000xi32, #tpu.memory_space<hbm>> -> memref<2x640xi32, #tpu.memory_space<hbm>>
        %dma_start3A_413 = arith.constant 0 : i32
        %dma_start3A_414 = tpu.memref_slice %arg2[%dma_start3A_413, %mul3A_410] : memref<2x320000xi32, #tpu.memory_space<hbm>> -> memref<2x640xi32, #tpu.memory_space<hbm>>
        tpu.enqueue_dma source(%dma_start3A_414 : memref<2x640xi32, #tpu.memory_space<hbm>>) target(%arg7 : memref<2x640xi32, #tpu.memory_space<vmem>>) target_semaphore(%arg13 : memref<!tpu.dma_semaphore, #tpu.memory_space<semaphore_mem>>)
      } else {
      }
      %mul3A_330 = arith.constant 4 : i32
      %mul3A_331 = arith.muli %while3A_108, %mul3A_330 : i32
      %add3A_332 = arith.constant 3 : i32
      %add3A_333 = arith.addi %mul3A_331, %add3A_332 : i32
      %mul3A_334 = arith.constant 5 : i32
      %mul3A_335 = arith.muli %add3A_333, %mul3A_334 : i32
      %add3A_336 = arith.addi %mul3A_4, %mul3A_335 : i32
      %mul3A_337 = arith.constant 128 : i32
      %mul3A_338 = arith.muli %add3A_336, %mul3A_337 : i32
      %dma_wait3A_339 = arith.constant 0 : i32
      %dma_wait3A_340 = tpu.memref_slice %arg2[%dma_wait3A_339, %mul3A_338] : memref<2x320000xi32, #tpu.memory_space<hbm>> -> memref<2x640xi32, #tpu.memory_space<hbm>>
      %dma_wait3A_341 = arith.constant 0 : i32
      %dma_wait3A_342 = tpu.memref_slice %arg2[%dma_wait3A_341, %mul3A_338] : memref<2x320000xi32, #tpu.memory_space<hbm>> -> memref<2x640xi32, #tpu.memory_space<hbm>>
      tpu.wait_dma2 semaphore(%arg16 : memref<!tpu.dma_semaphore, #tpu.memory_space<semaphore_mem>>) src(%dma_wait3A_342 : memref<2x640xi32, #tpu.memory_space<hbm>>) dst(%arg10 : memref<2x640xi32, #tpu.memory_space<vmem>>)
      %ge3A_343 = arith.constant 1 : i32
      %ge3A_344 = arith.cmpi sge, %add3A_333, %ge3A_343 : i32
      %convert_element_type3A_345 = arith.extui %ge3A_344 : i1 to i32
      %cond3A_346 = arith.constant 0 : i32
      %cond3A_347 = arith.cmpi ne, %convert_element_type3A_345, %cond3A_346 : i32
      scf.if %cond3A_347 {
        %dma_wait3A_404 = arith.constant 1 : i32
        %dma_wait3A_405 = arith.constant 0 : i32
        %dma_wait3A_406 = tpu.memref_slice %arg7[%dma_wait3A_404, %dma_wait3A_405] : memref<2x640xi32, #tpu.memory_space<vmem>> -> memref<1x128xi32, #tpu.memory_space<vmem>>
        %dma_wait3A_407 = tpu.memref_squeeze %dma_wait3A_406 : memref<1x128xi32, #tpu.memory_space<vmem>> -> memref<128xi32, #tpu.memory_space<vmem>>
        %dma_wait3A_408 = arith.constant 0 : i32
        %dma_wait3A_409 = tpu.memref_slice %arg6[%dma_wait3A_408] : memref<10000xf32, #tpu.memory_space<vmem_shared>> -> memref<10000xf32, #tpu.memory_space<vmem_shared>>
        tpu.wait_indirect_dma semaphore(%arg17 : memref<!tpu.dma_semaphore, #tpu.memory_space<semaphore_mem>>) src(%arg11 : memref<128xf32, #tpu.memory_space<vmem>>) dst(%dma_wait3A_409 : memref<10000xf32, #tpu.memory_space<vmem_shared>>)
      } else {
      }
      %dma_start3A_348 = arith.constant 1 : i32
      %dma_start3A_349 = arith.constant 0 : i32
      %dma_start3A_350 = tpu.memref_slice %arg10[%dma_start3A_348, %dma_start3A_349] : memref<2x640xi32, #tpu.memory_space<vmem>> -> memref<1x128xi32, #tpu.memory_space<vmem>>
      %dma_start3A_351 = tpu.memref_squeeze %dma_start3A_350 : memref<1x128xi32, #tpu.memory_space<vmem>> -> memref<128xi32, #tpu.memory_space<vmem>>
      %dma_start3A_352 = arith.constant 0 : i32
      %dma_start3A_353 = tpu.memref_slice %arg6[%dma_start3A_352] : memref<10000xf32, #tpu.memory_space<vmem_shared>> -> memref<10000xf32, #tpu.memory_space<vmem_shared>>
      tpu.enqueue_indirect_dma source(%arg11 : memref<128xf32, #tpu.memory_space<vmem>>) target(%dma_start3A_353 : memref<10000xf32, #tpu.memory_space<vmem_shared>>) offsets(%dma_start3A_351 : memref<128xi32, #tpu.memory_space<vmem>>) semaphore(%arg17 : memref<!tpu.dma_semaphore, #tpu.memory_space<semaphore_mem>>) {add = true}
      %ge3A_354 = arith.constant 1 : i32
      %ge3A_355 = arith.cmpi sge, %add3A_333, %ge3A_354 : i32
      %convert_element_type3A_356 = arith.extui %ge3A_355 : i1 to i32
      %cond3A_357 = arith.constant 0 : i32
      %cond3A_358 = arith.cmpi ne, %convert_element_type3A_356, %cond3A_357 : i32
      scf.if %cond3A_358 {
        %dma_wait3A_404 = arith.constant 1 : i32
        %dma_wait3A_405 = arith.constant 0 : i32
        %dma_wait3A_406 = tpu.memref_slice %arg7[%dma_wait3A_404, %dma_wait3A_405] : memref<2x640xi32, #tpu.memory_space<vmem>> -> memref<1x128xi32, #tpu.memory_space<vmem>>
        %dma_wait3A_407 = tpu.memref_squeeze %dma_wait3A_406 : memref<1x128xi32, #tpu.memory_space<vmem>> -> memref<128xi32, #tpu.memory_space<vmem>>
        %dma_wait3A_408 = arith.constant 0 : i32
        %dma_wait3A_409 = tpu.memref_slice %arg6[%dma_wait3A_408] : memref<10000xf32, #tpu.memory_space<vmem_shared>> -> memref<10000xf32, #tpu.memory_space<vmem_shared>>
        tpu.wait_indirect_dma semaphore(%arg18 : memref<!tpu.dma_semaphore, #tpu.memory_space<semaphore_mem>>) src(%arg11 : memref<128xf32, #tpu.memory_space<vmem>>) dst(%dma_wait3A_409 : memref<10000xf32, #tpu.memory_space<vmem_shared>>)
      } else {
      }
      %dma_start3A_359 = arith.constant 1 : i32
      %dma_start3A_360 = arith.constant 128 : i32
      %dma_start3A_361 = tpu.memref_slice %arg10[%dma_start3A_359, %dma_start3A_360] : memref<2x640xi32, #tpu.memory_space<vmem>> -> memref<1x128xi32, #tpu.memory_space<vmem>>
      %dma_start3A_362 = tpu.memref_squeeze %dma_start3A_361 : memref<1x128xi32, #tpu.memory_space<vmem>> -> memref<128xi32, #tpu.memory_space<vmem>>
      %dma_start3A_363 = arith.constant 0 : i32
      %dma_start3A_364 = tpu.memref_slice %arg6[%dma_start3A_363] : memref<10000xf32, #tpu.memory_space<vmem_shared>> -> memref<10000xf32, #tpu.memory_space<vmem_shared>>
      tpu.enqueue_indirect_dma source(%arg11 : memref<128xf32, #tpu.memory_space<vmem>>) target(%dma_start3A_364 : memref<10000xf32, #tpu.memory_space<vmem_shared>>) offsets(%dma_start3A_362 : memref<128xi32, #tpu.memory_space<vmem>>) semaphore(%arg18 : memref<!tpu.dma_semaphore, #tpu.memory_space<semaphore_mem>>) {add = true}
      %ge3A_365 = arith.constant 1 : i32
      %ge3A_366 = arith.cmpi sge, %add3A_333, %ge3A_365 : i32
      %convert_element_type3A_367 = arith.extui %ge3A_366 : i1 to i32
      %cond3A_368 = arith.constant 0 : i32
      %cond3A_369 = arith.cmpi ne, %convert_element_type3A_367, %cond3A_368 : i32
      scf.if %cond3A_369 {
        %dma_wait3A_404 = arith.constant 1 : i32
        %dma_wait3A_405 = arith.constant 0 : i32
        %dma_wait3A_406 = tpu.memref_slice %arg7[%dma_wait3A_404, %dma_wait3A_405] : memref<2x640xi32, #tpu.memory_space<vmem>> -> memref<1x128xi32, #tpu.memory_space<vmem>>
        %dma_wait3A_407 = tpu.memref_squeeze %dma_wait3A_406 : memref<1x128xi32, #tpu.memory_space<vmem>> -> memref<128xi32, #tpu.memory_space<vmem>>
        %dma_wait3A_408 = arith.constant 0 : i32
        %dma_wait3A_409 = tpu.memref_slice %arg6[%dma_wait3A_408] : memref<10000xf32, #tpu.memory_space<vmem_shared>> -> memref<10000xf32, #tpu.memory_space<vmem_shared>>
        tpu.wait_indirect_dma semaphore(%arg19 : memref<!tpu.dma_semaphore, #tpu.memory_space<semaphore_mem>>) src(%arg11 : memref<128xf32, #tpu.memory_space<vmem>>) dst(%dma_wait3A_409 : memref<10000xf32, #tpu.memory_space<vmem_shared>>)
      } else {
      }
      %dma_start3A_370 = arith.constant 1 : i32
      %dma_start3A_371 = arith.constant 256 : i32
      %dma_start3A_372 = tpu.memref_slice %arg10[%dma_start3A_370, %dma_start3A_371] : memref<2x640xi32, #tpu.memory_space<vmem>> -> memref<1x128xi32, #tpu.memory_space<vmem>>
      %dma_start3A_373 = tpu.memref_squeeze %dma_start3A_372 : memref<1x128xi32, #tpu.memory_space<vmem>> -> memref<128xi32, #tpu.memory_space<vmem>>
      %dma_start3A_374 = arith.constant 0 : i32
      %dma_start3A_375 = tpu.memref_slice %arg6[%dma_start3A_374] : memref<10000xf32, #tpu.memory_space<vmem_shared>> -> memref<10000xf32, #tpu.memory_space<vmem_shared>>
      tpu.enqueue_indirect_dma source(%arg11 : memref<128xf32, #tpu.memory_space<vmem>>) target(%dma_start3A_375 : memref<10000xf32, #tpu.memory_space<vmem_shared>>) offsets(%dma_start3A_373 : memref<128xi32, #tpu.memory_space<vmem>>) semaphore(%arg19 : memref<!tpu.dma_semaphore, #tpu.memory_space<semaphore_mem>>) {add = true}
      %ge3A_376 = arith.constant 1 : i32
      %ge3A_377 = arith.cmpi sge, %add3A_333, %ge3A_376 : i32
      %convert_element_type3A_378 = arith.extui %ge3A_377 : i1 to i32
      %cond3A_379 = arith.constant 0 : i32
      %cond3A_380 = arith.cmpi ne, %convert_element_type3A_378, %cond3A_379 : i32
      scf.if %cond3A_380 {
        %dma_wait3A_404 = arith.constant 1 : i32
        %dma_wait3A_405 = arith.constant 0 : i32
        %dma_wait3A_406 = tpu.memref_slice %arg7[%dma_wait3A_404, %dma_wait3A_405] : memref<2x640xi32, #tpu.memory_space<vmem>> -> memref<1x128xi32, #tpu.memory_space<vmem>>
        %dma_wait3A_407 = tpu.memref_squeeze %dma_wait3A_406 : memref<1x128xi32, #tpu.memory_space<vmem>> -> memref<128xi32, #tpu.memory_space<vmem>>
        %dma_wait3A_408 = arith.constant 0 : i32
        %dma_wait3A_409 = tpu.memref_slice %arg6[%dma_wait3A_408] : memref<10000xf32, #tpu.memory_space<vmem_shared>> -> memref<10000xf32, #tpu.memory_space<vmem_shared>>
        tpu.wait_indirect_dma semaphore(%arg20 : memref<!tpu.dma_semaphore, #tpu.memory_space<semaphore_mem>>) src(%arg11 : memref<128xf32, #tpu.memory_space<vmem>>) dst(%dma_wait3A_409 : memref<10000xf32, #tpu.memory_space<vmem_shared>>)
      } else {
      }
      %dma_start3A_381 = arith.constant 1 : i32
      %dma_start3A_382 = arith.constant 384 : i32
      %dma_start3A_383 = tpu.memref_slice %arg10[%dma_start3A_381, %dma_start3A_382] : memref<2x640xi32, #tpu.memory_space<vmem>> -> memref<1x128xi32, #tpu.memory_space<vmem>>
      %dma_start3A_384 = tpu.memref_squeeze %dma_start3A_383 : memref<1x128xi32, #tpu.memory_space<vmem>> -> memref<128xi32, #tpu.memory_space<vmem>>
      %dma_start3A_385 = arith.constant 0 : i32
      %dma_start3A_386 = tpu.memref_slice %arg6[%dma_start3A_385] : memref<10000xf32, #tpu.memory_space<vmem_shared>> -> memref<10000xf32, #tpu.memory_space<vmem_shared>>
      tpu.enqueue_indirect_dma source(%arg11 : memref<128xf32, #tpu.memory_space<vmem>>) target(%dma_start3A_386 : memref<10000xf32, #tpu.memory_space<vmem_shared>>) offsets(%dma_start3A_384 : memref<128xi32, #tpu.memory_space<vmem>>) semaphore(%arg20 : memref<!tpu.dma_semaphore, #tpu.memory_space<semaphore_mem>>) {add = true}
      %ge3A_387 = arith.constant 1 : i32
      %ge3A_388 = arith.cmpi sge, %add3A_333, %ge3A_387 : i32
      %convert_element_type3A_389 = arith.extui %ge3A_388 : i1 to i32
      %cond3A_390 = arith.constant 0 : i32
      %cond3A_391 = arith.cmpi ne, %convert_element_type3A_389, %cond3A_390 : i32
      scf.if %cond3A_391 {
        %dma_wait3A_404 = arith.constant 1 : i32
        %dma_wait3A_405 = arith.constant 0 : i32
        %dma_wait3A_406 = tpu.memref_slice %arg7[%dma_wait3A_404, %dma_wait3A_405] : memref<2x640xi32, #tpu.memory_space<vmem>> -> memref<1x128xi32, #tpu.memory_space<vmem>>
        %dma_wait3A_407 = tpu.memref_squeeze %dma_wait3A_406 : memref<1x128xi32, #tpu.memory_space<vmem>> -> memref<128xi32, #tpu.memory_space<vmem>>
        %dma_wait3A_408 = arith.constant 0 : i32
        %dma_wait3A_409 = tpu.memref_slice %arg6[%dma_wait3A_408] : memref<10000xf32, #tpu.memory_space<vmem_shared>> -> memref<10000xf32, #tpu.memory_space<vmem_shared>>
        tpu.wait_indirect_dma semaphore(%arg21 : memref<!tpu.dma_semaphore, #tpu.memory_space<semaphore_mem>>) src(%arg11 : memref<128xf32, #tpu.memory_space<vmem>>) dst(%dma_wait3A_409 : memref<10000xf32, #tpu.memory_space<vmem_shared>>)
      } else {
      }
      %dma_start3A_392 = arith.constant 1 : i32
      %dma_start3A_393 = arith.constant 512 : i32
      %dma_start3A_394 = tpu.memref_slice %arg10[%dma_start3A_392, %dma_start3A_393] : memref<2x640xi32, #tpu.memory_space<vmem>> -> memref<1x128xi32, #tpu.memory_space<vmem>>
      %dma_start3A_395 = tpu.memref_squeeze %dma_start3A_394 : memref<1x128xi32, #tpu.memory_space<vmem>> -> memref<128xi32, #tpu.memory_space<vmem>>
      %dma_start3A_396 = arith.constant 0 : i32
      %dma_start3A_397 = tpu.memref_slice %arg6[%dma_start3A_396] : memref<10000xf32, #tpu.memory_space<vmem_shared>> -> memref<10000xf32, #tpu.memory_space<vmem_shared>>
      tpu.enqueue_indirect_dma source(%arg11 : memref<128xf32, #tpu.memory_space<vmem>>) target(%dma_start3A_397 : memref<10000xf32, #tpu.memory_space<vmem_shared>>) offsets(%dma_start3A_395 : memref<128xi32, #tpu.memory_space<vmem>>) semaphore(%arg21 : memref<!tpu.dma_semaphore, #tpu.memory_space<semaphore_mem>>) {add = true}
      %add3A_398 = arith.constant 2 : i32
      %add3A_399 = arith.addi %add3A_333, %add3A_398 : i32
      %lt3A_400 = arith.cmpi slt, %add3A_399, %select_n3A_24 : i32
      %convert_element_type3A_401 = arith.extui %lt3A_400 : i1 to i32
      %cond3A_402 = arith.constant 0 : i32
      %cond3A_403 = arith.cmpi ne, %convert_element_type3A_401, %cond3A_402 : i32
      scf.if %cond3A_403 {
        %add3A_404 = arith.constant 2 : i32
        %add3A_405 = arith.addi %add3A_333, %add3A_404 : i32
        %mul3A_406 = arith.constant 5 : i32
        %mul3A_407 = arith.muli %add3A_405, %mul3A_406 : i32
        %add3A_408 = arith.addi %mul3A_4, %mul3A_407 : i32
        %mul3A_409 = arith.constant 128 : i32
        %mul3A_410 = arith.muli %add3A_408, %mul3A_409 : i32
        %dma_start3A_411 = arith.constant 0 : i32
        %dma_start3A_412 = tpu.memref_slice %arg2[%dma_start3A_411, %mul3A_410] : memref<2x320000xi32, #tpu.memory_space<hbm>> -> memref<2x640xi32, #tpu.memory_space<hbm>>
        %dma_start3A_413 = arith.constant 0 : i32
        %dma_start3A_414 = tpu.memref_slice %arg2[%dma_start3A_413, %mul3A_410] : memref<2x320000xi32, #tpu.memory_space<hbm>> -> memref<2x640xi32, #tpu.memory_space<hbm>>
        tpu.enqueue_dma source(%dma_start3A_414 : memref<2x640xi32, #tpu.memory_space<hbm>>) target(%arg8 : memref<2x640xi32, #tpu.memory_space<vmem>>) target_semaphore(%arg14 : memref<!tpu.dma_semaphore, #tpu.memory_space<semaphore_mem>>)
      } else {
      }
    }
    %dma_wait3A = arith.constant 1 : i32
    %dma_wait3A_73 = arith.constant 0 : i32
    %dma_wait3A_74 = tpu.memref_slice %arg7[%dma_wait3A, %dma_wait3A_73] : memref<2x640xi32, #tpu.memory_space<vmem>> -> memref<1x128xi32, #tpu.memory_space<vmem>>
    %dma_wait3A_75 = tpu.memref_squeeze %dma_wait3A_74 : memref<1x128xi32, #tpu.memory_space<vmem>> -> memref<128xi32, #tpu.memory_space<vmem>>
    %dma_wait3A_76 = arith.constant 0 : i32
    %dma_wait3A_77 = tpu.memref_slice %arg6[%dma_wait3A_76] : memref<10000xf32, #tpu.memory_space<vmem_shared>> -> memref<10000xf32, #tpu.memory_space<vmem_shared>>
    tpu.wait_indirect_dma semaphore(%arg17 : memref<!tpu.dma_semaphore, #tpu.memory_space<semaphore_mem>>) src(%arg11 : memref<128xf32, #tpu.memory_space<vmem>>) dst(%dma_wait3A_77 : memref<10000xf32, #tpu.memory_space<vmem_shared>>)
    %dma_wait3A_78 = arith.constant 1 : i32
    %dma_wait3A_79 = arith.constant 0 : i32
    %dma_wait3A_80 = tpu.memref_slice %arg7[%dma_wait3A_78, %dma_wait3A_79] : memref<2x640xi32, #tpu.memory_space<vmem>> -> memref<1x128xi32, #tpu.memory_space<vmem>>
    %dma_wait3A_81 = tpu.memref_squeeze %dma_wait3A_80 : memref<1x128xi32, #tpu.memory_space<vmem>> -> memref<128xi32, #tpu.memory_space<vmem>>
    %dma_wait3A_82 = arith.constant 0 : i32
    %dma_wait3A_83 = tpu.memref_slice %arg6[%dma_wait3A_82] : memref<10000xf32, #tpu.memory_space<vmem_shared>> -> memref<10000xf32, #tpu.memory_space<vmem_shared>>
    tpu.wait_indirect_dma semaphore(%arg18 : memref<!tpu.dma_semaphore, #tpu.memory_space<semaphore_mem>>) src(%arg11 : memref<128xf32, #tpu.memory_space<vmem>>) dst(%dma_wait3A_83 : memref<10000xf32, #tpu.memory_space<vmem_shared>>)
    %dma_wait3A_84 = arith.constant 1 : i32
    %dma_wait3A_85 = arith.constant 0 : i32
    %dma_wait3A_86 = tpu.memref_slice %arg7[%dma_wait3A_84, %dma_wait3A_85] : memref<2x640xi32, #tpu.memory_space<vmem>> -> memref<1x128xi32, #tpu.memory_space<vmem>>
    %dma_wait3A_87 = tpu.memref_squeeze %dma_wait3A_86 : memref<1x128xi32, #tpu.memory_space<vmem>> -> memref<128xi32, #tpu.memory_space<vmem>>
    %dma_wait3A_88 = arith.constant 0 : i32
    %dma_wait3A_89 = tpu.memref_slice %arg6[%dma_wait3A_88] : memref<10000xf32, #tpu.memory_space<vmem_shared>> -> memref<10000xf32, #tpu.memory_space<vmem_shared>>
    tpu.wait_indirect_dma semaphore(%arg19 : memref<!tpu.dma_semaphore, #tpu.memory_space<semaphore_mem>>) src(%arg11 : memref<128xf32, #tpu.memory_space<vmem>>) dst(%dma_wait3A_89 : memref<10000xf32, #tpu.memory_space<vmem_shared>>)
    %dma_wait3A_90 = arith.constant 1 : i32
    %dma_wait3A_91 = arith.constant 0 : i32
    %dma_wait3A_92 = tpu.memref_slice %arg7[%dma_wait3A_90, %dma_wait3A_91] : memref<2x640xi32, #tpu.memory_space<vmem>> -> memref<1x128xi32, #tpu.memory_space<vmem>>
    %dma_wait3A_93 = tpu.memref_squeeze %dma_wait3A_92 : memref<1x128xi32, #tpu.memory_space<vmem>> -> memref<128xi32, #tpu.memory_space<vmem>>
    %dma_wait3A_94 = arith.constant 0 : i32
    %dma_wait3A_95 = tpu.memref_slice %arg6[%dma_wait3A_94] : memref<10000xf32, #tpu.memory_space<vmem_shared>> -> memref<10000xf32, #tpu.memory_space<vmem_shared>>
    tpu.wait_indirect_dma semaphore(%arg20 : memref<!tpu.dma_semaphore, #tpu.memory_space<semaphore_mem>>) src(%arg11 : memref<128xf32, #tpu.memory_space<vmem>>) dst(%dma_wait3A_95 : memref<10000xf32, #tpu.memory_space<vmem_shared>>)
    %dma_wait3A_96 = arith.constant 1 : i32
    %dma_wait3A_97 = arith.constant 0 : i32
    %dma_wait3A_98 = tpu.memref_slice %arg7[%dma_wait3A_96, %dma_wait3A_97] : memref<2x640xi32, #tpu.memory_space<vmem>> -> memref<1x128xi32, #tpu.memory_space<vmem>>
    %dma_wait3A_99 = tpu.memref_squeeze %dma_wait3A_98 : memref<1x128xi32, #tpu.memory_space<vmem>> -> memref<128xi32, #tpu.memory_space<vmem>>
    %dma_wait3A_100 = arith.constant 0 : i32
    %dma_wait3A_101 = tpu.memref_slice %arg6[%dma_wait3A_100] : memref<10000xf32, #tpu.memory_space<vmem_shared>> -> memref<10000xf32, #tpu.memory_space<vmem_shared>>
    tpu.wait_indirect_dma semaphore(%arg21 : memref<!tpu.dma_semaphore, #tpu.memory_space<semaphore_mem>>) src(%arg11 : memref<128xf32, #tpu.memory_space<vmem>>) dst(%dma_wait3A_101 : memref<10000xf32, #tpu.memory_space<vmem_shared>>)
    %barrier3A_102 = arith.constant 0 : index
    tpu.barrier barrier_id(%barrier3A_102)
    %lt3A_103 = arith.constant 10 : i32
    %lt3A_104 = arith.cmpi slt, %arg1, %lt3A_103 : i32
    %convert_element_type3A_105 = arith.extui %lt3A_104 : i1 to i32
    %cond3A_106 = arith.constant 0 : i32
    %cond3A_107 = arith.cmpi ne, %convert_element_type3A_105, %cond3A_106 : i32
    scf.if %cond3A_107 {
      %mul3A_108 = arith.constant 1000 : i32
      %mul3A_109 = arith.muli %arg1, %mul3A_108 : i32
      "tpu.region"() ({
        %run_scoped3A = tpu.sem_alloc : memref<!tpu.dma_semaphore, #tpu.memory_space<semaphore_mem>>
        %dma_start3A_110 = tpu.memref_slice %arg6[%mul3A_109] : memref<10000xf32, #tpu.memory_space<vmem_shared>> -> memref<1000xf32, #tpu.memory_space<vmem_shared>>
        %dma_start3A_111 = tpu.memref_slice %arg6[%mul3A_109] : memref<10000xf32, #tpu.memory_space<vmem_shared>> -> memref<1000xf32, #tpu.memory_space<vmem_shared>>
        tpu.enqueue_dma source(%dma_start3A_111 : memref<1000xf32, #tpu.memory_space<vmem_shared>>) target(%arg12 : memref<1000xf32, #tpu.memory_space<vmem>>) target_semaphore(%run_scoped3A : memref<!tpu.dma_semaphore, #tpu.memory_space<semaphore_mem>>)
        %dma_wait3A_112 = tpu.memref_slice %arg6[%mul3A_109] : memref<10000xf32, #tpu.memory_space<vmem_shared>> -> memref<1000xf32, #tpu.memory_space<vmem_shared>>
        %dma_wait3A_113 = tpu.memref_slice %arg6[%mul3A_109] : memref<10000xf32, #tpu.memory_space<vmem_shared>> -> memref<1000xf32, #tpu.memory_space<vmem_shared>>
        tpu.wait_dma2 semaphore(%run_scoped3A : memref<!tpu.dma_semaphore, #tpu.memory_space<semaphore_mem>>) src(%dma_wait3A_113 : memref<1000xf32, #tpu.memory_space<vmem_shared>>) dst(%arg12 : memref<1000xf32, #tpu.memory_space<vmem>>)
        tpu.yield
      }) : () -> ()
      "tpu.region"() ({
        %run_scoped3A = tpu.sem_alloc : memref<!tpu.dma_semaphore, #tpu.memory_space<semaphore_mem>>
        %dma_start3A_110 = arith.constant 0 : i32
        %dma_start3A_111 = tpu.memref_slice %arg5[%arg0, %arg1, %dma_start3A_110] : memref<2x10x1000xf32, #tpu.memory_space<hbm>> -> memref<1x1x1000xf32, #tpu.memory_space<hbm>>
        %dma_start3A_112 = tpu.memref_squeeze %dma_start3A_111 : memref<1x1x1000xf32, #tpu.memory_space<hbm>> -> memref<1000xf32, #tpu.memory_space<hbm>>
        %dma_start3A_113 = arith.constant 0 : i32
        %dma_start3A_114 = tpu.memref_slice %arg5[%arg0, %arg1, %dma_start3A_113] : memref<2x10x1000xf32, #tpu.memory_space<hbm>> -> memref<1x1x1000xf32, #tpu.memory_space<hbm>>
        %dma_start3A_115 = tpu.memref_squeeze %dma_start3A_114 : memref<1x1x1000xf32, #tpu.memory_space<hbm>> -> memref<1000xf32, #tpu.memory_space<hbm>>
        tpu.enqueue_dma source(%arg12 : memref<1000xf32, #tpu.memory_space<vmem>>) target(%dma_start3A_115 : memref<1000xf32, #tpu.memory_space<hbm>>) target_semaphore(%run_scoped3A : memref<!tpu.dma_semaphore, #tpu.memory_space<semaphore_mem>>)
        %dma_wait3A_116 = arith.constant 0 : i32
        %dma_wait3A_117 = tpu.memref_slice %arg5[%arg0, %arg1, %dma_wait3A_116] : memref<2x10x1000xf32, #tpu.memory_space<hbm>> -> memref<1x1x1000xf32, #tpu.memory_space<hbm>>
        %dma_wait3A_118 = tpu.memref_squeeze %dma_wait3A_117 : memref<1x1x1000xf32, #tpu.memory_space<hbm>> -> memref<1000xf32, #tpu.memory_space<hbm>>
        %dma_wait3A_119 = arith.constant 0 : i32
        %dma_wait3A_120 = tpu.memref_slice %arg5[%arg0, %arg1, %dma_wait3A_119] : memref<2x10x1000xf32, #tpu.memory_space<hbm>> -> memref<1x1x1000xf32, #tpu.memory_space<hbm>>
        %dma_wait3A_121 = tpu.memref_squeeze %dma_wait3A_120 : memref<1x1x1000xf32, #tpu.memory_space<hbm>> -> memref<1000xf32, #tpu.memory_space<hbm>>
        tpu.wait_dma2 semaphore(%run_scoped3A : memref<!tpu.dma_semaphore, #tpu.memory_space<semaphore_mem>>) src(%arg12 : memref<1000xf32, #tpu.memory_space<vmem>>) dst(%dma_wait3A_121 : memref<1000xf32, #tpu.memory_space<hbm>>)
        tpu.yield
      }) : () -> ()
    } else {
    }
    return
  }
}

module attributes {stable_mosaic.version = 14 : i64} {
  func.func @_scale_body(%arg0: i32, %arg1: memref<1000x128xf32, #tpu.memory_space<vmem>>, %arg2: memref<2x10x1000xf32, #tpu.memory_space<vmem>>, %arg3: memref<1000x128xf32, #tpu.memory_space<vmem>>, %arg4: memref<10x1000xf32, #tpu.memory_space<vmem>>) attributes {dimension_semantics = [#tpu.dimension_semantics<arbitrary>], iteration_bounds = array<i64: 10>, scalar_prefetch = 0 : i64, scratch_operands = 0 : i64, tpu.core_type = #tpu.core_type<tc>, window_params = [{transform_indices = @transform_0, window_bounds = array<i64: 1000, 128>}, {pipeline_mode = #tpu.pipeline_mode<synchronous>, transform_indices = @transform_1, window_bounds = array<i64: 2, 10, 1000>}, {transform_indices = @transform_2, window_bounds = array<i64: 1000, 128>}, {pipeline_mode = #tpu.pipeline_mode<synchronous>, transform_indices = @transform_3, window_bounds = array<i64: 10, 1000>}]} {
    %get3A = arith.constant 0 : index
    %get3A_0 = arith.index_cast %arg0 : i32 to index
    %get3A_1 = arith.constant 0 : index
    %get3A_2 = vector.load %arg2[%get3A, %get3A_0, %get3A_1] : memref<2x10x1000xf32, #tpu.memory_space<vmem>>, vector<1x1x1000xf32>
    %get3A_3 = vector.shape_cast %get3A_2 : vector<1x1x1000xf32> to vector<1x1000xf32>
    %get3A_4 = arith.constant 1 : index
    %get3A_5 = arith.index_cast %arg0 : i32 to index
    %get3A_6 = arith.constant 0 : index
    %get3A_7 = vector.load %arg2[%get3A_4, %get3A_5, %get3A_6] : memref<2x10x1000xf32, #tpu.memory_space<vmem>>, vector<1x1x1000xf32>
    %get3A_8 = vector.shape_cast %get3A_7 : vector<1x1x1000xf32> to vector<1x1000xf32>
    %add3A = arith.addf %get3A_3, %get3A_8 : vector<1x1000xf32>
    %add3A_9 = arith.constant 1.000000e+00 : f32
    %add3A_10 = vector.broadcast %add3A_9 : f32 to vector<1x1000xf32>
    %add3A_11 = arith.addf %add3A, %add3A_10 : vector<1x1000xf32>
    %rsqrt3A = math.rsqrt %add3A_11 : vector<1x1000xf32>
    %get3A_12 = arith.constant 0 : index
    %get3A_13 = arith.constant 0 : index
    %get3A_14 = vector.load %arg1[%get3A_12, %get3A_13] : memref<1000x128xf32, #tpu.memory_space<vmem>>, vector<1000x128xf32>
    %transpose3A = tpu.transpose %rsqrt3A, [1, 0] : vector<1x1000xf32> -> vector<1000x1xf32>
    %mul3A = vector.broadcast %transpose3A : vector<1000x1xf32> to vector<1000x128xf32>
    %mul3A_15 = arith.mulf %get3A_14, %mul3A : vector<1000x128xf32>
    %swap3A = arith.constant 0 : index
    %swap3A_16 = arith.constant 0 : index
    %swap3A_17 = vector.load %arg3[%swap3A, %swap3A_16] : memref<1000x128xf32, #tpu.memory_space<vmem>>, vector<1000x128xf32>
    tpu.vector_store %arg3[%swap3A, %swap3A_16], %mul3A_15 {strides = array<i32>} : memref<1000x128xf32, #tpu.memory_space<vmem>>, vector<1000x128xf32>,
    %swap3A_18 = arith.index_cast %arg0 : i32 to index
    %swap3A_19 = arith.constant 0 : index
    %swap3A_20 = vector.load %arg4[%swap3A_18, %swap3A_19] : memref<10x1000xf32, #tpu.memory_space<vmem>>, vector<1x1000xf32>
    tpu.vector_store %arg4[%swap3A_18, %swap3A_19], %rsqrt3A {strides = array<i32>} : memref<10x1000xf32, #tpu.memory_space<vmem>>, vector<1x1000xf32>,
    return
  }
  func.func @transform_0(%arg0: i32) -> (i32, i32) {
    %c0_i32 = arith.constant 0 : i32
    %c0_i32_0 = arith.constant 0 : i32
    return %arg0, %c0_i32 : i32, i32
  }
  func.func @transform_1(%arg0: i32) -> (i32, i32, i32) {
    %c0_i32 = arith.constant 0 : i32
    %c0_i32_0 = arith.constant 0 : i32
    %c0_i32_1 = arith.constant 0 : i32
    %c0_i32_2 = arith.constant 0 : i32
    return %c0_i32, %c0_i32_0, %c0_i32_1 : i32, i32, i32
  }
  func.func @transform_2(%arg0: i32) -> (i32, i32) {
    %c0_i32 = arith.constant 0 : i32
    %c0_i32_0 = arith.constant 0 : i32
    return %arg0, %c0_i32 : i32, i32
  }
  func.func @transform_3(%arg0: i32) -> (i32, i32) {
    %c0_i32 = arith.constant 0 : i32
    %c0_i32_0 = arith.constant 0 : i32
    %c0_i32_1 = arith.constant 0 : i32
    return %c0_i32, %c0_i32_0 : i32, i32
  }
}

module attributes {stable_mosaic.version = 14 : i64} {
  func.func @_head_body(%arg0: i32, %arg1: memref<2x1000x128xf32, #tpu.memory_space<vmem>>, %arg2: memref<1000x128xf32, #tpu.memory_space<vmem>>, %arg3: memref<10x1000xf32, #tpu.memory_space<vmem>>, %arg4: memref<4x128x128xf32, #tpu.memory_space<vmem>>, %arg5: memref<4x128xf32, #tpu.memory_space<vmem>>, %arg6: memref<4x1000x128xf32, #tpu.memory_space<vmem>>) attributes {dimension_semantics = [#tpu.dimension_semantics<arbitrary>], iteration_bounds = array<i64: 10>, scalar_prefetch = 0 : i64, scratch_operands = 0 : i64, tpu.core_type = #tpu.core_type<tc>, window_params = [{transform_indices = @transform_0, window_bounds = array<i64: 2, 1000, 128>}, {transform_indices = @transform_1, window_bounds = array<i64: 1000, 128>}, {pipeline_mode = #tpu.pipeline_mode<synchronous>, transform_indices = @transform_2, window_bounds = array<i64: 10, 1000>}, {pipeline_mode = #tpu.pipeline_mode<synchronous>, transform_indices = @transform_3, window_bounds = array<i64: 4, 128, 128>}, {pipeline_mode = #tpu.pipeline_mode<synchronous>, transform_indices = @transform_4, window_bounds = array<i64: 4, 128>}, {transform_indices = @transform_5, window_bounds = array<i64: 4, 1000, 128>}]} {
    %get3A = arith.index_cast %arg0 : i32 to index
    %get3A_0 = arith.constant 0 : index
    %get3A_1 = vector.load %arg3[%get3A, %get3A_0] : memref<10x1000xf32, #tpu.memory_space<vmem>>, vector<1x1000xf32>
    %transpose3A = tpu.transpose %get3A_1, [1, 0] : vector<1x1000xf32> -> vector<1000x1xf32>
    %get3A_2 = arith.constant 0 : index
    %get3A_3 = arith.constant 0 : index
    %get3A_4 = arith.constant 0 : index
    %get3A_5 = vector.load %arg1[%get3A_2, %get3A_3, %get3A_4] : memref<2x1000x128xf32, #tpu.memory_space<vmem>>, vector<1x1000x128xf32>
    %get3A_6 = vector.shape_cast %get3A_5 : vector<1x1000x128xf32> to vector<1000x128xf32>
    %get3A_7 = arith.constant 1 : index
    %get3A_8 = arith.constant 0 : index
    %get3A_9 = arith.constant 0 : index
    %get3A_10 = vector.load %arg1[%get3A_7, %get3A_8, %get3A_9] : memref<2x1000x128xf32, #tpu.memory_space<vmem>>, vector<1x1000x128xf32>
    %get3A_11 = vector.shape_cast %get3A_10 : vector<1x1000x128xf32> to vector<1000x128xf32>
    %add3A = arith.addf %get3A_6, %get3A_11 : vector<1000x128xf32>
    %get3A_12 = arith.constant 0 : index
    %get3A_13 = arith.constant 0 : index
    %get3A_14 = vector.load %arg2[%get3A_12, %get3A_13] : memref<1000x128xf32, #tpu.memory_space<vmem>>, vector<1000x128xf32>
    %add3A_15 = arith.addf %add3A, %get3A_14 : vector<1000x128xf32>
    %mul3A = vector.broadcast %transpose3A : vector<1000x1xf32> to vector<1000x128xf32>
    %mul3A_16 = arith.mulf %add3A_15, %mul3A : vector<1000x128xf32>
    %get3A_17 = arith.constant 0 : index
    %get3A_18 = arith.constant 0 : index
    %get3A_19 = arith.constant 0 : index
    %get3A_20 = vector.load %arg4[%get3A_17, %get3A_18, %get3A_19] : memref<4x128x128xf32, #tpu.memory_space<vmem>>, vector<1x128x128xf32>
    %get3A_21 = vector.shape_cast %get3A_20 : vector<1x128x128xf32> to vector<128x128xf32>
    %dot_general3A = arith.constant dense<0.000000e+00> : vector<1000x128xf32>
    %dot_general3A_22 = tpu.matmul %mul3A_16, %get3A_21, %dot_general3A {dimension_numbers = #tpu.dot_dimension_numbers<[1], [0], [0], [1], [0, 0, 1, 1], [], []>, transpose_lhs_hint = false} : vector<1000x128xf32>, vector<128x128xf32>, vector<1000x128xf32> -> vector<1000x128xf32>
    %get3A_23 = arith.constant 0 : index
    %get3A_24 = arith.constant 0 : index
    %get3A_25 = vector.load %arg5[%get3A_23, %get3A_24] : memref<4x128xf32, #tpu.memory_space<vmem>>, vector<1x128xf32>
    %get3A_26 = vector.shape_cast %get3A_25 : vector<1x128xf32> to vector<128xf32>
    %broadcast_in_dim3A = vector.shape_cast %get3A_26 : vector<128xf32> to vector<1x128xf32>
    %add3A_27 = vector.broadcast %broadcast_in_dim3A : vector<1x128xf32> to vector<1000x128xf32>
    %add3A_28 = arith.addf %dot_general3A_22, %add3A_27 : vector<1000x128xf32>
    %swap3A = arith.constant 0 : index
    %swap3A_29 = arith.constant 0 : index
    %swap3A_30 = arith.constant 0 : index
    %swap3A_31 = vector.load %arg6[%swap3A, %swap3A_29, %swap3A_30] : memref<4x1000x128xf32, #tpu.memory_space<vmem>>, vector<1x1000x128xf32>
    %swap3A_32 = vector.shape_cast %swap3A_31 : vector<1x1000x128xf32> to vector<1000x128xf32>
    %swap3A_33 = vector.shape_cast %add3A_28 : vector<1000x128xf32> to vector<1x1000x128xf32>
    tpu.vector_store %arg6[%swap3A, %swap3A_29, %swap3A_30], %swap3A_33 {strides = array<i32>} : memref<4x1000x128xf32, #tpu.memory_space<vmem>>, vector<1x1000x128xf32>,
    %get3A_34 = arith.constant 1 : index
    %get3A_35 = arith.constant 0 : index
    %get3A_36 = arith.constant 0 : index
    %get3A_37 = vector.load %arg4[%get3A_34, %get3A_35, %get3A_36] : memref<4x128x128xf32, #tpu.memory_space<vmem>>, vector<1x128x128xf32>
    %get3A_38 = vector.shape_cast %get3A_37 : vector<1x128x128xf32> to vector<128x128xf32>
    %dot_general3A_39 = arith.constant dense<0.000000e+00> : vector<1000x128xf32>
    %dot_general3A_40 = tpu.matmul %mul3A_16, %get3A_38, %dot_general3A_39 {dimension_numbers = #tpu.dot_dimension_numbers<[1], [0], [0], [1], [0, 0, 1, 1], [], []>, transpose_lhs_hint = false} : vector<1000x128xf32>, vector<128x128xf32>, vector<1000x128xf32> -> vector<1000x128xf32>
    %get3A_41 = arith.constant 1 : index
    %get3A_42 = arith.constant 0 : index
    %get3A_43 = vector.load %arg5[%get3A_41, %get3A_42] : memref<4x128xf32, #tpu.memory_space<vmem>>, vector<1x128xf32>
    %get3A_44 = vector.shape_cast %get3A_43 : vector<1x128xf32> to vector<128xf32>
    %broadcast_in_dim3A_45 = vector.shape_cast %get3A_44 : vector<128xf32> to vector<1x128xf32>
    %add3A_46 = vector.broadcast %broadcast_in_dim3A_45 : vector<1x128xf32> to vector<1000x128xf32>
    %add3A_47 = arith.addf %dot_general3A_40, %add3A_46 : vector<1000x128xf32>
    %swap3A_48 = arith.constant 1 : index
    %swap3A_49 = arith.constant 0 : index
    %swap3A_50 = arith.constant 0 : index
    %swap3A_51 = vector.load %arg6[%swap3A_48, %swap3A_49, %swap3A_50] : memref<4x1000x128xf32, #tpu.memory_space<vmem>>, vector<1x1000x128xf32>
    %swap3A_52 = vector.shape_cast %swap3A_51 : vector<1x1000x128xf32> to vector<1000x128xf32>
    %swap3A_53 = vector.shape_cast %add3A_47 : vector<1000x128xf32> to vector<1x1000x128xf32>
    tpu.vector_store %arg6[%swap3A_48, %swap3A_49, %swap3A_50], %swap3A_53 {strides = array<i32>} : memref<4x1000x128xf32, #tpu.memory_space<vmem>>, vector<1x1000x128xf32>,
    %get3A_54 = arith.constant 2 : index
    %get3A_55 = arith.constant 0 : index
    %get3A_56 = arith.constant 0 : index
    %get3A_57 = vector.load %arg4[%get3A_54, %get3A_55, %get3A_56] : memref<4x128x128xf32, #tpu.memory_space<vmem>>, vector<1x128x128xf32>
    %get3A_58 = vector.shape_cast %get3A_57 : vector<1x128x128xf32> to vector<128x128xf32>
    %dot_general3A_59 = arith.constant dense<0.000000e+00> : vector<1000x128xf32>
    %dot_general3A_60 = tpu.matmul %mul3A_16, %get3A_58, %dot_general3A_59 {dimension_numbers = #tpu.dot_dimension_numbers<[1], [0], [0], [1], [0, 0, 1, 1], [], []>, transpose_lhs_hint = false} : vector<1000x128xf32>, vector<128x128xf32>, vector<1000x128xf32> -> vector<1000x128xf32>
    %get3A_61 = arith.constant 2 : index
    %get3A_62 = arith.constant 0 : index
    %get3A_63 = vector.load %arg5[%get3A_61, %get3A_62] : memref<4x128xf32, #tpu.memory_space<vmem>>, vector<1x128xf32>
    %get3A_64 = vector.shape_cast %get3A_63 : vector<1x128xf32> to vector<128xf32>
    %broadcast_in_dim3A_65 = vector.shape_cast %get3A_64 : vector<128xf32> to vector<1x128xf32>
    %add3A_66 = vector.broadcast %broadcast_in_dim3A_65 : vector<1x128xf32> to vector<1000x128xf32>
    %add3A_67 = arith.addf %dot_general3A_60, %add3A_66 : vector<1000x128xf32>
    %swap3A_68 = arith.constant 2 : index
    %swap3A_69 = arith.constant 0 : index
    %swap3A_70 = arith.constant 0 : index
    %swap3A_71 = vector.load %arg6[%swap3A_68, %swap3A_69, %swap3A_70] : memref<4x1000x128xf32, #tpu.memory_space<vmem>>, vector<1x1000x128xf32>
    %swap3A_72 = vector.shape_cast %swap3A_71 : vector<1x1000x128xf32> to vector<1000x128xf32>
    %swap3A_73 = vector.shape_cast %add3A_67 : vector<1000x128xf32> to vector<1x1000x128xf32>
    tpu.vector_store %arg6[%swap3A_68, %swap3A_69, %swap3A_70], %swap3A_73 {strides = array<i32>} : memref<4x1000x128xf32, #tpu.memory_space<vmem>>, vector<1x1000x128xf32>,
    %get3A_74 = arith.constant 3 : index
    %get3A_75 = arith.constant 0 : index
    %get3A_76 = arith.constant 0 : index
    %get3A_77 = vector.load %arg4[%get3A_74, %get3A_75, %get3A_76] : memref<4x128x128xf32, #tpu.memory_space<vmem>>, vector<1x128x128xf32>
    %get3A_78 = vector.shape_cast %get3A_77 : vector<1x128x128xf32> to vector<128x128xf32>
    %dot_general3A_79 = arith.constant dense<0.000000e+00> : vector<1000x128xf32>
    %dot_general3A_80 = tpu.matmul %mul3A_16, %get3A_78, %dot_general3A_79 {dimension_numbers = #tpu.dot_dimension_numbers<[1], [0], [0], [1], [0, 0, 1, 1], [], []>, transpose_lhs_hint = false} : vector<1000x128xf32>, vector<128x128xf32>, vector<1000x128xf32> -> vector<1000x128xf32>
    %get3A_81 = arith.constant 3 : index
    %get3A_82 = arith.constant 0 : index
    %get3A_83 = vector.load %arg5[%get3A_81, %get3A_82] : memref<4x128xf32, #tpu.memory_space<vmem>>, vector<1x128xf32>
    %get3A_84 = vector.shape_cast %get3A_83 : vector<1x128xf32> to vector<128xf32>
    %broadcast_in_dim3A_85 = vector.shape_cast %get3A_84 : vector<128xf32> to vector<1x128xf32>
    %add3A_86 = vector.broadcast %broadcast_in_dim3A_85 : vector<1x128xf32> to vector<1000x128xf32>
    %add3A_87 = arith.addf %dot_general3A_80, %add3A_86 : vector<1000x128xf32>
    %swap3A_88 = arith.constant 3 : index
    %swap3A_89 = arith.constant 0 : index
    %swap3A_90 = arith.constant 0 : index
    %swap3A_91 = vector.load %arg6[%swap3A_88, %swap3A_89, %swap3A_90] : memref<4x1000x128xf32, #tpu.memory_space<vmem>>, vector<1x1000x128xf32>
    %swap3A_92 = vector.shape_cast %swap3A_91 : vector<1x1000x128xf32> to vector<1000x128xf32>
    %swap3A_93 = vector.shape_cast %add3A_87 : vector<1000x128xf32> to vector<1x1000x128xf32>
    tpu.vector_store %arg6[%swap3A_88, %swap3A_89, %swap3A_90], %swap3A_93 {strides = array<i32>} : memref<4x1000x128xf32, #tpu.memory_space<vmem>>, vector<1x1000x128xf32>,
    return
  }
  func.func @transform_0(%arg0: i32) -> (i32, i32, i32) {
    %c0_i32 = arith.constant 0 : i32
    %c0_i32_0 = arith.constant 0 : i32
    %c0_i32_1 = arith.constant 0 : i32
    return %c0_i32, %arg0, %c0_i32_0 : i32, i32, i32
  }
  func.func @transform_1(%arg0: i32) -> (i32, i32) {
    %c0_i32 = arith.constant 0 : i32
    %c0_i32_0 = arith.constant 0 : i32
    return %arg0, %c0_i32 : i32, i32
  }
  func.func @transform_2(%arg0: i32) -> (i32, i32) {
    %c0_i32 = arith.constant 0 : i32
    %c0_i32_0 = arith.constant 0 : i32
    %c0_i32_1 = arith.constant 0 : i32
    return %c0_i32, %c0_i32_0 : i32, i32
  }
  func.func @transform_3(%arg0: i32) -> (i32, i32, i32) {
    %c0_i32 = arith.constant 0 : i32
    %c0_i32_0 = arith.constant 0 : i32
    %c0_i32_1 = arith.constant 0 : i32
    %c0_i32_2 = arith.constant 0 : i32
    return %c0_i32, %c0_i32_0, %c0_i32_1 : i32, i32, i32
  }
  func.func @transform_4(%arg0: i32) -> (i32, i32) {
    %c0_i32 = arith.constant 0 : i32
    %c0_i32_0 = arith.constant 0 : i32
    %c0_i32_1 = arith.constant 0 : i32
    return %c0_i32, %c0_i32_0 : i32, i32
  }
  func.func @transform_5(%arg0: i32) -> (i32, i32, i32) {
    %c0_i32 = arith.constant 0 : i32
    %c0_i32_0 = arith.constant 0 : i32
    %c0_i32_1 = arith.constant 0 : i32
    return %c0_i32, %arg0, %c0_i32_0 : i32, i32, i32
  }
}

</mosaic_0001>

<sc_bundles>
// kernel: kernel.6.cloned.1.call-start
scs
__scs_entry_jumppad:
0x0: {  	(pc) =	sbr.rel $0x88, $3  }
0x1: {  	(tag) =	ssettag $0x0;
	lr =	simm.s32 $0x1  }
0x2: {  	[smem:$0x3F9D] =	sst lr;
	_ =	strace $0xD0000000  }
0x3: {  	_ = 	snop  }
0x4: {  	_ = 	snop  }
0x5: {  	_ = 	snop  }
0x6: {  	_ = 	snop  }
0x7: {  	_ = 	snop  }
__scs_overlays_trampoline_lowered:
0x8: {  	[smem:$0x3FAC] =	sst s0  }
0x9: {  	[smem:$0x3FAD] =	sst s1  }
0xa: {  	[smem:$0x3FAE] =	sst s2  }
0xb: {  	[smem:$0x3FAF] =	sst s3  }
0xc: {  	[smem:$0x3FB0] =	sst s4  }
0xd: {  	[smem:$0x3FB1] =	sst s5  }
0xe: {  	[smem:$0x3FB2] =	sst s6  }
0xf: {  	[smem:$0x3FB3] =	sst s7  }
0x10: {  	[smem:$0x3FB4] =	sst s8  }
0x11: {  	[smem:$0x3FB5] =	sst s9;
	s0 =	simm.s32 @!p0 $0x0  }
0x12: {  	s1 =	sld [smem:$0x3F9B];
	s0 =	simm.s32 @p0 $0x1  }
0x13: {  	[smem:$0x3FB6] =	sst s0;
	s0 =	simm.s32 @!p1 $0x0  }
0x14: {  	s2 =	sld [smem:$0x3F9A];
	s0 =	simm.s32 @p1 $0x1  }
0x15: {  	[smem:$0x3FB7] =	sst s0;
	s0 =	simm.s32 @!p2 $0x0  }
0x16: {  	s3 =	sld [smem:$0x3FDB];
	s0 =	simm.s32 @p2 $0x1  }
0x17: {  	s4 =	simm.s32 $0x1BF5;
	[smem:$0x3FB9] =	sst s0  }
0x18: {  	s0 =	sld [smem:$0x3F9C];
	_ =	swait.ge [sflag:s4], $0x0  }
0x19: {  	s7 =	sld [smem:$0x3F9D]  }
0x1a: {  	s8 =	sadd.s32 $0xFFFFE003, lr  }
0x1b: {  	s9 =	sadd.s32 $0xFFFFFEF7, lr;
	s5 =	simm.s32 $0xFFFFFFFF;
	p2 =	slt.u32 s8, $0xFFFFF086  }
0x1c: {  	p1 =	slt.u32 s9, $0xF7A;
	s5 =	simm.s32 @!p2 $0x0  }
0x1d: {  	s5 =	simm.s32 @p1 $0x1;
	p0 =	seq.s32 s7, s2  }
0x1e: {  	s7 =	smul.u32 @!p0 $0xF7A, s2;
	p2 =	seq.s32 @!p0 s5, $0x0  }
0x1f: {  	s9 =	smul.u32 $0xF7A, s1;
	s8 =	simm.s32 @!p0 $0x1BF5;
	p2 =	por !p2, p0  }
0x20: {  	[sflag:s8] =	ssyncset.s32 @!p0 $0xFFFFF086;
	s6 =	sadd.s32 @!p0 s3, s7;
	s7 =	simm.s32 @!p0 $0x108  }
0x21: {  	s3 =	sadd.s32 s3, s9;
	s6 =	sadd.s32 @!p0 $0x88, s6;
	s7 =	simm.s32 @p2 $0x1082  }
0x22: {  	[simem:s7], [sflag:s8] =	dma.local @!p0 [hbm:s6], $0xF7A  }
0x23: {  	s9 =	sor.u32 $0xD0000000, s2;
	s6 =	simm.s32 $0x108;
	_ =	swait.ge @!p0 [sflag:s8], $0x0  }
0x24: {  	s3 =	sadd.s32 $0x88, s3;
	s6 =	simm.s32 @!p1 $0x1082;
	[sflag:s4] =	ssyncset.s32 $0xFFFFF086  }
0x25: {  	[simem:s6], [sflag:s4] =	dma.local [hbm:s3], $0xF7A  }
0x26: {  	[smem:$0x3F9D] =	sst s1;
	(tag) =	ssettag s2;
	_ =	strace s9  }
0x27: {  	s1 =	sld [smem:$0x3FAD]  }
0x28: {  	s2 =	sld [smem:$0x3FAE]  }
0x29: {  	s4 =	sld [smem:$0x3FB0]  }
0x2a: {  	p0 =	seq.s32 s5, $0x0;
	s5 =	sld [smem:$0x3FB1]  }
0x2b: {  	s6 =	sld [smem:$0x3FB2]  }
0x2c: {  	s7 =	sld [smem:$0x3FB3]  }
0x2d: {  	s3 =	simm.s32 $0x108;
	s8 =	sld [smem:$0x3FB4]  }
0x2e: {  	s3 =	simm.s32 @!p0 $0x1082;
	s9 =	sld [smem:$0x3FB5]  }
0x2f: {  	lr =	sadd.s32 s0, s3;
	s0 =	sld [smem:$0x3FAC]  }
0x30: {  	s3 =	sld [smem:$0x3FAF]  }
0x31: {  	[smem:$0x3FB8] =	sst s10  }
0x32: {  	s10 =	sld [smem:$0x3FB6];
	_ =	sdelay $0x3  }
0x33: {  	p0 =	seq.s32 s10, $0x1;
	s10 =	sld [smem:$0x3FB8];
	_ =	sdelay $0x3  }
0x34: {  	[smem:$0x3FB8] =	sst s10  }
0x35: {  	s10 =	sld [smem:$0x3FB7];
	_ =	sdelay $0x3  }
0x36: {  	p1 =	seq.s32 s10, $0x1;
	s10 =	sld [smem:$0x3FB8];
	_ =	sdelay $0x3  }
0x37: {  	[smem:$0x3FB8] =	sst s10  }
0x38: {  	s10 =	sld [smem:$0x3FB9]  }
0x39: {  	_ = 	snop;
	(pc) =	sbr.ind lr, $3  }
0x3a: {  	_ = 	snop  }
0x3b: {  	_ = 	snop  }
0x3c: {  	p2 =	seq.s32 s10, $0x1;
	s10 =	sld [smem:$0x3FB8]  }
0x3d: {  	_ =	shalt  }
0x3e: {  	_ =	shalt  }
0x3f: {  	_ =	shalt  }
0x40: {  	_ =	shalt  }
0x41: {  	_ =	shalt  }
0x42: {  	_ =	shalt  }
0x43: {  	_ =	shalt  }
0x44: {  	_ =	shalt  }
0x45: {  	_ =	shalt  }
0x46: {  	_ =	shalt  }
0x47: {  	_ =	shalt  }
0x48: {  	_ =	shalt  }
0x49: {  	_ =	shalt  }
0x4a: {  	_ =	shalt  }
0x4b: {  	_ =	shalt  }
0x4c: {  	_ =	shalt  }
0x4d: {  	_ =	shalt  }
0x4e: {  	_ =	shalt  }
0x4f: {  	_ =	shalt  }
0x50: {  	_ =	shalt  }
0x51: {  	_ =	shalt  }
0x52: {  	_ =	shalt  }
0x53: {  	_ =	shalt  }
0x54: {  	_ =	shalt  }
0x55: {  	_ =	shalt  }
0x56: {  	_ =	shalt  }
0x57: {  	_ =	shalt  }
0x58: {  	_ =	shalt  }
0x59: {  	_ =	shalt  }
0x5a: {  	_ =	shalt  }
0x5b: {  	_ =	shalt  }
0x5c: {  	_ =	shalt  }
0x5d: {  	_ =	shalt  }
0x5e: {  	_ =	shalt  }
0x5f: {  	_ =	shalt  }
0x60: {  	_ =	shalt  }
0x61: {  	_ =	shalt  }
0x62: {  	_ =	shalt  }
0x63: {  	_ =	shalt  }
0x64: {  	_ =	shalt  }
0x65: {  	_ =	shalt  }
0x66: {  	_ =	shalt  }
0x67: {  	_ =	shalt  }
0x68: {  	_ =	shalt  }
0x69: {  	_ =	shalt  }
0x6a: {  	_ =	shalt  }
0x6b: {  	_ =	shalt  }
0x6c: {  	_ =	shalt  }
0x6d: {  	_ =	shalt  }
0x6e: {  	_ =	shalt  }
0x6f: {  	_ =	shalt  }
0x70: {  	_ =	shalt  }
0x71: {  	_ =	shalt  }
0x72: {  	_ =	shalt  }
0x73: {  	_ =	shalt  }
0x74: {  	_ =	shalt  }
0x75: {  	_ =	shalt  }
0x76: {  	_ =	shalt  }
0x77: {  	_ =	shalt  }
0x78: {  	_ =	shalt  }
0x79: {  	_ =	shalt  }
0x7a: {  	_ =	shalt  }
0x7b: {  	_ =	shalt  }
0x7c: {  	_ =	shalt  }
0x7d: {  	_ =	shalt  }
0x7e: {  	_ =	shalt  }
0x7f: {  	_ =	shalt  }
0x80: {  	_ =	shalt  }
0x81: {  	_ =	shalt  }
0x82: {  	_ =	shalt  }
0x83: {  	_ =	shalt  }
0x84: {  	_ =	shalt  }
0x85: {  	_ =	shalt  }
0x86: {  	_ =	shalt  }
0x87: {  	_ =	shalt  }
.Lfunc_end0:
.L_simem_size_0:
called_computation_lowered:
.L_overlay_start_0:
0x88: {  	s2 =	sld [smem:$0x3FD9]  }
0x89: {  	s3 =	sld [smem:$0x3FFE];
	_ =	sdelay $0x1  }
0x8a: {  	s1 =	srdreg.scid  }
0x8b: {  	s0 =	sand.u32 $0x1, s1  }
0x8c: {  	s17 =	sshll.u32 s0, $0xA;
	s2 =	sadd.s32 s3, s2  }
0x8d: {  	s2 =	sadd.s32 s2, s17  }
0x8e: {  	[smem:$0x3FC4] =	sst s2  }
0x8f: {  	_ = 	snop  }
0x90: {  	s2 =	sld [smem:$0x3FC8]  }
0x91: {  	s18 =	sld [smem:$0x3FD0];
	(tm) =	ssettm $0x1  }
0x92: {  	s4 =	sld [smem:$0x3FFB];
	_ =	sdelay $0x3  }
0x93: {  	_ =	strace s4  }
0x94: {  	s4 =	sld [smem:$0x3FFC];
	_ =	sdelay $0x3  }
0x95: {  	_ =	strace s4  }
0x96: {  	s4 =	sld [smem:$0x3FFD];
	_ =	sdelay $0x3  }
0x97: {  	_ =	strace s4  }
0x98: {  	_ =	strace $0x8FFFFFFF  }
0x99: {  	s19 =	sld [smem:$0x3FDB];
	_ =	sdelay $0x1  }
0x9a: {  	s5 =	simm.s32 $_scs_section_size  }
0x9b: {  	s6 =	simm.s32 $_size__tile_overlayer_lowered;
	s7 =	simm.s32 $_tile_overlayer_lowered  }
0x9c: {  	s22 =	simm.s32 $0x1BFF;
	s21 =	sshll.u32 s7, $0x1;
	s4 =	sadd.s32 s5, s19  }
0x9d: {  	s8 =	simm.s32 $0x0;
	s20 =	sshll.u32 s6, $0x1;
	s6 =	sadd.s32 s21, s4  }
0x9e: {  	[timem:s8], [sflag:s22] =	dma.local [hbm:s6], s20  }
0x9f: {  	_ =	swait.ge [sflag:s22], s20  }
0xa0: {  	s5 =	ssub.s32 $0x0, s20;
	[sflag:s22] =	ssyncset.done $0x0  }
0xa1: {  	[sflag:s22] =	ssyncadd.s32 s5;
	_ =	sdelay $0x1  }
0xa2: {  	s23 =	simm.s32 $0x1B8B  }
0xa3: {  	_ =	swait.ge [sflag:s23], $0x1  }
0xa4: {  	[sflag:s23] =	ssyncset.done $0x0  }
0xa5: {  	s25 =	simm.s32 $0x1B8E;
	s24 =	sld [smem:$0x3FFE];
	[sflag:s23] =	ssyncadd.s32 $0xFFFFFFFF  }
0xa6: {  	s26 =	simm.s32 $execute0_lowered;
	[smem:$0x3FD2] =	sst s25  }
0xa7: {  	s6 =	sshll.u32 s26, $0x1;
	_ =	strace $0x80000046;
	[dreg:$0x1] =	wrdreg $0xFFFFFFFF  }
0xa8: {  	s28 =	simm.s32 $_size_execute0_lowered;
	s4 =	sadd.s32 s4, s6;
	[dreg:$0x0] =	wrdreg $0x0  }
0xa9: {  	s6 =	sshll.u32 s28, $0x1;
	[dreg:$0x2] =	wrdreg s4  }
0xaa: {  	[dreg:$0x3] =	wrdreg s6  }
0xab: {  	[dreg:$0x4] =	wrdreg $0xC0  }
0xac: {  	_ =	task [dreg:s8], $0x5FFFF  }
0xad: {  	[dreg:$0x1] =	wrdreg $0xFFFFFFFF  }
0xae: {  	[dreg:$0x0] =	wrdreg $0x60  }
0xaf: {  	[dreg:$0x2] =	wrdreg s2  }
0xb0: {  	[dreg:$0x3] =	wrdreg s24  }
0xb1: {  	[dreg:$0x4] =	wrdreg s18  }
0xb2: {  	[dreg:$0x5] =	wrdreg $0x0  }
0xb3: {  	[dreg:$0x6] =	wrdreg $0x9  }
0xb4: {  	_ =	task.clear_ibuf [dreg:s8], $0x7FFFF;
	_ =	strace $0x90000046  }
0xb5: {  	s29 =	simm.s32 $0x9;
	_ =	strace $0x80000048  }
0xb6: {  	_ =	swait.ge [sflag:s29], $0x1  }
0xb7: {  	[sflag:s29] =	ssyncadd.s32 $0xFFFFFFFF  }
0xb8: {  	_ =	strace $0x90000048  }
0xb9: {  	_ =	sfence  }
0xba: {  	s30 =	sld [smem:$0x0];
	_ =	sdelay $0x2  }
0xbb: {  	s31 =	sshll.u32 s1, $0xD;
	s1 =	sshrl.u32 s1, $0x2  }
0xbc: {  	s3 =	sand.u32 $0x4000, s31;
	s1 =	sadd.s32 s1, s30  }
0xbd: {  	s0 =	sor.u32 s3, s0;
	s1 =	sshll.u32 s1, $0x11  }
0xbe: {  	s0 =	sor.u32 s1, s0  }
0xbf: {  	s0 =	sadd.s32 $0x8F2B, s0  }
0xc0: {  	[sflag:s0] =	ssyncadd.remote.s32 $0x1  }
0xc1: {  	_ =	sfence.sel $0xFFFF  }
0xc2: {  	[dreg:$0x0] =	wrdreg $0xFFFFFFFF;
	(pc) =	sbr.abs _section_cstart, $3  }
0xc3: {  	[dreg:$0x1] =	wrdreg $0xFFFFFFFF  }
0xc4: {  	_ =	task.clear_ibuf [dreg:s8], $0x2FFFF;
	_ =	strace $0x9FFFFFFF  }
0xc5: {  	(tm) =	ssettm $0x7FFFFFFF  }
tec
execute0_lowered:
.L_overlay_start_1:
0x0: {  	(tag) =	ssettag $0x1  }
0x1: {  	s1 =	rddreg [dreg:$0x0]  }
0x2: {  	s0 =	rddreg [dreg:$0x1]  }
0x3: {  	s4 =	rddreg [dreg:$0x2]  }
0x4: {  	s2 =	rddreg [dreg:$0x3];
	s3 =	simm.s32 $0x0  }
0x5: {  	s5 =	srdreg.scid;
	s12 =	stileid.u32;
	s10 =	simm.s32 $0x4  }
0x6: {  	s26 =	simm.s32 $0x6F8;
	s31 =	simm.s32 $0x7F8;
	s15 =	simm.s32 $0x9F8  }
0x7: {  	s16 =	simm.s32 $0xAF8;
	s17 =	simm.s32 $0xBF8;
	s18 =	simm.s32 $0xCF8  }
0x8: {  	s28 =	simm.s32 $0x9;
	[smem:$0x7FF] =	sst s3;
	s6 =	sadd.s32 $0x1800, s0  }
0x9: {  	s0 =	sadd.s32 $0x1A00, s0;
	_ =	strace $0x80000047;
	[dreg:$0x15] =	wrdreg s6  }
0xa: {  	s29 =	simm.s32 $0x3;
	s30 =	simm.s32 $0x0;
	[dreg:$0x16] =	wrdreg s0  }
0xb: {  	s5 =	sand.u32 $0x1, s5;
	s8 =	smul.u32 $0xFA0, s12;
	[dreg:$0x5] =	wrdreg s26  }
0xc: {  	s11 =	sshll.u32 s12, $0x7;
	s13 =	sshll.u32 s12, $0x4;
	[dreg:$0x6] =	wrdreg s31  }
0xd: {  	s19 =	sshll.u32 s5, $0x4;
	s7 =	ssub.s32 $0x2, s5;
	[dreg:$0x8] =	wrdreg s15  }
0xe: {  	s24 =	sshll.u32 s5, $0xB;
	s11 =	sand.u32 $0x400, s11;
	[dreg:$0x9] =	wrdreg s16  }
0xf: {  	s25 =	sand.u32 $0x70, s13;
	s5 =	smul.u32 $0xA000, s5;
	[dreg:$0xa] =	wrdreg s17  }
0x10: {  	s16 =	simm.s32 $0x1678;
	[dreg:$0xb] =	wrdreg s18;
	s17 =	simm.s32 $0xA  }
0x11: {  	s26 =	simm.s32 $0x14F8;
	s31 =	simm.s32 $0x15F8;
	s6 =	sor.u32 s12, s19  }
0x12: {  	s20 =	sshrl.u32 s7, $0x1;
	s21 =	sshrl.u32 s8, $0x2;
	s8 =	simm.s32 $0x4  }
0x13: {  	s4 =	sadd.s32 s4, s24;
	s19 =	simm.s32 $0xDF8;
	[dreg:$0x13] =	wrdreg s26  }
0x14: {  	s24 =	simm.s32 $0x12F8;
	[dreg:$0x14] =	wrdreg s31;
	s26 =	simm.s32 $0x8  }
0x15: {  	s9 =	smul.u32 $0xA00, s6;
	s0 =	ssub.s32 s7, s20;
	p0 =	seq.s32 s6, $0x1F  }
0x16: {  	s7 =	sadd.s32 s21, s2;
	s4 =	sadd.s32 s11, s4;
	s6 =	simm.s32 $0x8F8  }
0x17: {  	s11 =	smul.u32 $0xA00, s12;
	[dreg:$0xc] =	wrdreg s19;
	s20 =	simm.s32 $0xEF8  }
0x18: {  	s21 =	simm.s32 $0xFF8;
	[dreg:$0x11] =	wrdreg s24;
	s24 =	simm.s32 $0x6  }
0x19: {  	s8 =	simm.s32 @!p0 $0x10;
	s13 =	sadd.s32 s25, s4;
	[dreg:$0x7] =	wrdreg s6  }
0x1a: {  	s14 =	smax.u32 s0, $0x1;
	p0 =	sgt.u32 s12, $0x9;
	[dreg:$0xd] =	wrdreg s20  }
0x1b: {  	[dreg:$0xe] =	wrdreg s21;
	s20 =	simm.s32 $0x1;
	s25 =	simm.s32 $0x13F8  }
0x1c: {  	s9 =	sadd.s32 s1, s9;
	s23 =	sshrl.u32 s8, $0x2;
	[dreg:$0x12] =	wrdreg s25  }
0x1d: {  	s21 =	simm.s32 $0x80;
	s22 =	sadd.s32 $0xA0, s9;
	[dreg:$0x18] =	wrdreg s23  }
0x1e: {  	s15 =	sadd.s32 s11, s5;
	s23 =	simm.s32 $0x11F8;
	[dreg:$0x17] =	wrdreg s22  }
0x1f: {  	s25 =	simm.s32 $0x7;
	s22 =	simm.s32 $0x10F8;
	[dreg:$0x10] =	wrdreg s23  }
0x20: {  	s23 =	simm.s32 $0x5;
	[dreg:$0xf] =	wrdreg s22;
	s22 =	simm.s32 $0x2  }
.LBB2_1:
0x21: {  	s0 =	rddreg [dreg:$0x15]  }
0x22: {  	[tilespmem:s16], [sflag:$0xA] =	stream.linear.gather [hbm4b:s0+s3], $0x80, $0x38;
	[tilespmem:$0x1AF8] =	vst v63  }
0x23: {  	_ =	swait.ge [sflag:s17], $0x80  }
0x24: {  	s4 =	simm.s32 @!p0 $0x0;
	s31 =	simm.s32 @!p0 $0xA;
	[sflag:s17] =	ssyncset.done $0x0  }
0x25: {  	s0 =	simm.s32 @!p0 $0x16F8;
	s5 =	rddreg [dreg:$0x16];
	[sflag:s17] =	ssyncadd.s32 $0xFFFFFF80  }
0x26: {  	[tilespmem:s0], [sflag:$0xA] =	stream.linear.gather @!p0 [hbm4b:s5+s4], $0x400, $0x38;
	[tilespmem:$0x1AF8] =	vst v63  }
0x27: {  	_ =	swait.ge @!p0 [sflag:s31], $0x400  }
0x28: {  	[sflag:s31] =	ssyncset.done @!p0 $0x0  }
0x29: {  	[sflag:s31] =	ssyncadd.s32 @!p0 $0xFFFFFC00  }
0x2a: {  	[spmem:s7] =	stream.linear.scatter @!p0 [tilespmem:s0], [sflag:$0xA], $0x3E8, $0x38;
	[tilespmem:$0x1AF8] =	vst v63  }
0x2b: {  	_ =	swait.ge @!p0 [sflag:s31], $0x3E8  }
0x2c: {  	[sflag:s31] =	ssyncset.done @!p0 $0x0  }
0x2d: {  	[sflag:s31] =	ssyncadd.s32 @!p0 $0xFFFFFC18  }
0x2e: {  	s11 =	simm.s32 $0x278;
	[bflag:$0x0] =	sbarrier.arrive $0xFFFF  }
0x2f: {  	[tilespmem:s11], [sflag:$0x1] =	stream.linear.gather [hbm4b:s9+s3], $0x500, $0x38;
	[tilespmem:$0x1AF8] =	vst v63  }
0x30: {  	s18 =	simm.s32 $0x778;
	s12 =	rddreg [dreg:$0x17]  }
0x31: {  	[tilespmem:s18], [sflag:$0x2] =	stream.linear.gather [hbm4b:s12+s3], $0x500, $0x38;
	[tilespmem:$0x1AF8] =	vst v63  }
0x32: {  	_ =	swait.ge [sflag:s20], $0x500  }
0x33: {  	p1 =	por $0x0, $0x0;
	[sflag:s20] =	ssyncset.done $0x0  }
0x34: {  	s4 =	simm.s32 @p1 $0x5;
	[sflag:s20] =	ssyncadd.s32 $0xFFFFFB00  }
0x35: {  	_ =	swait.ge @p1 [sflag:s4], $0x80  }
0x36: {  	s6 =	simm.s32 @p1 $0x6;
	s5 =	simm.s32 @p1 $0x1678;
	[sflag:s4] =	ssyncset.done @p1 $0x0  }
0x37: {  	s11 =	simm.s32 @p1 $0x2F8;
	[sflag:s4] =	ssyncadd.s32 @p1 $0xFFFFFF80;
	s4 =	simm.s32 @p1 $0x80  }
0x38: {  	[spmem:s2] =	stream.indirect.scatter.add.f32 @p1 [tilespmem:s5], [sflag:$0x5], $0x1, s11, s4, $0xb8;
	[tilespmem:$0x1AF8] =	vst v63  }
0x39: {  	_ =	swait.ge @p1 [sflag:s6], $0x80  }
0x3a: {  	[sflag:s6] =	ssyncset.done @p1 $0x0  }
0x3b: {  	s11 =	simm.s32 @p1 $0x7;
	[sflag:s6] =	ssyncadd.s32 @p1 $0xFFFFFF80;
	s6 =	simm.s32 @p1 $0x3F8  }
0x3c: {  	[spmem:s2] =	stream.indirect.scatter.add.f32 @p1 [tilespmem:s5], [sflag:$0x6], $0x1, s6, s4, $0xb8;
	[tilespmem:$0x1AF8] =	vst v63  }
0x3d: {  	_ =	swait.ge @p1 [sflag:s11], $0x80  }
0x3e: {  	[sflag:s11] =	ssyncset.done @p1 $0x0  }
0x3f: {  	s6 =	simm.s32 @p1 $0x4F8;
	[sflag:s11] =	ssyncadd.s32 @p1 $0xFFFFFF80;
	s11 =	simm.s32 @p1 $0x8  }
0x40: {  	[spmem:s2] =	stream.indirect.scatter.add.f32 @p1 [tilespmem:s5], [sflag:$0x7], $0x1, s6, s4, $0xb8;
	[tilespmem:$0x1AF8] =	vst v63  }
0x41: {  	_ =	swait.ge @p1 [sflag:s11], $0x80  }
0x42: {  	[sflag:s11] =	ssyncset.done @p1 $0x0  }
0x43: {  	s6 =	simm.s32 @p1 $0x5F8;
	[sflag:s11] =	ssyncadd.s32 @p1 $0xFFFFFF80;
	s11 =	simm.s32 @p1 $0x9  }
0x44: {  	[spmem:s2] =	stream.indirect.scatter.add.f32 @p1 [tilespmem:s5], [sflag:$0x8], $0x1, s6, s4, $0xb8;
	[tilespmem:$0x1AF8] =	vst v63  }
0x45: {  	_ =	swait.ge @p1 [sflag:s11], $0x80  }
0x46: {  	s4 =	simm.s32 @!p1 $0x1678;
	[sflag:s11] =	ssyncset.done @p1 $0x0  }
0x47: {  	s5 =	simm.s32 @!p1 $0x80;
	s6 =	simm.s32 @!p1 $0x2F8;
	[sflag:s11] =	ssyncadd.s32 @p1 $0xFFFFFF80  }
0x48: {  	[spmem:s2] =	stream.indirect.scatter.add.f32 @!p1 [tilespmem:s4], [sflag:$0x5], $0x1, s6, s5, $0xb8;
	[tilespmem:$0x1AF8] =	vst v63  }
0x49: {  	s6 =	simm.s32 @!p1 $0x3F8  }
0x4a: {  	[spmem:s2] =	stream.indirect.scatter.add.f32 @!p1 [tilespmem:s4], [sflag:$0x6], $0x1, s6, s5, $0xb8;
	[tilespmem:$0x1AF8] =	vst v63  }
0x4b: {  	s6 =	simm.s32 @!p1 $0x4F8  }
0x4c: {  	[spmem:s2] =	stream.indirect.scatter.add.f32 @!p1 [tilespmem:s4], [sflag:$0x7], $0x1, s6, s5, $0xb8;
	[tilespmem:$0x1AF8] =	vst v63  }
0x4d: {  	p2 =	sle.u32 s8, $0x2;
	s6 =	simm.s32 @!p1 $0x5F8  }
0x4e: {  	[spmem:s2] =	stream.indirect.scatter.add.f32 @!p1 [tilespmem:s4], [sflag:$0x8], $0x1, s6, s5, $0xb8;
	[tilespmem:$0x1AF8] =	vst v63  }
0x4f: {  	s4 =	sadd.s32 @!p2 $0x140, s15  }
0x50: {  	s19 =	rddreg [dreg:$0x5];
	s4 =	sand.u32 @!p2 $0x1FFFFFC0, s4  }
0x51: {  	[spmem:s2] =	stream.indirect.scatter.add.f32 [tilespmem:s16], [sflag:$0x9], $0x1, s19, s21, $0xb8;
	[tilespmem:$0x1AF8] =	vst v63  }
0x52: {  	s5 =	simm.s32 @!p2 $0x0;
	s6 =	simm.s32 @!p2 $0xC78;
	s4 =	sadd.s32 @!p2 s1, s4  }
0x53: {  	[tilespmem:s6], [sflag:$0x3] =	stream.linear.gather @!p2 [hbm4b:s4+s5], $0x500, $0x38;
	[tilespmem:$0x1AF8] =	vst v63  }
0x54: {  	_ =	swait.ge [sflag:s22], $0x500  }
0x55: {  	[sflag:s22] =	ssyncset.done $0x0  }
0x56: {  	[sflag:s22] =	ssyncadd.s32 $0xFFFFFB00  }
0x57: {  	_ =	swait.ge [sflag:s23], $0x80  }
0x58: {  	[sflag:s23] =	ssyncset.done $0x0  }
0x59: {  	s6 =	rddreg [dreg:$0x6];
	[sflag:s23] =	ssyncadd.s32 $0xFFFFFF80  }
0x5a: {  	[spmem:s2] =	stream.indirect.scatter.add.f32 [tilespmem:s16], [sflag:$0x5], $0x1, s6, s21, $0xb8;
	[tilespmem:$0x1AF8] =	vst v63  }
0x5b: {  	_ =	swait.ge [sflag:s24], $0x80  }
0x5c: {  	[sflag:s24] =	ssyncset.done $0x0  }
0x5d: {  	s11 =	rddreg [dreg:$0x7];
	[sflag:s24] =	ssyncadd.s32 $0xFFFFFF80  }
0x5e: {  	[spmem:s2] =	stream.indirect.scatter.add.f32 [tilespmem:s16], [sflag:$0x6], $0x1, s11, s21, $0xb8;
	[tilespmem:$0x1AF8] =	vst v63  }
0x5f: {  	_ =	swait.ge [sflag:s25], $0x80  }
0x60: {  	[sflag:s25] =	ssyncset.done $0x0  }
0x61: {  	s12 =	rddreg [dreg:$0x8];
	[sflag:s25] =	ssyncadd.s32 $0xFFFFFF80  }
0x62: {  	[spmem:s2] =	stream.indirect.scatter.add.f32 [tilespmem:s16], [sflag:$0x7], $0x1, s12, s21, $0xb8;
	[tilespmem:$0x1AF8] =	vst v63  }
0x63: {  	_ =	swait.ge [sflag:s26], $0x80  }
0x64: {  	[sflag:s26] =	ssyncset.done $0x0  }
0x65: {  	s18 =	rddreg [dreg:$0x9];
	[sflag:s26] =	ssyncadd.s32 $0xFFFFFF80  }
0x66: {  	[spmem:s2] =	stream.indirect.scatter.add.f32 [tilespmem:s16], [sflag:$0x8], $0x1, s18, s21, $0xb8;
	[tilespmem:$0x1AF8] =	vst v63  }
0x67: {  	p1 =	sle.u32 s8, $0x3;
	_ =	swait.ge [sflag:s28], $0x80  }
0x68: {  	s5 =	sadd.s32 @!p1 $0x1E0, s15;
	[sflag:s28] =	ssyncset.done $0x0  }
0x69: {  	s5 =	sand.u32 @!p1 $0x1FFFFFE0, s5;
	s19 =	rddreg [dreg:$0xa];
	[sflag:s28] =	ssyncadd.s32 $0xFFFFFF80  }
0x6a: {  	[spmem:s2] =	stream.indirect.scatter.add.f32 [tilespmem:s16], [sflag:$0x9], $0x1, s19, s21, $0xb8;
	[tilespmem:$0x1AF8] =	vst v63  }
0x6b: {  	s4 =	simm.s32 @!p1 $0x0;
	s5 =	sadd.s32 @!p1 s1, s5;
	s6 =	simm.s32 @!p1 $0x1178  }
0x6c: {  	[tilespmem:s6], [sflag:$0x4] =	stream.linear.gather @!p1 [hbm4b:s5+s4], $0x500, $0x38;
	[tilespmem:$0x1AF8] =	vst v63  }
0x6d: {  	_ =	swait.ge [sflag:s29], $0x500  }
0x6e: {  	[sflag:s29] =	ssyncset.done $0x0  }
0x6f: {  	[sflag:s29] =	ssyncadd.s32 $0xFFFFFB00  }
0x70: {  	_ =	swait.ge [sflag:s23], $0x80  }
0x71: {  	[sflag:s23] =	ssyncset.done $0x0  }
0x72: {  	s6 =	rddreg [dreg:$0xb];
	[sflag:s23] =	ssyncadd.s32 $0xFFFFFF80  }
0x73: {  	[spmem:s2] =	stream.indirect.scatter.add.f32 [tilespmem:s16], [sflag:$0x5], $0x1, s6, s21, $0xb8;
	[tilespmem:$0x1AF8] =	vst v63  }
0x74: {  	_ =	swait.ge [sflag:s24], $0x80  }
0x75: {  	[sflag:s24] =	ssyncset.done $0x0  }
0x76: {  	s11 =	rddreg [dreg:$0xc];
	[sflag:s24] =	ssyncadd.s32 $0xFFFFFF80  }
0x77: {  	[spmem:s2] =	stream.indirect.scatter.add.f32 [tilespmem:s16], [sflag:$0x6], $0x1, s11, s21, $0xb8;
	[tilespmem:$0x1AF8] =	vst v63  }
0x78: {  	_ =	swait.ge [sflag:s25], $0x80  }
0x79: {  	[sflag:s25] =	ssyncset.done $0x0  }
0x7a: {  	s12 =	rddreg [dreg:$0xd];
	[sflag:s25] =	ssyncadd.s32 $0xFFFFFF80  }
0x7b: {  	[spmem:s2] =	stream.indirect.scatter.add.f32 [tilespmem:s16], [sflag:$0x7], $0x1, s12, s21, $0xb8;
	[tilespmem:$0x1AF8] =	vst v63  }
0x7c: {  	_ =	swait.ge [sflag:s26], $0x80  }
0x7d: {  	[sflag:s26] =	ssyncset.done $0x0  }
0x7e: {  	s18 =	rddreg [dreg:$0xe];
	[sflag:s26] =	ssyncadd.s32 $0xFFFFFF80  }
0x7f: {  	[spmem:s2] =	stream.indirect.scatter.add.f32 [tilespmem:s16], [sflag:$0x8], $0x1, s18, s21, $0xb8;
	[tilespmem:$0x1AF8] =	vst v63  }
0x80: {  	p1 =	sle.u32 s8, $0x4;
	_ =	swait.ge [sflag:s28], $0x80  }
0x81: {  	s5 =	sadd.s32 @!p1 $0x280, s15;
	[sflag:s28] =	ssyncset.done $0x0  }
0x82: {  	s5 =	sand.u32 @!p1 $0x1FFFFF80, s5;
	s19 =	rddreg [dreg:$0xf];
	[sflag:s28] =	ssyncadd.s32 $0xFFFFFF80  }
0x83: {  	[spmem:s2] =	stream.indirect.scatter.add.f32 [tilespmem:s16], [sflag:$0x9], $0x1, s19, s21, $0xb8;
	[tilespmem:$0x1AF8] =	vst v63  }
0x84: {  	s4 =	simm.s32 @!p1 $0x0;
	s5 =	sadd.s32 @!p1 s1, s5;
	s6 =	simm.s32 @!p1 $0x278  }
0x85: {  	[tilespmem:s6], [sflag:$0x1] =	stream.linear.gather @!p1 [hbm4b:s5+s4], $0x500, $0x38;
	[tilespmem:$0x1AF8] =	vst v63  }
0x86: {  	_ =	swait.ge [sflag:s10], $0x500  }
0x87: {  	[sflag:s10] =	ssyncset.done $0x0  }
0x88: {  	[sflag:s10] =	ssyncadd.s32 $0xFFFFFB00  }
0x89: {  	_ =	swait.ge [sflag:s23], $0x80  }
0x8a: {  	[sflag:s23] =	ssyncset.done $0x0  }
0x8b: {  	s5 =	rddreg [dreg:$0x10];
	[sflag:s23] =	ssyncadd.s32 $0xFFFFFF80  }
0x8c: {  	[spmem:s2] =	stream.indirect.scatter.add.f32 [tilespmem:s16], [sflag:$0x5], $0x1, s5, s21, $0xb8;
	[tilespmem:$0x1AF8] =	vst v63  }
0x8d: {  	_ =	swait.ge [sflag:s24], $0x80  }
0x8e: {  	[sflag:s24] =	ssyncset.done $0x0  }
0x8f: {  	s6 =	rddreg [dreg:$0x11];
	[sflag:s24] =	ssyncadd.s32 $0xFFFFFF80  }
0x90: {  	[spmem:s2] =	stream.indirect.scatter.add.f32 [tilespmem:s16], [sflag:$0x6], $0x1, s6, s21, $0xb8;
	[tilespmem:$0x1AF8] =	vst v63  }
0x91: {  	_ =	swait.ge [sflag:s25], $0x80  }
0x92: {  	[sflag:s25] =	ssyncset.done $0x0  }
0x93: {  	s11 =	rddreg [dreg:$0x12];
	[sflag:s25] =	ssyncadd.s32 $0xFFFFFF80  }
0x94: {  	[spmem:s2] =	stream.indirect.scatter.add.f32 [tilespmem:s16], [sflag:$0x7], $0x1, s11, s21, $0xb8;
	[tilespmem:$0x1AF8] =	vst v63  }
0x95: {  	_ =	swait.ge [sflag:s26], $0x80  }
0x96: {  	[sflag:s26] =	ssyncset.done $0x0  }
0x97: {  	s12 =	rddreg [dreg:$0x13];
	[sflag:s26] =	ssyncadd.s32 $0xFFFFFF80  }
0x98: {  	[spmem:s2] =	stream.indirect.scatter.add.f32 [tilespmem:s16], [sflag:$0x8], $0x1, s12, s21, $0xb8;
	[tilespmem:$0x1AF8] =	vst v63  }
0x99: {  	_ =	swait.ge [sflag:s28], $0x80  }
0x9a: {  	s19 =	rddreg [dreg:$0x18]  }
0x9b: {  	s4 =	sadd.s32 $0xFFFFFFFF, s19  }
0x9c: {  	p1 =	sne.s32 s4, $0x0  }
.Ltmp0:
0x9d: {  	p2 =	sle.u32 s8, $0x5;
	(pc) =	sbr.rel @!p1 .LBB2_3-.Ltmp0, $4  }
0x9e: {  	s5 =	simm.s32 @!p2 $0x0;
	s6 =	sadd.s32 @!p2 $0x320, s15;
	[sflag:s28] =	ssyncset.done $0x0  }
0x9f: {  	s6 =	sand.u32 @!p2 $0x1FFFFFA0, s6;
	s18 =	rddreg [dreg:$0x14];
	[sflag:s28] =	ssyncadd.s32 $0xFFFFFF80  }
0xa0: {  	[spmem:s2] =	stream.indirect.scatter.add.f32 [tilespmem:s16], [sflag:$0x9], $0x1, s18, s21, $0xb8;
	[tilespmem:$0x1AF8] =	vst v63  }
0xa1: {  	s11 =	simm.s32 @!p2 $0x778;
	s19 =	simm.s32 $0x2;
	s18 =	sadd.s32 $0x280, s15  }
.LBB2_2:
0xa2: {  	s6 =	sadd.s32 @!p2 s1, s6  }
0xa3: {  	[tilespmem:s11], [sflag:$0x2] =	stream.linear.gather @!p2 [hbm4b:s6+s5], $0x500, $0x38;
	[tilespmem:$0x1AF8] =	vst v63  }
0xa4: {  	s19 =	sadd.s32 $0x4, s19;
	_ =	swait.ge [sflag:s20], $0x500  }
0xa5: {  	p2 =	sne.s32 s19, $0x2;
	[sflag:s20] =	ssyncset.done $0x0  }
0xa6: {  	s5 =	simm.s32 @p2 $0x5;
	[sflag:s20] =	ssyncadd.s32 $0xFFFFFB00  }
0xa7: {  	_ =	swait.ge @p2 [sflag:s5], $0x80  }
0xa8: {  	s6 =	simm.s32 @p2 $0x1678;
	s11 =	simm.s32 @p2 $0x6;
	[sflag:s5] =	ssyncset.done @p2 $0x0  }
0xa9: {  	s12 =	simm.s32 @p2 $0x2F8;
	[sflag:s5] =	ssyncadd.s32 @p2 $0xFFFFFF80;
	s5 =	simm.s32 @p2 $0x80  }
0xaa: {  	[spmem:s2] =	stream.indirect.scatter.add.f32 @p2 [tilespmem:s6], [sflag:$0x5], $0x1, s12, s5, $0xb8;
	[tilespmem:$0x1AF8] =	vst v63  }
0xab: {  	_ =	swait.ge @p2 [sflag:s11], $0x80  }
0xac: {  	[sflag:s11] =	ssyncset.done @p2 $0x0  }
0xad: {  	s12 =	simm.s32 @p2 $0x7;
	[sflag:s11] =	ssyncadd.s32 @p2 $0xFFFFFF80;
	s11 =	simm.s32 @p2 $0x3F8  }
0xae: {  	[spmem:s2] =	stream.indirect.scatter.add.f32 @p2 [tilespmem:s6], [sflag:$0x6], $0x1, s11, s5, $0xb8;
	[tilespmem:$0x1AF8] =	vst v63  }
0xaf: {  	_ =	swait.ge @p2 [sflag:s12], $0x80  }
0xb0: {  	[sflag:s12] =	ssyncset.done @p2 $0x0  }
0xb1: {  	s11 =	simm.s32 @p2 $0x4F8;
	[sflag:s12] =	ssyncadd.s32 @p2 $0xFFFFFF80;
	s12 =	simm.s32 @p2 $0x8  }
0xb2: {  	[spmem:s2] =	stream.indirect.scatter.add.f32 @p2 [tilespmem:s6], [sflag:$0x7], $0x1, s11, s5, $0xb8;
	[tilespmem:$0x1AF8] =	vst v63  }
0xb3: {  	_ =	swait.ge @p2 [sflag:s12], $0x80  }
0xb4: {  	[sflag:s12] =	ssyncset.done @p2 $0x0  }
0xb5: {  	s11 =	simm.s32 @p2 $0x5F8;
	[sflag:s12] =	ssyncadd.s32 @p2 $0xFFFFFF80;
	s12 =	simm.s32 @p2 $0x9  }
0xb6: {  	[spmem:s2] =	stream.indirect.scatter.add.f32 @p2 [tilespmem:s6], [sflag:$0x8], $0x1, s11, s5, $0xb8;
	[tilespmem:$0x1AF8] =	vst v63  }
0xb7: {  	_ =	swait.ge @p2 [sflag:s12], $0x80  }
0xb8: {  	s5 =	simm.s32 @!p2 $0x1678;
	[sflag:s12] =	ssyncset.done @p2 $0x0  }
0xb9: {  	s6 =	simm.s32 @!p2 $0x80;
	s11 =	simm.s32 @!p2 $0x2F8;
	[sflag:s12] =	ssyncadd.s32 @p2 $0xFFFFFF80  }
0xba: {  	[spmem:s2] =	stream.indirect.scatter.add.f32 @!p2 [tilespmem:s5], [sflag:$0x5], $0x1, s11, s6, $0xb8;
	[tilespmem:$0x1AF8] =	vst v63  }
0xbb: {  	s11 =	simm.s32 @!p2 $0x3F8  }
0xbc: {  	[spmem:s2] =	stream.indirect.scatter.add.f32 @!p2 [tilespmem:s5], [sflag:$0x6], $0x1, s11, s6, $0xb8;
	[tilespmem:$0x1AF8] =	vst v63  }
0xbd: {  	s11 =	simm.s32 @!p2 $0x4F8  }
0xbe: {  	[spmem:s2] =	stream.indirect.scatter.add.f32 @!p2 [tilespmem:s5], [sflag:$0x7], $0x1, s11, s6, $0xb8;
	[tilespmem:$0x1AF8] =	vst v63  }
0xbf: {  	p3 =	sge.u32 s19, s8;
	s11 =	simm.s32 @!p2 $0x5F8  }
0xc0: {  	[spmem:s2] =	stream.indirect.scatter.add.f32 @!p2 [tilespmem:s5], [sflag:$0x8], $0x1, s11, s6, $0xb8;
	[tilespmem:$0x1AF8] =	vst v63  }
0xc1: {  	s5 =	sadd.s32 @!p3 $0x140, s18  }
0xc2: {  	s12 =	rddreg [dreg:$0x5];
	s5 =	sand.u32 @!p3 $0x1FFFFFC0, s5  }
0xc3: {  	[spmem:s2] =	stream.indirect.scatter.add.f32 [tilespmem:s16], [sflag:$0x9], $0x1, s12, s21, $0xb8;
	[tilespmem:$0x1AF8] =	vst v63  }
0xc4: {  	s6 =	simm.s32 @!p3 $0x0;
	s11 =	simm.s32 @!p3 $0xC78;
	s5 =	sadd.s32 @!p3 s1, s5  }
0xc5: {  	[tilespmem:s11], [sflag:$0x3] =	stream.linear.gather @!p3 [hbm4b:s5+s6], $0x500, $0x38;
	[tilespmem:$0x1AF8] =	vst v63  }
0xc6: {  	_ =	swait.ge [sflag:s22], $0x500  }
0xc7: {  	[sflag:s22] =	ssyncset.done $0x0  }
0xc8: {  	[sflag:s22] =	ssyncadd.s32 $0xFFFFFB00  }
0xc9: {  	_ =	swait.ge [sflag:s23], $0x80  }
0xca: {  	[sflag:s23] =	ssyncset.done $0x0  }
0xcb: {  	s11 =	rddreg [dreg:$0x6];
	[sflag:s23] =	ssyncadd.s32 $0xFFFFFF80  }
0xcc: {  	[spmem:s2] =	stream.indirect.scatter.add.f32 [tilespmem:s16], [sflag:$0x5], $0x1, s11, s21, $0xb8;
	[tilespmem:$0x1AF8] =	vst v63  }
0xcd: {  	_ =	swait.ge [sflag:s24], $0x80  }
0xce: {  	[sflag:s24] =	ssyncset.done $0x0  }
0xcf: {  	s12 =	rddreg [dreg:$0x7];
	[sflag:s24] =	ssyncadd.s32 $0xFFFFFF80  }
0xd0: {  	[spmem:s2] =	stream.indirect.scatter.add.f32 [tilespmem:s16], [sflag:$0x6], $0x1, s12, s21, $0xb8;
	[tilespmem:$0x1AF8] =	vst v63  }
0xd1: {  	_ =	swait.ge [sflag:s25], $0x80  }
0xd2: {  	[sflag:s25] =	ssyncset.done $0x0  }
0xd3: {  	s6 =	rddreg [dreg:$0x8];
	[sflag:s25] =	ssyncadd.s32 $0xFFFFFF80  }
0xd4: {  	[spmem:s2] =	stream.indirect.scatter.add.f32 [tilespmem:s16], [sflag:$0x7], $0x1, s6, s21, $0xb8;
	[tilespmem:$0x1AF8] =	vst v63  }
0xd5: {  	_ =	swait.ge [sflag:s26], $0x80  }
0xd6: {  	[sflag:s26] =	ssyncset.done $0x0  }
0xd7: {  	s12 =	sadd.s32 $0x1, s19;
	s11 =	rddreg [dreg:$0x9];
	[sflag:s26] =	ssyncadd.s32 $0xFFFFFF80  }
0xd8: {  	[spmem:s2] =	stream.indirect.scatter.add.f32 [tilespmem:s16], [sflag:$0x8], $0x1, s11, s21, $0xb8;
	[tilespmem:$0x1AF8] =	vst v63  }
0xd9: {  	p2 =	sge.u32 s12, s8;
	_ =	swait.ge [sflag:s28], $0x80  }
0xda: {  	s5 =	sadd.s32 @!p2 $0x1E0, s18;
	[sflag:s28] =	ssyncset.done $0x0  }
0xdb: {  	s5 =	sand.u32 @!p2 $0x1FFFFFE0, s5;
	s6 =	rddreg [dreg:$0xa];
	[sflag:s28] =	ssyncadd.s32 $0xFFFFFF80  }
0xdc: {  	[spmem:s2] =	stream.indirect.scatter.add.f32 [tilespmem:s16], [sflag:$0x9], $0x1, s6, s21, $0xb8;
	[tilespmem:$0x1AF8] =	vst v63  }
0xdd: {  	s12 =	simm.s32 @!p2 $0x1178;
	s5 =	sadd.s32 @!p2 s1, s5;
	s11 =	simm.s32 @!p2 $0x0  }
0xde: {  	[tilespmem:s12], [sflag:$0x4] =	stream.linear.gather @!p2 [hbm4b:s5+s11], $0x500, $0x38;
	[tilespmem:$0x1AF8] =	vst v63  }
0xdf: {  	_ =	swait.ge [sflag:s29], $0x500  }
0xe0: {  	[sflag:s29] =	ssyncset.done $0x0  }
0xe1: {  	[sflag:s29] =	ssyncadd.s32 $0xFFFFFB00  }
0xe2: {  	_ =	swait.ge [sflag:s23], $0x80  }
0xe3: {  	[sflag:s23] =	ssyncset.done $0x0  }
0xe4: {  	s11 =	rddreg [dreg:$0xb];
	[sflag:s23] =	ssyncadd.s32 $0xFFFFFF80  }
0xe5: {  	[spmem:s2] =	stream.indirect.scatter.add.f32 [tilespmem:s16], [sflag:$0x5], $0x1, s11, s21, $0xb8;
	[tilespmem:$0x1AF8] =	vst v63  }
0xe6: {  	_ =	swait.ge [sflag:s24], $0x80  }
0xe7: {  	[sflag:s24] =	ssyncset.done $0x0  }
0xe8: {  	s12 =	rddreg [dreg:$0xc];
	[sflag:s24] =	ssyncadd.s32 $0xFFFFFF80  }
0xe9: {  	[spmem:s2] =	stream.indirect.scatter.add.f32 [tilespmem:s16], [sflag:$0x6], $0x1, s12, s21, $0xb8;
	[tilespmem:$0x1AF8] =	vst v63  }
0xea: {  	_ =	swait.ge [sflag:s25], $0x80  }
0xeb: {  	[sflag:s25] =	ssyncset.done $0x0  }
0xec: {  	s6 =	rddreg [dreg:$0xd];
	[sflag:s25] =	ssyncadd.s32 $0xFFFFFF80  }
0xed: {  	[spmem:s2] =	stream.indirect.scatter.add.f32 [tilespmem:s16], [sflag:$0x7], $0x1, s6, s21, $0xb8;
	[tilespmem:$0x1AF8] =	vst v63  }
0xee: {  	_ =	swait.ge [sflag:s26], $0x80  }
0xef: {  	[sflag:s26] =	ssyncset.done $0x0  }
0xf0: {  	s12 =	sadd.s32 $0x2, s19;
	s11 =	rddreg [dreg:$0xe];
	[sflag:s26] =	ssyncadd.s32 $0xFFFFFF80  }
0xf1: {  	[spmem:s2] =	stream.indirect.scatter.add.f32 [tilespmem:s16], [sflag:$0x8], $0x1, s11, s21, $0xb8;
	[tilespmem:$0x1AF8] =	vst v63  }
0xf2: {  	p2 =	sge.u32 s12, s8;
	_ =	swait.ge [sflag:s28], $0x80  }
0xf3: {  	s5 =	sadd.s32 @!p2 $0x280, s18;
	[sflag:s28] =	ssyncset.done $0x0  }
0xf4: {  	s5 =	sand.u32 @!p2 $0x1FFFFF80, s5;
	s6 =	rddreg [dreg:$0xf];
	[sflag:s28] =	ssyncadd.s32 $0xFFFFFF80  }
0xf5: {  	[spmem:s2] =	stream.indirect.scatter.add.f32 [tilespmem:s16], [sflag:$0x9], $0x1, s6, s21, $0xb8;
	[tilespmem:$0x1AF8] =	vst v63  }
0xf6: {  	s12 =	simm.s32 @!p2 $0x278;
	s5 =	sadd.s32 @!p2 s1, s5;
	s11 =	simm.s32 @!p2 $0x0  }
0xf7: {  	[tilespmem:s12], [sflag:$0x1] =	stream.linear.gather @!p2 [hbm4b:s5+s11], $0x500, $0x38;
	[tilespmem:$0x1AF8] =	vst v63  }
0xf8: {  	_ =	swait.ge [sflag:s10], $0x500  }
0xf9: {  	[sflag:s10] =	ssyncset.done $0x0  }
0xfa: {  	[sflag:s10] =	ssyncadd.s32 $0xFFFFFB00  }
0xfb: {  	_ =	swait.ge [sflag:s23], $0x80  }
0xfc: {  	[sflag:s23] =	ssyncset.done $0x0  }
0xfd: {  	s6 =	rddreg [dreg:$0x10];
	[sflag:s23] =	ssyncadd.s32 $0xFFFFFF80  }
0xfe: {  	[spmem:s2] =	stream.indirect.scatter.add.f32 [tilespmem:s16], [sflag:$0x5], $0x1, s6, s21, $0xb8;
	[tilespmem:$0x1AF8] =	vst v63  }
0xff: {  	_ =	swait.ge [sflag:s24], $0x80  }
0x100: {  	[sflag:s24] =	ssyncset.done $0x0  }
0x101: {  	s11 =	rddreg [dreg:$0x11];
	[sflag:s24] =	ssyncadd.s32 $0xFFFFFF80  }
0x102: {  	[spmem:s2] =	stream.indirect.scatter.add.f32 [tilespmem:s16], [sflag:$0x6], $0x1, s11, s21, $0xb8;
	[tilespmem:$0x1AF8] =	vst v63  }
0x103: {  	_ =	swait.ge [sflag:s25], $0x80  }
0x104: {  	[sflag:s25] =	ssyncset.done $0x0  }
0x105: {  	s12 =	rddreg [dreg:$0x12];
	[sflag:s25] =	ssyncadd.s32 $0xFFFFFF80  }
0x106: {  	[spmem:s2] =	stream.indirect.scatter.add.f32 [tilespmem:s16], [sflag:$0x7], $0x1, s12, s21, $0xb8;
	[tilespmem:$0x1AF8] =	vst v63  }
0x107: {  	s4 =	sadd.s32 $0xFFFFFFFF, s4;
	_ =	swait.ge [sflag:s26], $0x80  }
0x108: {  	p1 =	sne.s32 s4, $0x0;
	[sflag:s26] =	ssyncset.done $0x0  }
0x109: {  	s11 =	sadd.s32 $0x3, s19;
	s6 =	rddreg [dreg:$0x13];
	[sflag:s26] =	ssyncadd.s32 $0xFFFFFF80  }
0x10a: {  	[spmem:s2] =	stream.indirect.scatter.add.f32 [tilespmem:s16], [sflag:$0x8], $0x1, s6, s21, $0xb8;
	[tilespmem:$0x1AF8] =	vst v63  }
.Ltmp1:
0x10b: {  	p2 =	sge.u32 s11, s8;
	(pc) =	sbr.rel @p1 .LBB2_2-.Ltmp1, $4  }
0x10c: {  	s5 =	sadd.s32 @!p2 $0x320, s18;
	s18 =	sadd.s32 $0x280, s18;
	_ =	swait.ge [sflag:s28], $0x80  }
0x10d: {  	s11 =	simm.s32 @!p2 $0x778;
	s6 =	sand.u32 @!p2 $0x1FFFFFA0, s5;
	[sflag:s28] =	ssyncset.done $0x0  }
0x10e: {  	s5 =	simm.s32 @!p2 $0x0;
	s12 =	rddreg [dreg:$0x14];
	[sflag:s28] =	ssyncadd.s32 $0xFFFFFF80  }
0x10f: {  	[spmem:s2] =	stream.indirect.scatter.add.f32 [tilespmem:s16], [sflag:$0x9], $0x1, s12, s21, $0xb8;
	[tilespmem:$0x1AF8] =	vst v63  }
.LBB2_3:
0x110: {  	s4 =	sadd.s32 @!p2 s1, s6  }
0x111: {  	[tilespmem:s11], [sflag:$0x2] =	stream.linear.gather @!p2 [hbm4b:s4+s5], $0x500, $0x38;
	[tilespmem:$0x1AF8] =	vst v63  }
0x112: {  	_ =	swait.ge [sflag:s23], $0x80  }
0x113: {  	[sflag:s23] =	ssyncset.done $0x0  }
0x114: {  	[sflag:s23] =	ssyncadd.s32 $0xFFFFFF80  }
0x115: {  	_ =	swait.ge [sflag:s24], $0x80  }
0x116: {  	[sflag:s24] =	ssyncset.done $0x0  }
0x117: {  	[sflag:s24] =	ssyncadd.s32 $0xFFFFFF80  }
0x118: {  	_ =	swait.ge [sflag:s25], $0x80  }
0x119: {  	[sflag:s25] =	ssyncset.done $0x0  }
0x11a: {  	[sflag:s25] =	ssyncadd.s32 $0xFFFFFF80  }
0x11b: {  	_ =	swait.ge [sflag:s26], $0x80  }
0x11c: {  	[sflag:s26] =	ssyncset.done $0x0  }
0x11d: {  	[sflag:s26] =	ssyncadd.s32 $0xFFFFFF80  }
0x11e: {  	_ =	swait.ge [sflag:s28], $0x80  }
0x11f: {  	[sflag:s28] =	ssyncset.done $0x0  }
0x120: {  	[sflag:s28] =	ssyncadd.s32 $0xFFFFFF80  }
0x121: {  	[bflag:$0x0] =	sbarrier.arrive $0xFFFF  }
0x122: {  	[tilespmem:s0], [sflag:$0xA] =	stream.linear.gather @!p0 [spmem:s7], $0x3E8, $0x38;
	[tilespmem:$0x1AF8] =	vst v63  }
0x123: {  	s30 =	sadd.s32 $0x1, s30;
	_ =	swait.ge @!p0 [sflag:s31], $0x3E8  }
0x124: {  	s4 =	simm.s32 @!p0 $0x80;
	p1 =	sne.s32 s30, s14;
	[sflag:s31] =	ssyncset.done @!p0 $0x0  }
.Ltmp2:
0x125: {  	s5 =	simm.s32 @!p0 $0x400;
	[sflag:s31] =	ssyncadd.s32 @!p0 $0xFFFFFC18;
	(pc) =	sbr.rel @p1 .LBB2_1-.Ltmp2, $4  }
0x126: {  	[hbm4b:s13+s4] =	stream.strided.scatter @!p0 [tilespmem:s0], [sflag:$0xA], $0x400, s5, s4, $0x38;
	[tilespmem:$0x1AF8] =	vst v63  }
0x127: {  	_ =	swait.ge @!p0 [sflag:s31], $0x400  }
0x128: {  	[sflag:s31] =	ssyncset.done @!p0 $0x0  }
0x129: {  	[sflag:s31] =	ssyncadd.s32 @!p0 $0xFFFFFC00  }
0x12a: {  	_ =	sfence.sel $0x180000  }
0x12b: {  	[bflag:$0x0] =	sbarrier.arrive $0xFFFF  }
0x12c: {  	_ =	strace $0x90000047  }
0x12d: {  	s0 =	stileid.u32;
	[bflag:$0x2] =	sbarrier.arrive $0xFFFF  }
0x12e: {  	p0 =	sne.s32 s0, $0x0;
	s0 =	rddreg [dreg:$0x4]  }
0x12f: {  	s0 =	sadd.s32 @!p0 $0x100000, s0  }
0x130: {  	[sflag:s0] =	ssyncadd.tile.s32 @!p0 $0x1;
	_ =	shalt  }
.Lfunc_end2:
_tile_overlayer_lowered:
.L_overlay_start_2:
0x131: {  	(tag) =	ssettag $0x2  }
0x132: {  	s0 =	rddreg [dreg:$0x0];
	s2 =	stileid.u32  }
0x133: {  	s1 =	rddreg [dreg:$0x1];
	p0 =	sne.s32 s2, $0x0  }
0x134: {  	s3 =	rddreg [dreg:$0x2];
	[bflag:$0x3] =	sbarrier.arrive $0xFFFF;
	s2 =	simm.s32 @!p0 $0x1C0A  }
0x135: {  	[timem:s3], [sflag:s2] =	dma.local @!p0 [hbm:s0], s1  }
0x136: {  	s0 =	simm.s32 @!p0 $0xA  }
0x137: {  	_ =	swait.ge @!p0 [sflag:s0], s1  }
0x138: {  	s1 =	ssub.s32 @!p0 $0x0, s1;
	[sflag:s0] =	ssyncset.done @!p0 $0x0  }
0x139: {  	[sflag:s0] =	ssyncadd.s32 @!p0 s1  }
0x13a: {  	[bflag:$0x3] =	sbarrier.arrive $0xFFFF  }
0x13b: {  	_ =	shalt  }

// kernel: kernel.9.cloned.1.call-start
scs
__scs_entry_jumppad:
0x0: {  	(pc) =	sbr.rel $0x88, $3  }
0x1: {  	(tag) =	ssettag $0x0;
	lr =	simm.s32 $0x1  }
0x2: {  	[smem:$0x3F9D] =	sst lr;
	_ =	strace $0xD0000000  }
0x3: {  	_ = 	snop  }
0x4: {  	_ = 	snop  }
0x5: {  	_ = 	snop  }
0x6: {  	_ = 	snop  }
0x7: {  	_ = 	snop  }
__scs_overlays_trampoline_lowered:
0x8: {  	[smem:$0x3FAC] =	sst s0  }
0x9: {  	[smem:$0x3FAD] =	sst s1  }
0xa: {  	[smem:$0x3FAE] =	sst s2  }
0xb: {  	[smem:$0x3FAF] =	sst s3  }
0xc: {  	[smem:$0x3FB0] =	sst s4  }
0xd: {  	[smem:$0x3FB1] =	sst s5  }
0xe: {  	[smem:$0x3FB2] =	sst s6  }
0xf: {  	[smem:$0x3FB3] =	sst s7  }
0x10: {  	[smem:$0x3FB4] =	sst s8  }
0x11: {  	[smem:$0x3FB5] =	sst s9;
	s0 =	simm.s32 @!p0 $0x0  }
0x12: {  	s1 =	sld [smem:$0x3F9B];
	s0 =	simm.s32 @p0 $0x1  }
0x13: {  	[smem:$0x3FB6] =	sst s0;
	s0 =	simm.s32 @!p1 $0x0  }
0x14: {  	s2 =	sld [smem:$0x3F9A];
	s0 =	simm.s32 @p1 $0x1  }
0x15: {  	[smem:$0x3FB7] =	sst s0;
	s0 =	simm.s32 @!p2 $0x0  }
0x16: {  	s3 =	sld [smem:$0x3FDB];
	s0 =	simm.s32 @p2 $0x1  }
0x17: {  	s4 =	simm.s32 $0x1BF5;
	[smem:$0x3FB9] =	sst s0  }
0x18: {  	s0 =	sld [smem:$0x3F9C];
	_ =	swait.ge [sflag:s4], $0x0  }
0x19: {  	s7 =	sld [smem:$0x3F9D]  }
0x1a: {  	s8 =	sadd.s32 $0xFFFFE003, lr  }
0x1b: {  	s9 =	sadd.s32 $0xFFFFFEF7, lr;
	s5 =	simm.s32 $0xFFFFFFFF;
	p2 =	slt.u32 s8, $0xFFFFF086  }
0x1c: {  	p1 =	slt.u32 s9, $0xF7A;
	s5 =	simm.s32 @!p2 $0x0  }
0x1d: {  	s5 =	simm.s32 @p1 $0x1;
	p0 =	seq.s32 s7, s2  }
0x1e: {  	s7 =	smul.u32 @!p0 $0xF7A, s2;
	p2 =	seq.s32 @!p0 s5, $0x0  }
0x1f: {  	s9 =	smul.u32 $0xF7A, s1;
	s8 =	simm.s32 @!p0 $0x1BF5;
	p2 =	por !p2, p0  }
0x20: {  	[sflag:s8] =	ssyncset.s32 @!p0 $0xFFFFF086;
	s6 =	sadd.s32 @!p0 s3, s7;
	s7 =	simm.s32 @!p0 $0x108  }
0x21: {  	s3 =	sadd.s32 s3, s9;
	s6 =	sadd.s32 @!p0 $0x88, s6;
	s7 =	simm.s32 @p2 $0x1082  }
0x22: {  	[simem:s7], [sflag:s8] =	dma.local @!p0 [hbm:s6], $0xF7A  }
0x23: {  	s9 =	sor.u32 $0xD0000000, s2;
	s6 =	simm.s32 $0x108;
	_ =	swait.ge @!p0 [sflag:s8], $0x0  }
0x24: {  	s3 =	sadd.s32 $0x88, s3;
	s6 =	simm.s32 @!p1 $0x1082;
	[sflag:s4] =	ssyncset.s32 $0xFFFFF086  }
0x25: {  	[simem:s6], [sflag:s4] =	dma.local [hbm:s3], $0xF7A  }
0x26: {  	[smem:$0x3F9D] =	sst s1;
	(tag) =	ssettag s2;
	_ =	strace s9  }
0x27: {  	s1 =	sld [smem:$0x3FAD]  }
0x28: {  	s2 =	sld [smem:$0x3FAE]  }
0x29: {  	s4 =	sld [smem:$0x3FB0]  }
0x2a: {  	p0 =	seq.s32 s5, $0x0;
	s5 =	sld [smem:$0x3FB1]  }
0x2b: {  	s6 =	sld [smem:$0x3FB2]  }
0x2c: {  	s7 =	sld [smem:$0x3FB3]  }
0x2d: {  	s3 =	simm.s32 $0x108;
	s8 =	sld [smem:$0x3FB4]  }
0x2e: {  	s3 =	simm.s32 @!p0 $0x1082;
	s9 =	sld [smem:$0x3FB5]  }
0x2f: {  	lr =	sadd.s32 s0, s3;
	s0 =	sld [smem:$0x3FAC]  }
0x30: {  	s3 =	sld [smem:$0x3FAF]  }
0x31: {  	[smem:$0x3FB8] =	sst s10  }
0x32: {  	s10 =	sld [smem:$0x3FB6];
	_ =	sdelay $0x3  }
0x33: {  	p0 =	seq.s32 s10, $0x1;
	s10 =	sld [smem:$0x3FB8];
	_ =	sdelay $0x3  }
0x34: {  	[smem:$0x3FB8] =	sst s10  }
0x35: {  	s10 =	sld [smem:$0x3FB7];
	_ =	sdelay $0x3  }
0x36: {  	p1 =	seq.s32 s10, $0x1;
	s10 =	sld [smem:$0x3FB8];
	_ =	sdelay $0x3  }
0x37: {  	[smem:$0x3FB8] =	sst s10  }
0x38: {  	s10 =	sld [smem:$0x3FB9]  }
0x39: {  	_ = 	snop;
	(pc) =	sbr.ind lr, $3  }
0x3a: {  	_ = 	snop  }
0x3b: {  	_ = 	snop  }
0x3c: {  	p2 =	seq.s32 s10, $0x1;
	s10 =	sld [smem:$0x3FB8]  }
0x3d: {  	_ =	shalt  }
0x3e: {  	_ =	shalt  }
0x3f: {  	_ =	shalt  }
0x40: {  	_ =	shalt  }
0x41: {  	_ =	shalt  }
0x42: {  	_ =	shalt  }
0x43: {  	_ =	shalt  }
0x44: {  	_ =	shalt  }
0x45: {  	_ =	shalt  }
0x46: {  	_ =	shalt  }
0x47: {  	_ =	shalt  }
0x48: {  	_ =	shalt  }
0x49: {  	_ =	shalt  }
0x4a: {  	_ =	shalt  }
0x4b: {  	_ =	shalt  }
0x4c: {  	_ =	shalt  }
0x4d: {  	_ =	shalt  }
0x4e: {  	_ =	shalt  }
0x4f: {  	_ =	shalt  }
0x50: {  	_ =	shalt  }
0x51: {  	_ =	shalt  }
0x52: {  	_ =	shalt  }
0x53: {  	_ =	shalt  }
0x54: {  	_ =	shalt  }
0x55: {  	_ =	shalt  }
0x56: {  	_ =	shalt  }
0x57: {  	_ =	shalt  }
0x58: {  	_ =	shalt  }
0x59: {  	_ =	shalt  }
0x5a: {  	_ =	shalt  }
0x5b: {  	_ =	shalt  }
0x5c: {  	_ =	shalt  }
0x5d: {  	_ =	shalt  }
0x5e: {  	_ =	shalt  }
0x5f: {  	_ =	shalt  }
0x60: {  	_ =	shalt  }
0x61: {  	_ =	shalt  }
0x62: {  	_ =	shalt  }
0x63: {  	_ =	shalt  }
0x64: {  	_ =	shalt  }
0x65: {  	_ =	shalt  }
0x66: {  	_ =	shalt  }
0x67: {  	_ =	shalt  }
0x68: {  	_ =	shalt  }
0x69: {  	_ =	shalt  }
0x6a: {  	_ =	shalt  }
0x6b: {  	_ =	shalt  }
0x6c: {  	_ =	shalt  }
0x6d: {  	_ =	shalt  }
0x6e: {  	_ =	shalt  }
0x6f: {  	_ =	shalt  }
0x70: {  	_ =	shalt  }
0x71: {  	_ =	shalt  }
0x72: {  	_ =	shalt  }
0x73: {  	_ =	shalt  }
0x74: {  	_ =	shalt  }
0x75: {  	_ =	shalt  }
0x76: {  	_ =	shalt  }
0x77: {  	_ =	shalt  }
0x78: {  	_ =	shalt  }
0x79: {  	_ =	shalt  }
0x7a: {  	_ =	shalt  }
0x7b: {  	_ =	shalt  }
0x7c: {  	_ =	shalt  }
0x7d: {  	_ =	shalt  }
0x7e: {  	_ =	shalt  }
0x7f: {  	_ =	shalt  }
0x80: {  	_ =	shalt  }
0x81: {  	_ =	shalt  }
0x82: {  	_ =	shalt  }
0x83: {  	_ =	shalt  }
0x84: {  	_ =	shalt  }
0x85: {  	_ =	shalt  }
0x86: {  	_ =	shalt  }
0x87: {  	_ =	shalt  }
.Lfunc_end0:
.L_simem_size_0:
called_computation.1_lowered:
.L_overlay_start_0:
0x88: {  	s2 =	sld [smem:$0x3FD9]  }
0x89: {  	s3 =	sld [smem:$0x3FFE];
	_ =	sdelay $0x1  }
0x8a: {  	s1 =	srdreg.scid  }
0x8b: {  	s0 =	sand.u32 $0x1, s1  }
0x8c: {  	s17 =	sshll.u32 s0, $0xA;
	s2 =	sadd.s32 s3, s2  }
0x8d: {  	s2 =	sadd.s32 s2, s17  }
0x8e: {  	[smem:$0x3FC4] =	sst s2  }
0x8f: {  	_ = 	snop  }
0x90: {  	s2 =	sld [smem:$0x3FC8]  }
0x91: {  	s18 =	sld [smem:$0x3FD0];
	(tm) =	ssettm $0x1  }
0x92: {  	s4 =	sld [smem:$0x3FFB];
	_ =	sdelay $0x3  }
0x93: {  	_ =	strace s4  }
0x94: {  	s4 =	sld [smem:$0x3FFC];
	_ =	sdelay $0x3  }
0x95: {  	_ =	strace s4  }
0x96: {  	s4 =	sld [smem:$0x3FFD];
	_ =	sdelay $0x3  }
0x97: {  	_ =	strace s4  }
0x98: {  	_ =	strace $0x8FFFFFFF  }
0x99: {  	s19 =	sld [smem:$0x3FDB];
	_ =	sdelay $0x1  }
0x9a: {  	s5 =	simm.s32 $_scs_section_size  }
0x9b: {  	s6 =	simm.s32 $_size__tile_overlayer_lowered;
	s7 =	simm.s32 $_tile_overlayer_lowered  }
0x9c: {  	s22 =	simm.s32 $0x1BFF;
	s21 =	sshll.u32 s7, $0x1;
	s4 =	sadd.s32 s5, s19  }
0x9d: {  	s8 =	simm.s32 $0x0;
	s20 =	sshll.u32 s6, $0x1;
	s6 =	sadd.s32 s21, s4  }
0x9e: {  	[timem:s8], [sflag:s22] =	dma.local [hbm:s6], s20  }
0x9f: {  	_ =	swait.ge [sflag:s22], s20  }
0xa0: {  	s5 =	ssub.s32 $0x0, s20;
	[sflag:s22] =	ssyncset.done $0x0  }
0xa1: {  	[sflag:s22] =	ssyncadd.s32 s5;
	_ =	sdelay $0x1  }
0xa2: {  	s23 =	simm.s32 $0x1B8B  }
0xa3: {  	_ =	swait.ge [sflag:s23], $0x1  }
0xa4: {  	[sflag:s23] =	ssyncset.done $0x0  }
0xa5: {  	s25 =	simm.s32 $0x1B8E;
	s24 =	sld [smem:$0x3FFE];
	[sflag:s23] =	ssyncadd.s32 $0xFFFFFFFF  }
0xa6: {  	s26 =	simm.s32 $execute0_lowered;
	[smem:$0x3FD2] =	sst s25  }
0xa7: {  	s6 =	sshll.u32 s26, $0x1;
	_ =	strace $0x80000049;
	[dreg:$0x1] =	wrdreg $0xFFFFFFFF  }
0xa8: {  	s28 =	simm.s32 $_size_execute0_lowered;
	s4 =	sadd.s32 s4, s6;
	[dreg:$0x0] =	wrdreg $0x0  }
0xa9: {  	s6 =	sshll.u32 s28, $0x1;
	[dreg:$0x2] =	wrdreg s4  }
0xaa: {  	[dreg:$0x3] =	wrdreg s6  }
0xab: {  	[dreg:$0x4] =	wrdreg $0xC0  }
0xac: {  	_ =	task [dreg:s8], $0x5FFFF  }
0xad: {  	[dreg:$0x1] =	wrdreg $0xFFFFFFFF  }
0xae: {  	[dreg:$0x0] =	wrdreg $0x60  }
0xaf: {  	[dreg:$0x2] =	wrdreg s24  }
0xb0: {  	[dreg:$0x3] =	wrdreg s2  }
0xb1: {  	[dreg:$0x4] =	wrdreg s18  }
0xb2: {  	[dreg:$0x5] =	wrdreg $0x0  }
0xb3: {  	[dreg:$0x6] =	wrdreg $0x9  }
0xb4: {  	_ =	task.clear_ibuf [dreg:s8], $0x7FFFF;
	_ =	strace $0x90000049  }
0xb5: {  	s29 =	simm.s32 $0x9;
	_ =	strace $0x8000004B  }
0xb6: {  	_ =	swait.ge [sflag:s29], $0x1  }
0xb7: {  	[sflag:s29] =	ssyncadd.s32 $0xFFFFFFFF  }
0xb8: {  	_ =	strace $0x9000004B  }
0xb9: {  	_ =	sfence  }
0xba: {  	s30 =	sld [smem:$0x0];
	_ =	sdelay $0x2  }
0xbb: {  	s31 =	sshll.u32 s1, $0xD;
	s1 =	sshrl.u32 s1, $0x2  }
0xbc: {  	s3 =	sand.u32 $0x4000, s31;
	s1 =	sadd.s32 s1, s30  }
0xbd: {  	s0 =	sor.u32 s3, s0;
	s1 =	sshll.u32 s1, $0x11  }
0xbe: {  	s0 =	sor.u32 s1, s0  }
0xbf: {  	s0 =	sadd.s32 $0x8F2B, s0  }
0xc0: {  	[sflag:s0] =	ssyncadd.remote.s32 $0x1  }
0xc1: {  	_ =	sfence.sel $0xFFFF  }
0xc2: {  	[dreg:$0x0] =	wrdreg $0xFFFFFFFF;
	(pc) =	sbr.abs _section_cstart, $3  }
0xc3: {  	[dreg:$0x1] =	wrdreg $0xFFFFFFFF  }
0xc4: {  	_ =	task.clear_ibuf [dreg:s8], $0x2FFFF;
	_ =	strace $0x9FFFFFFF  }
0xc5: {  	(tm) =	ssettm $0x7FFFFFFF  }
tec
execute0_lowered:
.L_overlay_start_1:
0x0: {  	(tag) =	ssettag $0x1  }
0x1: {  	s3 =	rddreg [dreg:$0x0]  }
0x2: {  	s0 =	rddreg [dreg:$0x1]  }
0x3: {  	s5 =	rddreg [dreg:$0x2]  }
0x4: {  	s1 =	rddreg [dreg:$0x3];
	s2 =	simm.s32 $0x0  }
0x5: {  	s6 =	srdreg.scid;
	s11 =	stileid.u32;
	s28 =	simm.s32 $0x1  }
0x6: {  	s29 =	simm.s32 $0x80;
	s30 =	simm.s32 $0x5;
	s31 =	simm.s32 $0x6  }
0x7: {  	[smem:$0x7FF] =	sst s2;
	s4 =	sadd.s32 $0x1800, s3;
	s8 =	sand.u32 $0x1, s6  }
0x8: {  	s9 =	smul.u32 $0x50000, s11;
	s3 =	sadd.s32 $0x28A00, s3;
	s12 =	sadd.s32 $0x12C000, s1  }
0x9: {  	s20 =	sadd.s32 $0x130000, s1;
	_ =	strace $0x8000004A;
	[dreg:$0x11] =	wrdreg s3  }
0xa: {  	s21 =	sadd.s32 $0x134000, s1;
	s22 =	sadd.s32 $0x138000, s1;
	[dreg:$0x16] =	wrdreg s20  }
0xb: {  	s15 =	smul.u32 $0xA00, s11;
	s7 =	ssub.s32 $0x2, s8;
	[dreg:$0x17] =	wrdreg s21  }
0xc: {  	s6 =	sshll.u32 s8, $0x4;
	[dreg:$0x18] =	wrdreg s22;
	s20 =	smul.u32 $0x50000, s8  }
0xd: {  	s22 =	smul.u32 $0x5000, s11;
	s16 =	sshrl.u32 s7, $0x1;
	s10 =	sor.u32 s11, s6  }
0xe: {  	s6 =	simm.s32 $0x14;
	s9 =	sshrl.u32 s9, $0x2;
	p0 =	seq.s32 s10, $0x1F  }
0xf: {  	s3 =	ssub.s32 s7, s16;
	s7 =	sadd.s32 s9, s1;
	s16 =	smul.u32 $0xA00, s10  }
0x10: {  	s20 =	sadd.s32 s22, s20;
	s6 =	simm.s32 @!p0 $0x50;
	s9 =	sadd.s32 $0x4000, s7  }
0x11: {  	s17 =	sadd.s32 $0x8000, s7;
	s18 =	sadd.s32 $0xC000, s7;
	[dreg:$0x12] =	wrdreg s9  }
0x12: {  	s19 =	sadd.s32 $0x10000, s7;
	s26 =	sor.u32 $0x500, s20;
	[dreg:$0x13] =	wrdreg s17  }
0x13: {  	s13 =	sor.u32 $0x600, s20;
	s20 =	sor.u32 $0x400, s20;
	[dreg:$0x14] =	wrdreg s18  }
0x14: {  	p0 =	seq.s32 s11, $0xF;
	[dreg:$0x15] =	wrdreg s19;
	s18 =	smul.u32 $0x138800, s8  }
0x15: {  	s19 =	smul.u32 $0x14000, s11;
	s16 =	sadd.s32 s0, s16;
	s23 =	sadd.s32 $0xFFFFFFFC, s6  }
0x16: {  	s24 =	sadd.s32 $0xFFFFFFFB, s6;
	s25 =	sadd.s32 $0xFFFFFFFA, s6;
	[dreg:$0x5] =	wrdreg s23  }
0x17: {  	s9 =	sshll.u32 s6, $0x5;
	s14 =	sshrl.u32 s13, $0x3;
	[dreg:$0x6] =	wrdreg s24  }
0x18: {  	s8 =	smul.u32 $0xA000, s8;
	s20 =	sshrl.u32 s20, $0x3;
	[dreg:$0x7] =	wrdreg s25  }
0x19: {  	s17 =	sadd.s32 $0x20, s16;
	[dreg:$0x8] =	wrdreg s9;
	s23 =	simm.s32 $0x13900  }
0x1a: {  	s24 =	simm.s32 $0x13A00;
	s25 =	simm.s32 $0x13B00;
	[dreg:$0xd] =	wrdreg s23  }
0x1b: {  	s19 =	sadd.s32 s19, s18;
	s21 =	sshrl.u32 s18, $0x3;
	[dreg:$0xe] =	wrdreg s24  }
0x1c: {  	s8 =	sadd.s32 s8, s0;
	s23 =	simm.s32 $0x9;
	[dreg:$0xf] =	wrdreg s25  }
0x1d: {  	s24 =	simm.s32 $0x13880;
	s25 =	simm.s32 $0x8;
	s19 =	sshrl.u32 s19, $0x3  }
0x1e: {  	s8 =	sadd.s32 s15, s8;
	s18 =	sadd.s32 s5, s19;
	s5 =	sadd.s32 s5, s21  }
0x1f: {  	s21 =	sshrl.u32 s26, $0x3;
	s19 =	sadd.s32 s14, s0;
	s22 =	sadd.s32 $0x60, s8  }
0x20: {  	s26 =	simm.s32 $0x13C00;
	s10 =	sadd.s32 s21, s0;
	[dreg:$0xa] =	wrdreg s19  }
0x21: {  	s19 =	sadd.s32 $0x40, s16;
	s0 =	sadd.s32 s20, s0;
	[dreg:$0xc] =	wrdreg s22  }
0x22: {  	s20 =	sadd.s32 $0x25800, s5;
	s21 =	smax.u32 s3, $0x1;
	[dreg:$0x10] =	wrdreg s26  }
0x23: {  	s22 =	simm.s32 $0x13C80;
	s3 =	simm.s32 $0x7;
	[dreg:$0x9] =	wrdreg s10  }
0x24: {  	s26 =	simm.s32 $0x0;
	[dreg:$0xb] =	wrdreg s0;
	s0 =	simm.s32 $0x17C80  }
.LBB2_1:
0x25: {  	s5 =	rddreg [dreg:$0x11]  }
0x26: {  	[tilespmem:s22], [sflag:$0x9] =	stream.linear.gather [hbm4b:s5+s2], $0x4000, $0x38;
	[tilespmem:$0x1BC80] =	vst v63  }
0x27: {  	_ =	swait.ge [sflag:s23], $0x4000  }
0x28: {  	[sflag:s23] =	ssyncset.done $0x0  }
0x29: {  	s8 =	simm.s32 @p0 $0x9;
	s5 =	simm.s32 @p0 $0x13C80;
	[sflag:s23] =	ssyncadd.s32 $0xFFFFC000  }
0x2a: {  	[spmem:s12] =	stream.linear.scatter @p0 [tilespmem:s5], [sflag:$0x9], $0x4000, $0x38;
	[tilespmem:$0x1BC80] =	vst v63  }
0x2b: {  	_ =	swait.ge @p0 [sflag:s8], $0x4000  }
0x2c: {  	[sflag:s8] =	ssyncset.done @p0 $0x0  }
0x2d: {  	s9 =	rddreg [dreg:$0x16];
	[sflag:s8] =	ssyncadd.s32 @p0 $0xFFFFC000  }
0x2e: {  	[spmem:s9] =	stream.linear.scatter @p0 [tilespmem:s5], [sflag:$0x9], $0x4000, $0x38;
	[tilespmem:$0x1BC80] =	vst v63  }
0x2f: {  	_ =	swait.ge @p0 [sflag:s8], $0x4000  }
0x30: {  	[sflag:s8] =	ssyncset.done @p0 $0x0  }
0x31: {  	s9 =	rddreg [dreg:$0x17];
	[sflag:s8] =	ssyncadd.s32 @p0 $0xFFFFC000  }
0x32: {  	[spmem:s9] =	stream.linear.scatter @p0 [tilespmem:s5], [sflag:$0x9], $0x4000, $0x38;
	[tilespmem:$0x1BC80] =	vst v63  }
0x33: {  	_ =	swait.ge @p0 [sflag:s8], $0x4000  }
0x34: {  	[sflag:s8] =	ssyncset.done @p0 $0x0  }
0x35: {  	s9 =	rddreg [dreg:$0x18];
	[sflag:s8] =	ssyncadd.s32 @p0 $0xFFFFC000  }
0x36: {  	[spmem:s9] =	stream.linear.scatter @p0 [tilespmem:s5], [sflag:$0x9], $0x800, $0x38;
	[tilespmem:$0x1BC80] =	vst v63  }
0x37: {  	_ =	swait.ge @p0 [sflag:s8], $0x800  }
0x38: {  	[sflag:s8] =	ssyncset.done @p0 $0x0  }
0x39: {  	s5 =	simm.s32 @!p0 $0x13C80;
	[sflag:s8] =	ssyncadd.s32 @p0 $0xFFFFF800;
	s8 =	simm.s32 @!p0 $0x9  }
0x3a: {  	[spmem:s7] =	stream.linear.scatter @!p0 [tilespmem:s5], [sflag:$0x9], $0x4000, $0x38;
	[tilespmem:$0x1BC80] =	vst v63  }
0x3b: {  	_ =	swait.ge @!p0 [sflag:s8], $0x4000  }
0x3c: {  	[sflag:s8] =	ssyncset.done @!p0 $0x0  }
0x3d: {  	s9 =	rddreg [dreg:$0x12];
	[sflag:s8] =	ssyncadd.s32 @!p0 $0xFFFFC000  }
0x3e: {  	[spmem:s9] =	stream.linear.scatter @!p0 [tilespmem:s5], [sflag:$0x9], $0x4000, $0x38;
	[tilespmem:$0x1BC80] =	vst v63  }
0x3f: {  	_ =	swait.ge @!p0 [sflag:s8], $0x4000  }
0x40: {  	[sflag:s8] =	ssyncset.done @!p0 $0x0  }
0x41: {  	s9 =	rddreg [dreg:$0x13];
	[sflag:s8] =	ssyncadd.s32 @!p0 $0xFFFFC000  }
0x42: {  	[spmem:s9] =	stream.linear.scatter @!p0 [tilespmem:s5], [sflag:$0x9], $0x4000, $0x38;
	[tilespmem:$0x1BC80] =	vst v63  }
0x43: {  	_ =	swait.ge @!p0 [sflag:s8], $0x4000  }
0x44: {  	[sflag:s8] =	ssyncset.done @!p0 $0x0  }
0x45: {  	s9 =	rddreg [dreg:$0x14];
	[sflag:s8] =	ssyncadd.s32 @!p0 $0xFFFFC000  }
0x46: {  	[spmem:s9] =	stream.linear.scatter @!p0 [tilespmem:s5], [sflag:$0x9], $0x4000, $0x38;
	[tilespmem:$0x1BC80] =	vst v63  }
0x47: {  	_ =	swait.ge @!p0 [sflag:s8], $0x4000  }
0x48: {  	[sflag:s8] =	ssyncset.done @!p0 $0x0  }
0x49: {  	s9 =	rddreg [dreg:$0x15];
	[sflag:s8] =	ssyncadd.s32 @!p0 $0xFFFFC000  }
0x4a: {  	[spmem:s9] =	stream.linear.scatter @!p0 [tilespmem:s5], [sflag:$0x9], $0x4000, $0x38;
	[tilespmem:$0x1BC80] =	vst v63  }
0x4b: {  	_ =	swait.ge @!p0 [sflag:s8], $0x4000  }
0x4c: {  	[sflag:s8] =	ssyncset.done @!p0 $0x0  }
0x4d: {  	[sflag:s8] =	ssyncadd.s32 @!p0 $0xFFFFC000  }
0x4e: {  	[bflag:$0x0] =	sbarrier.arrive $0xFFFF  }
0x4f: {  	[tilespmem:s24], [sflag:$0x1] =	stream.linear.gather [hbm4b:s16+s2], $0x100, $0x38;
	[tilespmem:$0x1BC80] =	vst v63  }
0x50: {  	s14 =	simm.s32 $0x13980  }
0x51: {  	[tilespmem:s14], [sflag:$0x2] =	stream.linear.gather [hbm4b:s17+s2], $0x100, $0x38;
	[tilespmem:$0x1BC80] =	vst v63  }
0x52: {  	s15 =	simm.s32 $0x13A80  }
0x53: {  	[tilespmem:s15], [sflag:$0x3] =	stream.linear.gather [hbm4b:s19+s2], $0x100, $0x38;
	[tilespmem:$0x1BC80] =	vst v63  }
0x54: {  	_ =	swait.ge [sflag:s28], $0x100  }
0x55: {  	[sflag:s28] =	ssyncset.done $0x0  }
0x56: {  	s5 =	simm.s32 $0x0;
	s8 =	simm.s32 $0x0;
	[sflag:s28] =	ssyncadd.s32 $0xFFFFFF00  }
0x57: {  	[tilespmem:s22], [sflag:$0x5] =	stream.indirect.gather [hbm4b:s4+s29], $0x80, s24, s29, $0xb8;
	[tilespmem:$0x1BC80] =	vst v63  }
.LBB2_2:
0x58: {  	s9 =	sadd.s32 $0x1, s5  }
0x59: {  	p1 =	sge.u32 s9, s6  }
0x5a: {  	p2 =	seq.s32 @!p1 s8, $0x0  }
0x5b: {  	p2 =	por p2, p1  }
0x5c: {  	s9 =	simm.s32 @!p2 $0x8  }
0x5d: {  	_ =	swait.ge @!p2 [sflag:s9], $0x4000  }
0x5e: {  	[sflag:s9] =	ssyncset.done @!p2 $0x0  }
0x5f: {  	[sflag:s9] =	ssyncadd.s32 @!p2 $0xFFFFC000;
	s9 =	simm.s32 @!p1 $0x2  }
0x60: {  	_ =	swait.ge @!p1 [sflag:s9], $0x100  }
0x61: {  	s13 =	sadd.s32 $0x3, s5;
	s10 =	simm.s32 @!p1 $0x13980;
	[sflag:s9] =	ssyncset.done @!p1 $0x0  }
0x62: {  	s11 =	simm.s32 @!p1 $0x17C80;
	[sflag:s9] =	ssyncadd.s32 @!p1 $0xFFFFFF00;
	s9 =	simm.s32 @!p1 $0x80  }
0x63: {  	[tilespmem:s11], [sflag:$0x6] =	stream.indirect.gather @!p1 [hbm4b:s4+s9], $0x80, s10, s9, $0xb8;
	[tilespmem:$0x1BC80] =	vst v63  }
0x64: {  	s9 =	rddreg [dreg:$0xc];
	p1 =	sge.u32 s13, s6  }
0x65: {  	s9 =	sadd.s32 @!p1 s8, s9;
	s10 =	simm.s32 @!p1 $0x0;
	s11 =	simm.s32 @!p1 $0x13B80  }
0x66: {  	[tilespmem:s11], [sflag:$0x4] =	stream.linear.gather @!p1 [hbm4b:s9+s10], $0x100, $0x38;
	[tilespmem:$0x1BC80] =	vst v63  }
0x67: {  	s15 =	sadd.s32 $0x2, s5;
	_ =	swait.ge [sflag:s30], $0x4000  }
0x68: {  	p2 =	sge.u32 s15, s6;
	[sflag:s30] =	ssyncset.done $0x0  }
0x69: {  	s9 =	simm.s32 @!p2 $0x7;
	s14 =	rddreg [dreg:$0xd];
	[sflag:s30] =	ssyncadd.s32 $0xFFFFC000  }
0x6a: {  	[spmem:s1] =	stream.indirect.scatter.add.f32 [tilespmem:s22], [sflag:$0x7], $0x80, s14, s29, $0xb8;
	[tilespmem:$0x1BC80] =	vst v63  }
0x6b: {  	_ =	swait.ge @!p2 [sflag:s9], $0x4000  }
0x6c: {  	[sflag:s9] =	ssyncset.done @!p2 $0x0  }
0x6d: {  	[sflag:s9] =	ssyncadd.s32 @!p2 $0xFFFFC000;
	s9 =	simm.s32 @!p2 $0x3  }
0x6e: {  	_ =	swait.ge @!p2 [sflag:s9], $0x100  }
0x6f: {  	s13 =	simm.s32 @!p2 $0x13A80;
	s14 =	simm.s32 @!p2 $0x13C80;
	[sflag:s9] =	ssyncset.done @!p2 $0x0  }
0x70: {  	s10 =	rddreg [dreg:$0x5];
	[sflag:s9] =	ssyncadd.s32 @!p2 $0xFFFFFF00;
	s9 =	simm.s32 @!p2 $0x80  }
0x71: {  	[tilespmem:s14], [sflag:$0x5] =	stream.indirect.gather @!p2 [hbm4b:s4+s9], $0x80, s13, s9, $0xb8;
	[tilespmem:$0x1BC80] =	vst v63  }
0x72: {  	s15 =	rddreg [dreg:$0xb];
	p2 =	sge.u32 s5, s10  }
0x73: {  	s9 =	sadd.s32 @!p2 s8, s15;
	s10 =	simm.s32 @!p2 $0x0;
	s13 =	simm.s32 @!p2 $0x13880  }
0x74: {  	[tilespmem:s13], [sflag:$0x1] =	stream.linear.gather @!p2 [hbm4b:s9+s10], $0x100, $0x38;
	[tilespmem:$0x1BC80] =	vst v63  }
0x75: {  	_ =	swait.ge [sflag:s31], $0x4000  }
0x76: {  	[sflag:s31] =	ssyncset.done $0x0  }
0x77: {  	s9 =	simm.s32 @!p1 $0x8;
	s10 =	rddreg [dreg:$0xe];
	[sflag:s31] =	ssyncadd.s32 $0xFFFFC000  }
0x78: {  	[spmem:s1] =	stream.indirect.scatter.add.f32 [tilespmem:s0], [sflag:$0x8], $0x80, s10, s29, $0xb8;
	[tilespmem:$0x1BC80] =	vst v63  }
0x79: {  	_ =	swait.ge @!p1 [sflag:s9], $0x4000  }
0x7a: {  	[sflag:s9] =	ssyncset.done @!p1 $0x0  }
0x7b: {  	[sflag:s9] =	ssyncadd.s32 @!p1 $0xFFFFC000;
	s9 =	simm.s32 @!p1 $0x4  }
0x7c: {  	_ =	swait.ge @!p1 [sflag:s9], $0x100  }
0x7d: {  	s14 =	simm.s32 @!p1 $0x17C80;
	[sflag:s9] =	ssyncset.done @!p1 $0x0  }
0x7e: {  	s10 =	simm.s32 @!p1 $0x80;
	[sflag:s9] =	ssyncadd.s32 @!p1 $0xFFFFFF00;
	s9 =	rddreg [dreg:$0x6]  }
0x7f: {  	[tilespmem:s14], [sflag:$0x6] =	stream.indirect.gather @!p1 [hbm4b:s4+s10], $0x80, s11, s10, $0xb8;
	[tilespmem:$0x1BC80] =	vst v63  }
0x80: {  	s15 =	rddreg [dreg:$0x9];
	p1 =	sge.u32 s5, s9  }
0x81: {  	s9 =	sadd.s32 @!p1 s8, s15;
	s10 =	simm.s32 @!p1 $0x0;
	s11 =	simm.s32 @!p1 $0x13980  }
0x82: {  	[tilespmem:s11], [sflag:$0x2] =	stream.linear.gather @!p1 [hbm4b:s9+s10], $0x100, $0x38;
	[tilespmem:$0x1BC80] =	vst v63  }
0x83: {  	_ =	swait.ge [sflag:s30], $0x4000  }
0x84: {  	[sflag:s30] =	ssyncset.done $0x0  }
0x85: {  	s9 =	simm.s32 @!p2 $0x7;
	s14 =	rddreg [dreg:$0xf];
	[sflag:s30] =	ssyncadd.s32 $0xFFFFC000  }
0x86: {  	[spmem:s1] =	stream.indirect.scatter.add.f32 [tilespmem:s22], [sflag:$0x7], $0x80, s14, s29, $0xb8;
	[tilespmem:$0x1BC80] =	vst v63  }
0x87: {  	_ =	swait.ge @!p2 [sflag:s9], $0x4000  }
0x88: {  	[sflag:s9] =	ssyncset.done @!p2 $0x0  }
0x89: {  	[sflag:s9] =	ssyncadd.s32 @!p2 $0xFFFFC000;
	s9 =	simm.s32 @!p2 $0x1  }
0x8a: {  	s10 =	simm.s32 @!p2 $0x80;
	_ =	swait.ge @!p2 [sflag:s9], $0x100  }
0x8b: {  	s11 =	simm.s32 @!p2 $0x13C80;
	[sflag:s9] =	ssyncset.done @!p2 $0x0;
	s15 =	rddreg [dreg:$0x7]  }
0x8c: {  	s14 =	rddreg [dreg:$0xa];
	[sflag:s9] =	ssyncadd.s32 @!p2 $0xFFFFFF00;
	p1 =	sge.u32 s5, s15  }
0x8d: {  	[tilespmem:s11], [sflag:$0x5] =	stream.indirect.gather @!p2 [hbm4b:s4+s10], $0x80, s13, s10, $0xb8;
	[tilespmem:$0x1BC80] =	vst v63  }
0x8e: {  	s9 =	sadd.s32 @!p1 s8, s14;
	s10 =	simm.s32 @!p1 $0x0;
	s11 =	simm.s32 @!p1 $0x13A80  }
0x8f: {  	[tilespmem:s11], [sflag:$0x3] =	stream.linear.gather @!p1 [hbm4b:s9+s10], $0x100, $0x38;
	[tilespmem:$0x1BC80] =	vst v63  }
0x90: {  	_ =	swait.ge [sflag:s31], $0x4000  }
0x91: {  	s8 =	sadd.s32 $0x80, s8;
	s15 =	rddreg [dreg:$0x8]  }
0x92: {  	p1 =	sne.s32 s15, s8  }
.Ltmp0:
0x93: {  	_ = 	snop;
	(pc) =	sbr.rel @p1 .LBB2_2-.Ltmp0, $4  }
0x94: {  	_ = 	snop  }
0x95: {  	[sflag:s31] =	ssyncset.done $0x0  }
0x96: {  	s5 =	sadd.s32 $0x4, s5;
	s14 =	rddreg [dreg:$0x10];
	[sflag:s31] =	ssyncadd.s32 $0xFFFFC000  }
0x97: {  	[spmem:s1] =	stream.indirect.scatter.add.f32 [tilespmem:s0], [sflag:$0x8], $0x80, s14, s29, $0xb8;
	[tilespmem:$0x1BC80] =	vst v63  }
0x98: {  	_ =	swait.ge [sflag:s3], $0x4000  }
0x99: {  	[sflag:s3] =	ssyncset.done $0x0  }
0x9a: {  	[sflag:s3] =	ssyncadd.s32 $0xFFFFC000  }
0x9b: {  	_ =	swait.ge [sflag:s25], $0x4000  }
0x9c: {  	[sflag:s25] =	ssyncset.done $0x0  }
0x9d: {  	[sflag:s25] =	ssyncadd.s32 $0xFFFFC000  }
0x9e: {  	s5 =	sshrl.u32 @p0 s12, $0x3;
	s8 =	simm.s32 @p0 $0x1FC9;
	[bflag:$0x0] =	sbarrier.arrive $0xFFFF  }
0x9f: {  	[hbm:s20], [sflag:s8] =	dma.local @p0 [spmem:s5], $0x1900  }
0xa0: {  	s5 =	simm.s32 @p0 $0x9  }
0xa1: {  	s26 =	sadd.s32 $0x1, s26;
	s8 =	stileid.u32;
	_ =	swait.ge @p0 [sflag:s5], $0x1900  }
0xa2: {  	p1 =	sne.s32 s26, s21;
	s8 =	sshll.u32 @!p0 s8, $0x6;
	[sflag:s5] =	ssyncset.done @p0 $0x0  }
0xa3: {  	[sflag:s5] =	ssyncadd.s32 @p0 $0xFFFFE700;
	s5 =	sor.u32 @!p0 $0x1C09, s8;
	s8 =	sshrl.u32 @!p0 s7, $0x3  }
0xa4: {  	[hbm:s18], [sflag:s5] =	dma.local @!p0 [spmem:s8], $0x2800  }
.Ltmp1:
0xa5: {  	_ = 	snop;
	(pc) =	sbr.rel @p1 .LBB2_1-.Ltmp1, $4  }
0xa6: {  	s5 =	simm.s32 @!p0 $0x9  }
0xa7: {  	_ =	swait.ge @!p0 [sflag:s5], $0x2800  }
0xa8: {  	[sflag:s5] =	ssyncset.done @!p0 $0x0  }
0xa9: {  	[sflag:s5] =	ssyncadd.s32 @!p0 $0xFFFFD800  }
0xaa: {  	_ =	sfence.sel $0x180000  }
0xab: {  	[bflag:$0x0] =	sbarrier.arrive $0xFFFF  }
0xac: {  	_ =	strace $0x9000004A  }
0xad: {  	s0 =	stileid.u32;
	[bflag:$0x2] =	sbarrier.arrive $0xFFFF  }
0xae: {  	p0 =	sne.s32 s0, $0x0;
	s0 =	rddreg [dreg:$0x4]  }
0xaf: {  	s0 =	sadd.s32 @!p0 $0x100000, s0  }
0xb0: {  	[sflag:s0] =	ssyncadd.tile.s32 @!p0 $0x1;
	_ =	shalt  }
.Lfunc_end2:
_tile_overlayer_lowered:
.L_overlay_start_2:
0xb1: {  	(tag) =	ssettag $0x2  }
0xb2: {  	s0 =	rddreg [dreg:$0x0];
	s2 =	stileid.u32  }
0xb3: {  	s1 =	rddreg [dreg:$0x1];
	p0 =	sne.s32 s2, $0x0  }
0xb4: {  	s3 =	rddreg [dreg:$0x2];
	[bflag:$0x3] =	sbarrier.arrive $0xFFFF;
	s2 =	simm.s32 @!p0 $0x1C09  }
0xb5: {  	[timem:s3], [sflag:s2] =	dma.local @!p0 [hbm:s0], s1  }
0xb6: {  	s0 =	simm.s32 @!p0 $0x9  }
0xb7: {  	_ =	swait.ge @!p0 [sflag:s0], s1  }
0xb8: {  	s1 =	ssub.s32 @!p0 $0x0, s1;
	[sflag:s0] =	ssyncset.done @!p0 $0x0  }
0xb9: {  	[sflag:s0] =	ssyncadd.s32 @!p0 s1  }
0xba: {  	[bflag:$0x3] =	sbarrier.arrive $0xFFFF  }
0xbb: {  	_ =	shalt  }

</sc_bundles>
